<compile_context>
chip_gen: v7x
topology: tpu7x:2x2x1
jax: 0.10.2.dev20260603
libtpu: 0.0.44.dev20260713+nightly
codegen_flags: <defaults>
</compile_context>

<pallas_src>
import functools

import jax
import jax.numpy as jnp
import numpy as np
from jax import lax
from jax.experimental import pallas as pl
from jax.experimental.pallas import tpu as pltpu
from jax.experimental.pallas import tpu_sc as plsc

_HIERA_MAP = [0, 0, 1, 1, 1, 2, 2, 2, 3, 3, 4, 5, 5, 6, 6, 6, 6, 6, 6]
_HIERA_INDEX = [[0, 2], [2, 5], [5, 8], [8, 10], [10, 11], [11, 13], [13, 19]]
_NCLS = 19
_K = 200
_C = 96
_FT_W = 128
_LAB_H = 512
_H = 128
_B = 8
_NPIX = _B * _H * _H
_CHUNK = 2048
_NCHUNK = _NPIX // _CHUNK
_L = 16

_A0, _P0, _N0, _M0 = 0, 256, 512, 768
_PACK_W = 1024

_TAB = np.zeros((128,), np.int32)
for _i in range(_NCLS):
    _TAB[_i] = _HIERA_INDEX[_HIERA_MAP[_i]][0]
    _TAB[24 + _i] = _HIERA_INDEX[_HIERA_MAP[_i]][1]
_CAP_SLOT = 48


def _transpose_body(x_ref, o_ref):
    x = x_ref[0]
    eye = jnp.eye(_C, _FT_W, dtype=jnp.float32)
    y = lax.dot_general(x, eye, (((0,), (0,)), ((), ())),
                        preferred_element_type=jnp.float32)
    o_ref[...] = y.reshape(1024, _FT_W)


def _transpose_feats(feats):
    return pl.pallas_call(
        _transpose_body,
        grid=(_B, _H // 8),
        in_specs=[pl.BlockSpec((1, _C, 8, 128), lambda b, h: (b, 0, h, 0))],
        out_specs=pl.BlockSpec((1024, _FT_W),
                               lambda b, h: (b * (_H // 8) + h, 0)),
        out_shape=jax.ShapeDtypeStruct((_NPIX, _FT_W), jnp.float32),
    )(feats)


def _mesh():
    return plsc.VectorSubcoreMesh(core_axis_name="c", subcore_axis_name="s",
                                  num_cores=2, num_subcores=16)


def _scan_body(labels_hbm, tab_hbm, out_hbm, labbuf, packbuf, tabv):
    cls = lax.axis_index("s") * 2 + lax.axis_index("c")

    @pl.when(cls < _NCLS)
    def _work():
        pltpu.sync_copy(tab_hbm, tabv)
        clsv = jnp.full((_L,), cls, jnp.int32)
        r0v = plsc.load_gather(tabv, [clsv])
        r1v = plsc.load_gather(tabv, [clsv + 24])
        lane = lax.iota(jnp.int32, _L)

        zv = jnp.zeros((_L,), jnp.int32)

        def zbody(i, _):
            packbuf[pl.ds(i * _L, _L)] = zv
            return 0

        lax.fori_loop(0, _PACK_W // _L, zbody, 0)

        grp_span = jnp.min(r1v) - jnp.min(r0v)

        @pl.when(grp_span > 1)
        def _heavy():
            def cond(st):
                chunk, pa, pp, pn = st
                return (chunk < _NCHUNK) & ((pa < _K) | (pp < _K) | (pn < _K))

            def body(st):
                chunk, pa, pp, pn = st
                b = chunk // 8
                cb = chunk % 8
                pltpu.sync_copy(labels_hbm.at[b, pl.ds(cb * 64, 64), :],
                                labbuf)
                base = chunk * _CHUNK

                def vec(j, carry):
                    pa, pp, pn = carry
                    r = j // 8
                    k = j % 8
                    rowv = jnp.full((_L,), r * 4, jnp.int32)
                    colv = k * 64 + lane * 4
                    v = plsc.load_gather(labbuf, [rowv, colv])
                    gidx = base + j * _L + lane
                    am = v == clsv
                    inr = (v >= r0v) & (v < r1v)
                    pm = inr & jnp.logical_not(am)
                    nm = jnp.logical_not(inr)

                    @pl.when(pa < _K)
                    def _():
                        plsc.store_compressed(packbuf.at[pl.ds(_A0 + pa, _L)],
                                              gidx, mask=am)

                    @pl.when(pp < _K)
                    def _():
                        plsc.store_compressed(packbuf.at[pl.ds(_P0 + pp, _L)],
                                              gidx, mask=pm)

                    @pl.when(pn < _K)
                    def _():
                        plsc.store_compressed(packbuf.at[pl.ds(_N0 + pn, _L)],
                                              gidx, mask=nm)

                    pa = pa + jnp.sum(am.astype(jnp.int32))
                    pp = pp + jnp.sum(pm.astype(jnp.int32))
                    pn = pn + jnp.sum(nm.astype(jnp.int32))
                    return (pa, pp, pn)

                pa, pp, pn = lax.fori_loop(0, _CHUNK // _L, vec, (pa, pp, pn))
                return (chunk + 1, pa, pp, pn)

            _, pa, pp, pn = lax.while_loop(cond, body, (0, 0, 0, 0))
            mv = jnp.where(lane == 0, pa,
                           jnp.where(lane == 1, pp,
                                     jnp.where(lane == 2, pn, 0)))
            packbuf[pl.ds(_M0, _L)] = mv

        pltpu.sync_copy(packbuf, out_hbm.at[cls])


def _scan_call(labels, tab):
    return pl.kernel(
        _scan_body,
        out_type=jax.ShapeDtypeStruct((_NCLS, _PACK_W), jnp.int32),
        mesh=_mesh(),
        compiler_params=pltpu.CompilerParams(needs_layout_passes=False),
        scratch_types=[
            pltpu.VMEM((64, _LAB_H), jnp.int32),
            pltpu.VMEM((_PACK_W,), jnp.int32),
            pltpu.VMEM((128,), jnp.int32),
        ],
    )(labels, tab)


def _gather_body(ft_hbm, pack_hbm, tab_hbm, out_hbm,
                 packbuf, ia1, ia2, ip1, ip2, in1, in2,
                 rows_a, rows_p, rows_n, tail_a, tail_p, tail_n,
                 tabv, outbuf, sem, sem2, sem3, sem4, sem5, sem6):
    cls = lax.axis_index("s") * 2 + lax.axis_index("c")

    @pl.when(cls < _NCLS)
    def _work():
        pltpu.sync_copy(tab_hbm, tabv)
        pltpu.sync_copy(pack_hbm.at[cls], packbuf)
        pltpu.sync_copy(pack_hbm.at[cls, pl.ds(_A0, 128)], ia1)
        pltpu.sync_copy(pack_hbm.at[cls, pl.ds(_A0 + 128, 96)], ia2)
        pltpu.sync_copy(pack_hbm.at[cls, pl.ds(_P0, 128)], ip1)
        pltpu.sync_copy(pack_hbm.at[cls, pl.ds(_P0 + 128, 96)], ip2)
        pltpu.sync_copy(pack_hbm.at[cls, pl.ds(_N0, 128)], in1)
        pltpu.sync_copy(pack_hbm.at[cls, pl.ds(_N0 + 128, 96)], in2)
        capvec = plsc.load_gather(tabv, [jnp.full((_L,), _CAP_SLOT,
                                                  jnp.int32)])
        cap_s = jnp.minimum(jnp.min(capvec), _K)
        lane = lax.iota(jnp.int32, _L)
        pa = jnp.min(plsc.load_gather(packbuf,
                                      [jnp.full((_L,), _M0, jnp.int32)]))
        pp = jnp.min(plsc.load_gather(packbuf,
                                      [jnp.full((_L,), _M0 + 1, jnp.int32)]))
        pn = jnp.min(plsc.load_gather(packbuf,
                                      [jnp.full((_L,), _M0 + 2, jnp.int32)]))
        ms = jnp.minimum(jnp.minimum(jnp.minimum(pa, pp), pn), cap_s)

        zf = jnp.zeros((_L,), jnp.float32)
        for k in range(_FT_W // _L):
            outbuf[pl.ds(k * _L, _L)] = zf

        @pl.when(ms > 0)
        def _heavy():
            c1 = pltpu.async_copy(ft_hbm.at[ia1], rows_a, sem)
            c2 = pltpu.async_copy(ft_hbm.at[ia2], tail_a, sem2)
            c3 = pltpu.async_copy(ft_hbm.at[ip1], rows_p, sem3)
            c4 = pltpu.async_copy(ft_hbm.at[ip2], tail_p, sem4)
            c5 = pltpu.async_copy(ft_hbm.at[in1], rows_n, sem5)
            c6 = pltpu.async_copy(ft_hbm.at[in2], tail_n, sem6)
            c1.wait(); c2.wait(); c3.wait(); c4.wait(); c5.wait(); c6.wait()

            _U = 4

            def make_tblk(ba, bp, bn, t_base):
                def tblk(i, acc):
                    part = jnp.float32(0.0)
                    for u in range(_U):
                        t = i * _U + u
                        tv = jnp.full((_L,), t, jnp.int32)
                        pv = jnp.zeros((_L,), jnp.float32)
                        for k in range(_C // _L):
                            col = k * _L + lane
                            fa = plsc.load_gather(ba, [tv, col])
                            fp = plsc.load_gather(bp, [tv, col])
                            fn = plsc.load_gather(bn, [tv, col])
                            pv = pv + fa * (fn - fp)
                        s = jnp.sum(pv)
                        tl = jnp.maximum(s + jnp.float32(0.6), 0.0)
                        part = part + jnp.where(t_base + t < ms,
                                                tl, jnp.float32(0.0))
                    return acc + part
                return tblk

            n1 = jnp.minimum(ms, 128)
            nblk1 = (n1 + _U - 1) // _U
            acc = lax.fori_loop(0, nblk1, make_tblk(rows_a, rows_p, rows_n, 0),
                                jnp.float32(0.0))
            nblk2 = jnp.maximum(ms - 128 + _U - 1, 0) // _U
            acc = lax.fori_loop(0, nblk2,
                                make_tblk(tail_a, tail_p, tail_n, 128), acc)
            msf = ms.astype(jnp.float32)
            outv = jnp.where(lane == 0, acc,
                             jnp.where(lane == 1, msf, jnp.float32(0.0)))
            outbuf[pl.ds(0, _L)] = outv

        pltpu.sync_copy(outbuf, out_hbm.at[cls])


def _gather_call(ft, pack, tab):
    return pl.kernel(
        _gather_body,
        out_type=jax.ShapeDtypeStruct((_NCLS, _FT_W), jnp.float32),
        mesh=_mesh(),
        compiler_params=pltpu.CompilerParams(needs_layout_passes=False),
        scratch_types=[
            pltpu.VMEM((_PACK_W,), jnp.int32),
            pltpu.VMEM((128,), jnp.int32),
            pltpu.VMEM((96,), jnp.int32),
            pltpu.VMEM((128,), jnp.int32),
            pltpu.VMEM((96,), jnp.int32),
            pltpu.VMEM((128,), jnp.int32),
            pltpu.VMEM((96,), jnp.int32),
            pltpu.VMEM((128, _FT_W), jnp.float32),
            pltpu.VMEM((128, _FT_W), jnp.float32),
            pltpu.VMEM((128, _FT_W), jnp.float32),
            pltpu.VMEM((96, _FT_W), jnp.float32),
            pltpu.VMEM((96, _FT_W), jnp.float32),
            pltpu.VMEM((96, _FT_W), jnp.float32),
            pltpu.VMEM((128,), jnp.int32),
            pltpu.VMEM((_FT_W,), jnp.float32),
            pltpu.SemaphoreType.DMA,
            pltpu.SemaphoreType.DMA,
            pltpu.SemaphoreType.DMA,
            pltpu.SemaphoreType.DMA,
            pltpu.SemaphoreType.DMA,
            pltpu.SemaphoreType.DMA,
        ],
    )(ft, pack, tab)


def _reduce_body(x_ref, loss_ref, cnt_ref):
    x = x_ref[...]
    accs = x[:, 0:1]
    mss = x[:, 1:2]
    contribs = accs / jnp.maximum(mss, 1.0)
    ls = jnp.sum(contribs)
    hs = jnp.sum((mss > 0.0).astype(jnp.float32))
    loss = ls / jnp.maximum(hs, 1.0)
    loss_ref[...] = jnp.full((1, 1), loss, jnp.float32)
    cnt_ref[...] = jnp.full((1, 1), hs, jnp.float32).astype(jnp.int32)


def _reduce_call(per_cls):
    return pl.pallas_call(
        _reduce_body,
        out_shape=[jax.ShapeDtypeStruct((1, 1), jnp.float32),
                   jax.ShapeDtypeStruct((1, 1), jnp.int32)],
    )(per_cls)


def kernel(feats, labels, max_triplet=200):
    tab = jnp.asarray(_TAB)
    cap = jnp.minimum(jnp.asarray(max_triplet, jnp.int32), _K)
    tab = tab.at[_CAP_SLOT].set(cap)
    ft = _transpose_feats(feats)
    pack = _scan_call(labels, tab)
    per_cls = _gather_call(ft, pack, tab)
    loss, cnt = _reduce_call(per_cls)
    return (loss.reshape(()), cnt.reshape(1))

# --- scband reference (transcript-rebuilt; emitter-appended) ---
"""Pipeline reference for scband-tree-triplet-loss-19722489823689 (READ-ONLY COPY).

The authoritative reference and input builder live on the scoring server;
editing this copy changes nothing except your own understanding.
"""

import jax, jax.numpy as jnp
import numpy as np

HIERA_MAP = [0,0,1,1,1,2,2,2,3,3,4,5,5,6,6,6,6,6,6]
HIERA_INDEX = [[0,2],[2,5],[5,8],[8,10],[10,11],[11,13],[13,19]]
IGNORE = 255


def setup_inputs(seed: int = 0) -> dict:
    key = jax.random.key(seed)
    k1, k2 = jax.random.split(key)
    feats = jax.random.normal(k1, (8, 96, 128, 128), dtype=jnp.float32)
    labels = jax.random.randint(k2, (8, 512, 512), 0, 19, dtype=jnp.int32)
    return {"feats": feats, "labels": labels, "max_triplet": 200}


def reference(feats, labels, max_triplet=200):
    B, C, H, W = feats.shape
    Hl, Wl = labels.shape[1], labels.shape[2]
    # nearest-neighbor downsample of labels to feats spatial size (matches F.interpolate nearest)
    ih = (np.arange(H) * Hl) // H
    iw = (np.arange(W) * Wl) // W
    labn = labels[:, ih][:, :, iw].reshape(-1)
    f = jnp.transpose(feats, (0, 2, 3, 1)).reshape(-1, C)
    K = 200
    cap = jnp.minimum(jnp.asarray(max_triplet, dtype=jnp.int32), K)
    pos = jnp.arange(K)
    triplet_loss = jnp.float32(0.0)
    class_count = jnp.int32(0)
    for ii in range(19):
        r = HIERA_INDEX[HIERA_MAP[ii]]
        anchor_m = labn == ii
        pos_m = (labn >= r[0]) & (labn < r[-1]) & (~anchor_m)
        neg_m = (labn < r[0]) | (labn >= r[-1])
        a_idx = jnp.nonzero(anchor_m, size=K, fill_value=0)[0]
        p_idx = jnp.nonzero(pos_m, size=K, fill_value=0)[0]
        n_idx = jnp.nonzero(neg_m, size=K, fill_value=0)[0]
        ca = jnp.sum(anchor_m.astype(jnp.int32))
        cp = jnp.sum(pos_m.astype(jnp.int32))
        cn = jnp.sum(neg_m.astype(jnp.int32))
        min_size = jnp.minimum(jnp.minimum(ca, cp), jnp.minimum(cn, cap))
        fa = jnp.take(f, a_idx, axis=0)
        fp = jnp.take(f, p_idx, axis=0)
        fn = jnp.take(f, n_idx, axis=0)
        d_pos = 1.0 - jnp.sum(fa * fp, axis=1)
        d_neg = 1.0 - jnp.sum(fa * fn, axis=1)
        tl = jax.nn.relu(d_pos - d_neg + 0.6)
        valid = (pos < min_size).astype(tl.dtype)
        denom = jnp.maximum(min_size, 1).astype(tl.dtype)
        contrib = jnp.sum(tl * valid) / denom
        has = min_size > 0
        triplet_loss = triplet_loss + jnp.where(has, contrib, jnp.float32(0.0))
        class_count = class_count + has.astype(jnp.int32)
    triplet_loss = triplet_loss / jnp.maximum(class_count, 1).astype(jnp.float32)
    return (triplet_loss, class_count.reshape(1))

if __name__ == "__main__":
    import jax
    _d = setup_inputs()
    print(jax.jit(kernel)(*tuple(_d.values())))

</pallas_src>

<mosaic_0001>
#map = affine_map<(d0, d1) -> (0, 0)>
#map1 = affine_map<(d0, d1) -> (0)>
module attributes {stable_mosaic.version = 14 : i64} {
  func.func @_gather_body(%arg0: i32, %arg1: i32, %arg2: memref<131072x128xf32, #tpu.memory_space<hbm>>, %arg3: memref<19x1024xi32, #tpu.memory_space<hbm>>, %arg4: memref<128xi32, #tpu.memory_space<hbm>>, %arg5: memref<19x128xf32, #tpu.memory_space<hbm>>, %arg6: memref<1024xi32, #tpu.memory_space<vmem>>, %arg7: memref<128xi32, #tpu.memory_space<vmem>>, %arg8: memref<96xi32, #tpu.memory_space<vmem>>, %arg9: memref<128xi32, #tpu.memory_space<vmem>>, %arg10: memref<96xi32, #tpu.memory_space<vmem>>, %arg11: memref<128xi32, #tpu.memory_space<vmem>>, %arg12: memref<96xi32, #tpu.memory_space<vmem>>, %arg13: memref<128x128xf32, #tpu.memory_space<vmem>>, %arg14: memref<128x128xf32, #tpu.memory_space<vmem>>, %arg15: memref<128x128xf32, #tpu.memory_space<vmem>>, %arg16: memref<96x128xf32, #tpu.memory_space<vmem>>, %arg17: memref<96x128xf32, #tpu.memory_space<vmem>>, %arg18: memref<96x128xf32, #tpu.memory_space<vmem>>, %arg19: memref<128xi32, #tpu.memory_space<vmem>>, %arg20: memref<128xf32, #tpu.memory_space<vmem>>, %arg21: memref<!tpu.dma_semaphore, #tpu.memory_space<semaphore_mem>>, %arg22: memref<!tpu.dma_semaphore, #tpu.memory_space<semaphore_mem>>, %arg23: memref<!tpu.dma_semaphore, #tpu.memory_space<semaphore_mem>>, %arg24: memref<!tpu.dma_semaphore, #tpu.memory_space<semaphore_mem>>, %arg25: memref<!tpu.dma_semaphore, #tpu.memory_space<semaphore_mem>>, %arg26: memref<!tpu.dma_semaphore, #tpu.memory_space<semaphore_mem>>) attributes {dimension_semantics = [#tpu.dimension_semantics<core_parallel>, #tpu.dimension_semantics<subcore_parallel>], iteration_bounds = array<i64: 2, 16>, scalar_prefetch = 0 : i64, scratch_operands = 21 : i64, tpu.core_type = #tpu.core_type<sc_vector_subcore>, window_params = [{transform_indices = #map}, {transform_indices = #map}, {transform_indices = #map1}, {transform_indices = #map}]} {
    %mul3A = arith.constant 2 : i32
    %mul3A_0 = arith.muli %arg1, %mul3A : i32
    %add3A = arith.addi %mul3A_0, %arg0 : i32
    %lt3A = arith.constant 19 : i32
    %lt3A_1 = arith.cmpi slt, %add3A, %lt3A : i32
    %convert_element_type3A = arith.extui %lt3A_1 : i1 to i32
    %cond3A = arith.constant 0 : i32
    %cond3A_2 = arith.cmpi ne, %convert_element_type3A, %cond3A : i32
    scf.if %cond3A_2 {
      "tpu.region"() ({
        %run_scoped3A = tpu.sem_alloc : memref<!tpu.dma_semaphore, #tpu.memory_space<semaphore_mem>>
        tpu.enqueue_dma source(%arg4 : memref<128xi32, #tpu.memory_space<hbm>>) target(%arg19 : memref<128xi32, #tpu.memory_space<vmem>>) target_semaphore(%run_scoped3A : memref<!tpu.dma_semaphore, #tpu.memory_space<semaphore_mem>>)
        tpu.wait_dma2 semaphore(%run_scoped3A : memref<!tpu.dma_semaphore, #tpu.memory_space<semaphore_mem>>) src(%arg4 : memref<128xi32, #tpu.memory_space<hbm>>) dst(%arg19 : memref<128xi32, #tpu.memory_space<vmem>>)
        tpu.yield
      }) : () -> ()
      "tpu.region"() ({
        %run_scoped3A = tpu.sem_alloc : memref<!tpu.dma_semaphore, #tpu.memory_space<semaphore_mem>>
        %dma_start3A = arith.constant 0 : i32
        %dma_start3A_69 = tpu.memref_slice %arg3[%add3A, %dma_start3A] : memref<19x1024xi32, #tpu.memory_space<hbm>> -> memref<1x1024xi32, #tpu.memory_space<hbm>>
        %dma_start3A_70 = tpu.memref_squeeze %dma_start3A_69 : memref<1x1024xi32, #tpu.memory_space<hbm>> -> memref<1024xi32, #tpu.memory_space<hbm>>
        %dma_start3A_71 = arith.constant 0 : i32
        %dma_start3A_72 = tpu.memref_slice %arg3[%add3A, %dma_start3A_71] : memref<19x1024xi32, #tpu.memory_space<hbm>> -> memref<1x1024xi32, #tpu.memory_space<hbm>>
        %dma_start3A_73 = tpu.memref_squeeze %dma_start3A_72 : memref<1x1024xi32, #tpu.memory_space<hbm>> -> memref<1024xi32, #tpu.memory_space<hbm>>
        tpu.enqueue_dma source(%dma_start3A_73 : memref<1024xi32, #tpu.memory_space<hbm>>) target(%arg6 : memref<1024xi32, #tpu.memory_space<vmem>>) target_semaphore(%run_scoped3A : memref<!tpu.dma_semaphore, #tpu.memory_space<semaphore_mem>>)
        %dma_wait3A = arith.constant 0 : i32
        %dma_wait3A_74 = tpu.memref_slice %arg3[%add3A, %dma_wait3A] : memref<19x1024xi32, #tpu.memory_space<hbm>> -> memref<1x1024xi32, #tpu.memory_space<hbm>>
        %dma_wait3A_75 = tpu.memref_squeeze %dma_wait3A_74 : memref<1x1024xi32, #tpu.memory_space<hbm>> -> memref<1024xi32, #tpu.memory_space<hbm>>
        %dma_wait3A_76 = arith.constant 0 : i32
        %dma_wait3A_77 = tpu.memref_slice %arg3[%add3A, %dma_wait3A_76] : memref<19x1024xi32, #tpu.memory_space<hbm>> -> memref<1x1024xi32, #tpu.memory_space<hbm>>
        %dma_wait3A_78 = tpu.memref_squeeze %dma_wait3A_77 : memref<1x1024xi32, #tpu.memory_space<hbm>> -> memref<1024xi32, #tpu.memory_space<hbm>>
        tpu.wait_dma2 semaphore(%run_scoped3A : memref<!tpu.dma_semaphore, #tpu.memory_space<semaphore_mem>>) src(%dma_wait3A_78 : memref<1024xi32, #tpu.memory_space<hbm>>) dst(%arg6 : memref<1024xi32, #tpu.memory_space<vmem>>)
        tpu.yield
      }) : () -> ()
      "tpu.region"() ({
        %run_scoped3A = tpu.sem_alloc : memref<!tpu.dma_semaphore, #tpu.memory_space<semaphore_mem>>
        %dma_start3A = arith.constant 0 : i32
        %dma_start3A_69 = tpu.memref_slice %arg3[%add3A, %dma_start3A] : memref<19x1024xi32, #tpu.memory_space<hbm>> -> memref<1x128xi32, #tpu.memory_space<hbm>>
        %dma_start3A_70 = tpu.memref_squeeze %dma_start3A_69 : memref<1x128xi32, #tpu.memory_space<hbm>> -> memref<128xi32, #tpu.memory_space<hbm>>
        %dma_start3A_71 = arith.constant 0 : i32
        %dma_start3A_72 = tpu.memref_slice %arg3[%add3A, %dma_start3A_71] : memref<19x1024xi32, #tpu.memory_space<hbm>> -> memref<1x128xi32, #tpu.memory_space<hbm>>
        %dma_start3A_73 = tpu.memref_squeeze %dma_start3A_72 : memref<1x128xi32, #tpu.memory_space<hbm>> -> memref<128xi32, #tpu.memory_space<hbm>>
        tpu.enqueue_dma source(%dma_start3A_73 : memref<128xi32, #tpu.memory_space<hbm>>) target(%arg7 : memref<128xi32, #tpu.memory_space<vmem>>) target_semaphore(%run_scoped3A : memref<!tpu.dma_semaphore, #tpu.memory_space<semaphore_mem>>)
        %dma_wait3A = arith.constant 0 : i32
        %dma_wait3A_74 = tpu.memref_slice %arg3[%add3A, %dma_wait3A] : memref<19x1024xi32, #tpu.memory_space<hbm>> -> memref<1x128xi32, #tpu.memory_space<hbm>>
        %dma_wait3A_75 = tpu.memref_squeeze %dma_wait3A_74 : memref<1x128xi32, #tpu.memory_space<hbm>> -> memref<128xi32, #tpu.memory_space<hbm>>
        %dma_wait3A_76 = arith.constant 0 : i32
        %dma_wait3A_77 = tpu.memref_slice %arg3[%add3A, %dma_wait3A_76] : memref<19x1024xi32, #tpu.memory_space<hbm>> -> memref<1x128xi32, #tpu.memory_space<hbm>>
        %dma_wait3A_78 = tpu.memref_squeeze %dma_wait3A_77 : memref<1x128xi32, #tpu.memory_space<hbm>> -> memref<128xi32, #tpu.memory_space<hbm>>
        tpu.wait_dma2 semaphore(%run_scoped3A : memref<!tpu.dma_semaphore, #tpu.memory_space<semaphore_mem>>) src(%dma_wait3A_78 : memref<128xi32, #tpu.memory_space<hbm>>) dst(%arg7 : memref<128xi32, #tpu.memory_space<vmem>>)
        tpu.yield
      }) : () -> ()
      "tpu.region"() ({
        %run_scoped3A = tpu.sem_alloc : memref<!tpu.dma_semaphore, #tpu.memory_space<semaphore_mem>>
        %dma_start3A = arith.constant 128 : i32
        %dma_start3A_69 = tpu.memref_slice %arg3[%add3A, %dma_start3A] : memref<19x1024xi32, #tpu.memory_space<hbm>> -> memref<1x96xi32, #tpu.memory_space<hbm>>
        %dma_start3A_70 = tpu.memref_squeeze %dma_start3A_69 : memref<1x96xi32, #tpu.memory_space<hbm>> -> memref<96xi32, #tpu.memory_space<hbm>>
        %dma_start3A_71 = arith.constant 128 : i32
        %dma_start3A_72 = tpu.memref_slice %arg3[%add3A, %dma_start3A_71] : memref<19x1024xi32, #tpu.memory_space<hbm>> -> memref<1x96xi32, #tpu.memory_space<hbm>>
        %dma_start3A_73 = tpu.memref_squeeze %dma_start3A_72 : memref<1x96xi32, #tpu.memory_space<hbm>> -> memref<96xi32, #tpu.memory_space<hbm>>
        tpu.enqueue_dma source(%dma_start3A_73 : memref<96xi32, #tpu.memory_space<hbm>>) target(%arg8 : memref<96xi32, #tpu.memory_space<vmem>>) target_semaphore(%run_scoped3A : memref<!tpu.dma_semaphore, #tpu.memory_space<semaphore_mem>>)
        %dma_wait3A = arith.constant 128 : i32
        %dma_wait3A_74 = tpu.memref_slice %arg3[%add3A, %dma_wait3A] : memref<19x1024xi32, #tpu.memory_space<hbm>> -> memref<1x96xi32, #tpu.memory_space<hbm>>
        %dma_wait3A_75 = tpu.memref_squeeze %dma_wait3A_74 : memref<1x96xi32, #tpu.memory_space<hbm>> -> memref<96xi32, #tpu.memory_space<hbm>>
        %dma_wait3A_76 = arith.constant 128 : i32
        %dma_wait3A_77 = tpu.memref_slice %arg3[%add3A, %dma_wait3A_76] : memref<19x1024xi32, #tpu.memory_space<hbm>> -> memref<1x96xi32, #tpu.memory_space<hbm>>
        %dma_wait3A_78 = tpu.memref_squeeze %dma_wait3A_77 : memref<1x96xi32, #tpu.memory_space<hbm>> -> memref<96xi32, #tpu.memory_space<hbm>>
        tpu.wait_dma2 semaphore(%run_scoped3A : memref<!tpu.dma_semaphore, #tpu.memory_space<semaphore_mem>>) src(%dma_wait3A_78 : memref<96xi32, #tpu.memory_space<hbm>>) dst(%arg8 : memref<96xi32, #tpu.memory_space<vmem>>)
        tpu.yield
      }) : () -> ()
      "tpu.region"() ({
        %run_scoped3A = tpu.sem_alloc : memref<!tpu.dma_semaphore, #tpu.memory_space<semaphore_mem>>
        %dma_start3A = arith.constant 256 : i32
        %dma_start3A_69 = tpu.memref_slice %arg3[%add3A, %dma_start3A] : memref<19x1024xi32, #tpu.memory_space<hbm>> -> memref<1x128xi32, #tpu.memory_space<hbm>>
        %dma_start3A_70 = tpu.memref_squeeze %dma_start3A_69 : memref<1x128xi32, #tpu.memory_space<hbm>> -> memref<128xi32, #tpu.memory_space<hbm>>
        %dma_start3A_71 = arith.constant 256 : i32
        %dma_start3A_72 = tpu.memref_slice %arg3[%add3A, %dma_start3A_71] : memref<19x1024xi32, #tpu.memory_space<hbm>> -> memref<1x128xi32, #tpu.memory_space<hbm>>
        %dma_start3A_73 = tpu.memref_squeeze %dma_start3A_72 : memref<1x128xi32, #tpu.memory_space<hbm>> -> memref<128xi32, #tpu.memory_space<hbm>>
        tpu.enqueue_dma source(%dma_start3A_73 : memref<128xi32, #tpu.memory_space<hbm>>) target(%arg9 : memref<128xi32, #tpu.memory_space<vmem>>) target_semaphore(%run_scoped3A : memref<!tpu.dma_semaphore, #tpu.memory_space<semaphore_mem>>)
        %dma_wait3A = arith.constant 256 : i32
        %dma_wait3A_74 = tpu.memref_slice %arg3[%add3A, %dma_wait3A] : memref<19x1024xi32, #tpu.memory_space<hbm>> -> memref<1x128xi32, #tpu.memory_space<hbm>>
        %dma_wait3A_75 = tpu.memref_squeeze %dma_wait3A_74 : memref<1x128xi32, #tpu.memory_space<hbm>> -> memref<128xi32, #tpu.memory_space<hbm>>
        %dma_wait3A_76 = arith.constant 256 : i32
        %dma_wait3A_77 = tpu.memref_slice %arg3[%add3A, %dma_wait3A_76] : memref<19x1024xi32, #tpu.memory_space<hbm>> -> memref<1x128xi32, #tpu.memory_space<hbm>>
        %dma_wait3A_78 = tpu.memref_squeeze %dma_wait3A_77 : memref<1x128xi32, #tpu.memory_space<hbm>> -> memref<128xi32, #tpu.memory_space<hbm>>
        tpu.wait_dma2 semaphore(%run_scoped3A : memref<!tpu.dma_semaphore, #tpu.memory_space<semaphore_mem>>) src(%dma_wait3A_78 : memref<128xi32, #tpu.memory_space<hbm>>) dst(%arg9 : memref<128xi32, #tpu.memory_space<vmem>>)
        tpu.yield
      }) : () -> ()
      "tpu.region"() ({
        %run_scoped3A = tpu.sem_alloc : memref<!tpu.dma_semaphore, #tpu.memory_space<semaphore_mem>>
        %dma_start3A = arith.constant 384 : i32
        %dma_start3A_69 = tpu.memref_slice %arg3[%add3A, %dma_start3A] : memref<19x1024xi32, #tpu.memory_space<hbm>> -> memref<1x96xi32, #tpu.memory_space<hbm>>
        %dma_start3A_70 = tpu.memref_squeeze %dma_start3A_69 : memref<1x96xi32, #tpu.memory_space<hbm>> -> memref<96xi32, #tpu.memory_space<hbm>>
        %dma_start3A_71 = arith.constant 384 : i32
        %dma_start3A_72 = tpu.memref_slice %arg3[%add3A, %dma_start3A_71] : memref<19x1024xi32, #tpu.memory_space<hbm>> -> memref<1x96xi32, #tpu.memory_space<hbm>>
        %dma_start3A_73 = tpu.memref_squeeze %dma_start3A_72 : memref<1x96xi32, #tpu.memory_space<hbm>> -> memref<96xi32, #tpu.memory_space<hbm>>
        tpu.enqueue_dma source(%dma_start3A_73 : memref<96xi32, #tpu.memory_space<hbm>>) target(%arg10 : memref<96xi32, #tpu.memory_space<vmem>>) target_semaphore(%run_scoped3A : memref<!tpu.dma_semaphore, #tpu.memory_space<semaphore_mem>>)
        %dma_wait3A = arith.constant 384 : i32
        %dma_wait3A_74 = tpu.memref_slice %arg3[%add3A, %dma_wait3A] : memref<19x1024xi32, #tpu.memory_space<hbm>> -> memref<1x96xi32, #tpu.memory_space<hbm>>
        %dma_wait3A_75 = tpu.memref_squeeze %dma_wait3A_74 : memref<1x96xi32, #tpu.memory_space<hbm>> -> memref<96xi32, #tpu.memory_space<hbm>>
        %dma_wait3A_76 = arith.constant 384 : i32
        %dma_wait3A_77 = tpu.memref_slice %arg3[%add3A, %dma_wait3A_76] : memref<19x1024xi32, #tpu.memory_space<hbm>> -> memref<1x96xi32, #tpu.memory_space<hbm>>
        %dma_wait3A_78 = tpu.memref_squeeze %dma_wait3A_77 : memref<1x96xi32, #tpu.memory_space<hbm>> -> memref<96xi32, #tpu.memory_space<hbm>>
        tpu.wait_dma2 semaphore(%run_scoped3A : memref<!tpu.dma_semaphore, #tpu.memory_space<semaphore_mem>>) src(%dma_wait3A_78 : memref<96xi32, #tpu.memory_space<hbm>>) dst(%arg10 : memref<96xi32, #tpu.memory_space<vmem>>)
        tpu.yield
      }) : () -> ()
      "tpu.region"() ({
        %run_scoped3A = tpu.sem_alloc : memref<!tpu.dma_semaphore, #tpu.memory_space<semaphore_mem>>
        %dma_start3A = arith.constant 512 : i32
        %dma_start3A_69 = tpu.memref_slice %arg3[%add3A, %dma_start3A] : memref<19x1024xi32, #tpu.memory_space<hbm>> -> memref<1x128xi32, #tpu.memory_space<hbm>>
        %dma_start3A_70 = tpu.memref_squeeze %dma_start3A_69 : memref<1x128xi32, #tpu.memory_space<hbm>> -> memref<128xi32, #tpu.memory_space<hbm>>
        %dma_start3A_71 = arith.constant 512 : i32
        %dma_start3A_72 = tpu.memref_slice %arg3[%add3A, %dma_start3A_71] : memref<19x1024xi32, #tpu.memory_space<hbm>> -> memref<1x128xi32, #tpu.memory_space<hbm>>
        %dma_start3A_73 = tpu.memref_squeeze %dma_start3A_72 : memref<1x128xi32, #tpu.memory_space<hbm>> -> memref<128xi32, #tpu.memory_space<hbm>>
        tpu.enqueue_dma source(%dma_start3A_73 : memref<128xi32, #tpu.memory_space<hbm>>) target(%arg11 : memref<128xi32, #tpu.memory_space<vmem>>) target_semaphore(%run_scoped3A : memref<!tpu.dma_semaphore, #tpu.memory_space<semaphore_mem>>)
        %dma_wait3A = arith.constant 512 : i32
        %dma_wait3A_74 = tpu.memref_slice %arg3[%add3A, %dma_wait3A] : memref<19x1024xi32, #tpu.memory_space<hbm>> -> memref<1x128xi32, #tpu.memory_space<hbm>>
        %dma_wait3A_75 = tpu.memref_squeeze %dma_wait3A_74 : memref<1x128xi32, #tpu.memory_space<hbm>> -> memref<128xi32, #tpu.memory_space<hbm>>
        %dma_wait3A_76 = arith.constant 512 : i32
        %dma_wait3A_77 = tpu.memref_slice %arg3[%add3A, %dma_wait3A_76] : memref<19x1024xi32, #tpu.memory_space<hbm>> -> memref<1x128xi32, #tpu.memory_space<hbm>>
        %dma_wait3A_78 = tpu.memref_squeeze %dma_wait3A_77 : memref<1x128xi32, #tpu.memory_space<hbm>> -> memref<128xi32, #tpu.memory_space<hbm>>
        tpu.wait_dma2 semaphore(%run_scoped3A : memref<!tpu.dma_semaphore, #tpu.memory_space<semaphore_mem>>) src(%dma_wait3A_78 : memref<128xi32, #tpu.memory_space<hbm>>) dst(%arg11 : memref<128xi32, #tpu.memory_space<vmem>>)
        tpu.yield
      }) : () -> ()
      "tpu.region"() ({
        %run_scoped3A = tpu.sem_alloc : memref<!tpu.dma_semaphore, #tpu.memory_space<semaphore_mem>>
        %dma_start3A = arith.constant 640 : i32
        %dma_start3A_69 = tpu.memref_slice %arg3[%add3A, %dma_start3A] : memref<19x1024xi32, #tpu.memory_space<hbm>> -> memref<1x96xi32, #tpu.memory_space<hbm>>
        %dma_start3A_70 = tpu.memref_squeeze %dma_start3A_69 : memref<1x96xi32, #tpu.memory_space<hbm>> -> memref<96xi32, #tpu.memory_space<hbm>>
        %dma_start3A_71 = arith.constant 640 : i32
        %dma_start3A_72 = tpu.memref_slice %arg3[%add3A, %dma_start3A_71] : memref<19x1024xi32, #tpu.memory_space<hbm>> -> memref<1x96xi32, #tpu.memory_space<hbm>>
        %dma_start3A_73 = tpu.memref_squeeze %dma_start3A_72 : memref<1x96xi32, #tpu.memory_space<hbm>> -> memref<96xi32, #tpu.memory_space<hbm>>
        tpu.enqueue_dma source(%dma_start3A_73 : memref<96xi32, #tpu.memory_space<hbm>>) target(%arg12 : memref<96xi32, #tpu.memory_space<vmem>>) target_semaphore(%run_scoped3A : memref<!tpu.dma_semaphore, #tpu.memory_space<semaphore_mem>>)
        %dma_wait3A = arith.constant 640 : i32
        %dma_wait3A_74 = tpu.memref_slice %arg3[%add3A, %dma_wait3A] : memref<19x1024xi32, #tpu.memory_space<hbm>> -> memref<1x96xi32, #tpu.memory_space<hbm>>
        %dma_wait3A_75 = tpu.memref_squeeze %dma_wait3A_74 : memref<1x96xi32, #tpu.memory_space<hbm>> -> memref<96xi32, #tpu.memory_space<hbm>>
        %dma_wait3A_76 = arith.constant 640 : i32
        %dma_wait3A_77 = tpu.memref_slice %arg3[%add3A, %dma_wait3A_76] : memref<19x1024xi32, #tpu.memory_space<hbm>> -> memref<1x96xi32, #tpu.memory_space<hbm>>
        %dma_wait3A_78 = tpu.memref_squeeze %dma_wait3A_77 : memref<1x96xi32, #tpu.memory_space<hbm>> -> memref<96xi32, #tpu.memory_space<hbm>>
        tpu.wait_dma2 semaphore(%run_scoped3A : memref<!tpu.dma_semaphore, #tpu.memory_space<semaphore_mem>>) src(%dma_wait3A_78 : memref<96xi32, #tpu.memory_space<hbm>>) dst(%arg12 : memref<96xi32, #tpu.memory_space<vmem>>)
        tpu.yield
      }) : () -> ()
      %broadcast_in_dim3A = arith.constant 48 : i32
      %broadcast_in_dim3A_3 = vector.broadcast %broadcast_in_dim3A : i32 to vector<16xi32>
      %gather3A = tpu.vector_load_idx %arg19[%broadcast_in_dim3A_3] : memref<128xi32, #tpu.memory_space<vmem>>[vector<16xi32>], vector<16xi32>,
      %reduce_min3A = arith.constant true
      %reduce_min3A_4 = vector.broadcast %reduce_min3A : i1 to vector<16xi1>
      %reduce_min3A_5 = arith.constant -2147483648 : i32
      %reduce_min3A_6 = vector.broadcast %reduce_min3A_5 : i32 to vector<16xi32>
      %reduce_min3A_7 = arith.xori %gather3A, %reduce_min3A_6 : vector<16xi32>
      %reduce_min3A_8 = tpu.scan <min>, %reduce_min3A_7 masked %reduce_min3A_4 : vector<16xi32>, vector<16xi1> -> vector<16xi32>
      %reduce_min3A_9 = arith.xori %reduce_min3A_8, %reduce_min3A_6 : vector<16xi32>
      %reduce_min3A_10 = vector.extract %reduce_min3A_9[15] : i32 from vector<16xi32>
      %min3A = arith.constant 200 : i32
      %min3A_11 = arith.minsi %reduce_min3A_10, %min3A : i32
      %iota3A = tpu.iota {dimensions = array<i32: 0>} : vector<16xi32>
      %broadcast_in_dim3A_12 = arith.constant 768 : i32
      %broadcast_in_dim3A_13 = vector.broadcast %broadcast_in_dim3A_12 : i32 to vector<16xi32>
      %gather3A_14 = tpu.vector_load_idx %arg6[%broadcast_in_dim3A_13] : memref<1024xi32, #tpu.memory_space<vmem>>[vector<16xi32>], vector<16xi32>,
      %reduce_min3A_15 = arith.constant true
      %reduce_min3A_16 = vector.broadcast %reduce_min3A_15 : i1 to vector<16xi1>
      %reduce_min3A_17 = arith.constant -2147483648 : i32
      %reduce_min3A_18 = vector.broadcast %reduce_min3A_17 : i32 to vector<16xi32>
      %reduce_min3A_19 = arith.xori %gather3A_14, %reduce_min3A_18 : vector<16xi32>
      %reduce_min3A_20 = tpu.scan <min>, %reduce_min3A_19 masked %reduce_min3A_16 : vector<16xi32>, vector<16xi1> -> vector<16xi32>
      %reduce_min3A_21 = arith.xori %reduce_min3A_20, %reduce_min3A_18 : vector<16xi32>
      %reduce_min3A_22 = vector.extract %reduce_min3A_21[15] : i32 from vector<16xi32>
      %broadcast_in_dim3A_23 = arith.constant 769 : i32
      %broadcast_in_dim3A_24 = vector.broadcast %broadcast_in_dim3A_23 : i32 to vector<16xi32>
      %gather3A_25 = tpu.vector_load_idx %arg6[%broadcast_in_dim3A_24] : memref<1024xi32, #tpu.memory_space<vmem>>[vector<16xi32>], vector<16xi32>,
      %reduce_min3A_26 = arith.constant true
      %reduce_min3A_27 = vector.broadcast %reduce_min3A_26 : i1 to vector<16xi1>
      %reduce_min3A_28 = arith.constant -2147483648 : i32
      %reduce_min3A_29 = vector.broadcast %reduce_min3A_28 : i32 to vector<16xi32>
      %reduce_min3A_30 = arith.xori %gather3A_25, %reduce_min3A_29 : vector<16xi32>
      %reduce_min3A_31 = tpu.scan <min>, %reduce_min3A_30 masked %reduce_min3A_27 : vector<16xi32>, vector<16xi1> -> vector<16xi32>
      %reduce_min3A_32 = arith.xori %reduce_min3A_31, %reduce_min3A_29 : vector<16xi32>
      %reduce_min3A_33 = vector.extract %reduce_min3A_32[15] : i32 from vector<16xi32>
      %broadcast_in_dim3A_34 = arith.constant 770 : i32
      %broadcast_in_dim3A_35 = vector.broadcast %broadcast_in_dim3A_34 : i32 to vector<16xi32>
      %gather3A_36 = tpu.vector_load_idx %arg6[%broadcast_in_dim3A_35] : memref<1024xi32, #tpu.memory_space<vmem>>[vector<16xi32>], vector<16xi32>,
      %reduce_min3A_37 = arith.constant true
      %reduce_min3A_38 = vector.broadcast %reduce_min3A_37 : i1 to vector<16xi1>
      %reduce_min3A_39 = arith.constant -2147483648 : i32
      %reduce_min3A_40 = vector.broadcast %reduce_min3A_39 : i32 to vector<16xi32>
      %reduce_min3A_41 = arith.xori %gather3A_36, %reduce_min3A_40 : vector<16xi32>
      %reduce_min3A_42 = tpu.scan <min>, %reduce_min3A_41 masked %reduce_min3A_38 : vector<16xi32>, vector<16xi1> -> vector<16xi32>
      %reduce_min3A_43 = arith.xori %reduce_min3A_42, %reduce_min3A_40 : vector<16xi32>
      %reduce_min3A_44 = vector.extract %reduce_min3A_43[15] : i32 from vector<16xi32>
      %min3A_45 = arith.minsi %reduce_min3A_22, %reduce_min3A_33 : i32
      %min3A_46 = arith.minsi %min3A_45, %reduce_min3A_44 : i32
      %min3A_47 = arith.minsi %min3A_46, %min3A_11 : i32
      %broadcast_in_dim3A_48 = arith.constant 0.000000e+00 : f32
      %broadcast_in_dim3A_49 = vector.broadcast %broadcast_in_dim3A_48 : f32 to vector<16xf32>
      %swap3A = arith.constant 0 : index
      %swap3A_50 = tpu.vector_load %arg20[%swap3A] {strides = array<i32>} : memref<128xf32, #tpu.memory_space<vmem>>, vector<16xf32>,
      tpu.vector_store %arg20[%swap3A], %broadcast_in_dim3A_49 {strides = array<i32>} : memref<128xf32, #tpu.memory_space<vmem>>, vector<16xf32>,
      %swap3A_51 = arith.constant 16 : index
      %swap3A_52 = tpu.vector_load %arg20[%swap3A_51] {strides = array<i32>} : memref<128xf32, #tpu.memory_space<vmem>>, vector<16xf32>,
      tpu.vector_store %arg20[%swap3A_51], %broadcast_in_dim3A_49 {strides = array<i32>} : memref<128xf32, #tpu.memory_space<vmem>>, vector<16xf32>,
      %swap3A_53 = arith.constant 32 : index
      %swap3A_54 = tpu.vector_load %arg20[%swap3A_53] {strides = array<i32>} : memref<128xf32, #tpu.memory_space<vmem>>, vector<16xf32>,
      tpu.vector_store %arg20[%swap3A_53], %broadcast_in_dim3A_49 {strides = array<i32>} : memref<128xf32, #tpu.memory_space<vmem>>, vector<16xf32>,
      %swap3A_55 = arith.constant 48 : index
      %swap3A_56 = tpu.vector_load %arg20[%swap3A_55] {strides = array<i32>} : memref<128xf32, #tpu.memory_space<vmem>>, vector<16xf32>,
      tpu.vector_store %arg20[%swap3A_55], %broadcast_in_dim3A_49 {strides = array<i32>} : memref<128xf32, #tpu.memory_space<vmem>>, vector<16xf32>,
      %swap3A_57 = arith.constant 64 : index
      %swap3A_58 = tpu.vector_load %arg20[%swap3A_57] {strides = array<i32>} : memref<128xf32, #tpu.memory_space<vmem>>, vector<16xf32>,
      tpu.vector_store %arg20[%swap3A_57], %broadcast_in_dim3A_49 {strides = array<i32>} : memref<128xf32, #tpu.memory_space<vmem>>, vector<16xf32>,
      %swap3A_59 = arith.constant 80 : index
      %swap3A_60 = tpu.vector_load %arg20[%swap3A_59] {strides = array<i32>} : memref<128xf32, #tpu.memory_space<vmem>>, vector<16xf32>,
      tpu.vector_store %arg20[%swap3A_59], %broadcast_in_dim3A_49 {strides = array<i32>} : memref<128xf32, #tpu.memory_space<vmem>>, vector<16xf32>,
      %swap3A_61 = arith.constant 96 : index
      %swap3A_62 = tpu.vector_load %arg20[%swap3A_61] {strides = array<i32>} : memref<128xf32, #tpu.memory_space<vmem>>, vector<16xf32>,
      tpu.vector_store %arg20[%swap3A_61], %broadcast_in_dim3A_49 {strides = array<i32>} : memref<128xf32, #tpu.memory_space<vmem>>, vector<16xf32>,
      %swap3A_63 = arith.constant 112 : index
      %swap3A_64 = tpu.vector_load %arg20[%swap3A_63] {strides = array<i32>} : memref<128xf32, #tpu.memory_space<vmem>>, vector<16xf32>,
      tpu.vector_store %arg20[%swap3A_63], %broadcast_in_dim3A_49 {strides = array<i32>} : memref<128xf32, #tpu.memory_space<vmem>>, vector<16xf32>,
      %gt3A = arith.constant 0 : i32
      %gt3A_65 = arith.cmpi sgt, %min3A_47, %gt3A : i32
      %convert_element_type3A_66 = arith.extui %gt3A_65 : i1 to i32
      %cond3A_67 = arith.constant 0 : i32
      %cond3A_68 = arith.cmpi ne, %convert_element_type3A_66, %cond3A_67 : i32
      scf.if %cond3A_68 {
        %dma_start3A = arith.constant 0 : i32
        %dma_start3A_69 = arith.constant 0 : i32
        %dma_start3A_70 = tpu.memref_slice %arg2[%dma_start3A, %dma_start3A_69] : memref<131072x128xf32, #tpu.memory_space<hbm>> -> memref<131072x128xf32, #tpu.memory_space<hbm>>
        tpu.enqueue_indirect_dma source(%dma_start3A_70 : memref<131072x128xf32, #tpu.memory_space<hbm>>) target(%arg13 : memref<128x128xf32, #tpu.memory_space<vmem>>) offsets(%arg7 : memref<128xi32, #tpu.memory_space<vmem>>) semaphore(%arg21 : memref<!tpu.dma_semaphore, #tpu.memory_space<semaphore_mem>>)
        %dma_start3A_71 = arith.constant 0 : i32
        %dma_start3A_72 = arith.constant 0 : i32
        %dma_start3A_73 = tpu.memref_slice %arg2[%dma_start3A_71, %dma_start3A_72] : memref<131072x128xf32, #tpu.memory_space<hbm>> -> memref<131072x128xf32, #tpu.memory_space<hbm>>
        tpu.enqueue_indirect_dma source(%dma_start3A_73 : memref<131072x128xf32, #tpu.memory_space<hbm>>) target(%arg16 : memref<96x128xf32, #tpu.memory_space<vmem>>) offsets(%arg8 : memref<96xi32, #tpu.memory_space<vmem>>) semaphore(%arg22 : memref<!tpu.dma_semaphore, #tpu.memory_space<semaphore_mem>>)
        %dma_start3A_74 = arith.constant 0 : i32
        %dma_start3A_75 = arith.constant 0 : i32
        %dma_start3A_76 = tpu.memref_slice %arg2[%dma_start3A_74, %dma_start3A_75] : memref<131072x128xf32, #tpu.memory_space<hbm>> -> memref<131072x128xf32, #tpu.memory_space<hbm>>
        tpu.enqueue_indirect_dma source(%dma_start3A_76 : memref<131072x128xf32, #tpu.memory_space<hbm>>) target(%arg14 : memref<128x128xf32, #tpu.memory_space<vmem>>) offsets(%arg9 : memref<128xi32, #tpu.memory_space<vmem>>) semaphore(%arg23 : memref<!tpu.dma_semaphore, #tpu.memory_space<semaphore_mem>>)
        %dma_start3A_77 = arith.constant 0 : i32
        %dma_start3A_78 = arith.constant 0 : i32
        %dma_start3A_79 = tpu.memref_slice %arg2[%dma_start3A_77, %dma_start3A_78] : memref<131072x128xf32, #tpu.memory_space<hbm>> -> memref<131072x128xf32, #tpu.memory_space<hbm>>
        tpu.enqueue_indirect_dma source(%dma_start3A_79 : memref<131072x128xf32, #tpu.memory_space<hbm>>) target(%arg17 : memref<96x128xf32, #tpu.memory_space<vmem>>) offsets(%arg10 : memref<96xi32, #tpu.memory_space<vmem>>) semaphore(%arg24 : memref<!tpu.dma_semaphore, #tpu.memory_space<semaphore_mem>>)
        %dma_start3A_80 = arith.constant 0 : i32
        %dma_start3A_81 = arith.constant 0 : i32
        %dma_start3A_82 = tpu.memref_slice %arg2[%dma_start3A_80, %dma_start3A_81] : memref<131072x128xf32, #tpu.memory_space<hbm>> -> memref<131072x128xf32, #tpu.memory_space<hbm>>
        tpu.enqueue_indirect_dma source(%dma_start3A_82 : memref<131072x128xf32, #tpu.memory_space<hbm>>) target(%arg15 : memref<128x128xf32, #tpu.memory_space<vmem>>) offsets(%arg11 : memref<128xi32, #tpu.memory_space<vmem>>) semaphore(%arg25 : memref<!tpu.dma_semaphore, #tpu.memory_space<semaphore_mem>>)
        %dma_start3A_83 = arith.constant 0 : i32
        %dma_start3A_84 = arith.constant 0 : i32
        %dma_start3A_85 = tpu.memref_slice %arg2[%dma_start3A_83, %dma_start3A_84] : memref<131072x128xf32, #tpu.memory_space<hbm>> -> memref<131072x128xf32, #tpu.memory_space<hbm>>
        tpu.enqueue_indirect_dma source(%dma_start3A_85 : memref<131072x128xf32, #tpu.memory_space<hbm>>) target(%arg18 : memref<96x128xf32, #tpu.memory_space<vmem>>) offsets(%arg12 : memref<96xi32, #tpu.memory_space<vmem>>) semaphore(%arg26 : memref<!tpu.dma_semaphore, #tpu.memory_space<semaphore_mem>>)
        %dma_wait3A = arith.constant 0 : i32
        %dma_wait3A_86 = arith.constant 0 : i32
        %dma_wait3A_87 = tpu.memref_slice %arg2[%dma_wait3A, %dma_wait3A_86] : memref<131072x128xf32, #tpu.memory_space<hbm>> -> memref<131072x128xf32, #tpu.memory_space<hbm>>
        tpu.wait_indirect_dma semaphore(%arg21 : memref<!tpu.dma_semaphore, #tpu.memory_space<semaphore_mem>>) src(%dma_wait3A_87 : memref<131072x128xf32, #tpu.memory_space<hbm>>) dst(%arg13 : memref<128x128xf32, #tpu.memory_space<vmem>>)
        %dma_wait3A_88 = arith.constant 0 : i32
        %dma_wait3A_89 = arith.constant 0 : i32
        %dma_wait3A_90 = tpu.memref_slice %arg2[%dma_wait3A_88, %dma_wait3A_89] : memref<131072x128xf32, #tpu.memory_space<hbm>> -> memref<131072x128xf32, #tpu.memory_space<hbm>>
        tpu.wait_indirect_dma semaphore(%arg22 : memref<!tpu.dma_semaphore, #tpu.memory_space<semaphore_mem>>) src(%dma_wait3A_90 : memref<131072x128xf32, #tpu.memory_space<hbm>>) dst(%arg16 : memref<96x128xf32, #tpu.memory_space<vmem>>)
        %dma_wait3A_91 = arith.constant 0 : i32
        %dma_wait3A_92 = arith.constant 0 : i32
        %dma_wait3A_93 = tpu.memref_slice %arg2[%dma_wait3A_91, %dma_wait3A_92] : memref<131072x128xf32, #tpu.memory_space<hbm>> -> memref<131072x128xf32, #tpu.memory_space<hbm>>
        tpu.wait_indirect_dma semaphore(%arg23 : memref<!tpu.dma_semaphore, #tpu.memory_space<semaphore_mem>>) src(%dma_wait3A_93 : memref<131072x128xf32, #tpu.memory_space<hbm>>) dst(%arg14 : memref<128x128xf32, #tpu.memory_space<vmem>>)
        %dma_wait3A_94 = arith.constant 0 : i32
        %dma_wait3A_95 = arith.constant 0 : i32
        %dma_wait3A_96 = tpu.memref_slice %arg2[%dma_wait3A_94, %dma_wait3A_95] : memref<131072x128xf32, #tpu.memory_space<hbm>> -> memref<131072x128xf32, #tpu.memory_space<hbm>>
        tpu.wait_indirect_dma semaphore(%arg24 : memref<!tpu.dma_semaphore, #tpu.memory_space<semaphore_mem>>) src(%dma_wait3A_96 : memref<131072x128xf32, #tpu.memory_space<hbm>>) dst(%arg17 : memref<96x128xf32, #tpu.memory_space<vmem>>)
        %dma_wait3A_97 = arith.constant 0 : i32
        %dma_wait3A_98 = arith.constant 0 : i32
        %dma_wait3A_99 = tpu.memref_slice %arg2[%dma_wait3A_97, %dma_wait3A_98] : memref<131072x128xf32, #tpu.memory_space<hbm>> -> memref<131072x128xf32, #tpu.memory_space<hbm>>
        tpu.wait_indirect_dma semaphore(%arg25 : memref<!tpu.dma_semaphore, #tpu.memory_space<semaphore_mem>>) src(%dma_wait3A_99 : memref<131072x128xf32, #tpu.memory_space<hbm>>) dst(%arg15 : memref<128x128xf32, #tpu.memory_space<vmem>>)
        %dma_wait3A_100 = arith.constant 0 : i32
        %dma_wait3A_101 = arith.constant 0 : i32
        %dma_wait3A_102 = tpu.memref_slice %arg2[%dma_wait3A_100, %dma_wait3A_101] : memref<131072x128xf32, #tpu.memory_space<hbm>> -> memref<131072x128xf32, #tpu.memory_space<hbm>>
        tpu.wait_indirect_dma semaphore(%arg26 : memref<!tpu.dma_semaphore, #tpu.memory_space<semaphore_mem>>) src(%dma_wait3A_102 : memref<131072x128xf32, #tpu.memory_space<hbm>>) dst(%arg18 : memref<96x128xf32, #tpu.memory_space<vmem>>)
        %min3A_103 = arith.constant 128 : i32
        %min3A_104 = arith.minsi %min3A_47, %min3A_103 : i32
        %add3A_105 = arith.constant 4 : i32
        %add3A_106 = arith.addi %min3A_104, %add3A_105 : i32
        %sub3A = arith.constant 1 : i32
        %sub3A_107 = arith.subi %add3A_106, %sub3A : i32
        %jit3A = arith.constant 4 : i32
        %div3A = arith.divsi %sub3A_107, %jit3A : i32
        %sign3A = arith.constant 0 : i32
        %sign3A_108 = arith.cmpi sgt, %sub3A_107, %sign3A : i32
        %sign3A_109 = arith.extui %sign3A_108 : i1 to i32
        %sign3A_110 = arith.constant 0 : i32
        %sign3A_111 = arith.cmpi slt, %sub3A_107, %sign3A_110 : i32
        %sign3A_112 = arith.extui %sign3A_111 : i1 to i32
        %sign3A_113 = arith.subi %sign3A_109, %sign3A_112 : i32
        %sign3A_114 = arith.constant 0 : i32
        %sign3A_115 = arith.cmpi sgt, %jit3A, %sign3A_114 : i32
        %sign3A_116 = arith.extui %sign3A_115 : i1 to i32
        %sign3A_117 = arith.constant 0 : i32
        %sign3A_118 = arith.cmpi slt, %jit3A, %sign3A_117 : i32
        %sign3A_119 = arith.extui %sign3A_118 : i1 to i32
        %sign3A_120 = arith.subi %sign3A_116, %sign3A_119 : i32
        %ne3A = arith.cmpi ne, %sign3A_113, %sign3A_120 : i32
        %rem3A = arith.remsi %sub3A_107, %jit3A : i32
        %ne3A_121 = arith.constant 0 : i32
        %ne3A_122 = arith.cmpi ne, %rem3A, %ne3A_121 : i32
        %and3A = arith.andi %ne3A, %ne3A_122 : i1
        %sub3A_123 = arith.constant 1 : i32
        %sub3A_124 = arith.subi %div3A, %sub3A_123 : i32
        %select_n3A = arith.select %and3A, %sub3A_124, %div3A : i32
        %while3A = arith.constant 0 : i32
        %while3A_125 = arith.constant 0.000000e+00 : f32
        %while3A_126 = arith.subi %select_n3A, %while3A : i32
        %while3A_127 = arith.addi %while3A, %while3A_126 : i32
        %while3A_128 = arith.constant 1 : i32
        %while3A_129 = arith.divsi %while3A_126, %while3A_128 : i32
        %while3A_130 = arith.muli %while3A_129, %while3A_128 : i32
        %while3A_131 = arith.addi %while3A, %while3A_130 : i32
        %while3A_132 = arith.constant 1 : i32
        %while3A_133 = scf.for %while3A_192 = %while3A to %while3A_131 step %while3A_132 iter_args(%while3A_193 = %while3A_125) -> (f32)  : i32 {
          %mul3A_194 = arith.constant 4 : i32
          %mul3A_195 = arith.muli %while3A_192, %mul3A_194 : i32
          %add3A_196 = arith.constant 0 : i32
          %add3A_197 = arith.addi %mul3A_195, %add3A_196 : i32
          %broadcast_in_dim3A_198 = vector.broadcast %add3A_197 : i32 to vector<16xi32>
          %broadcast_in_dim3A_199 = arith.constant 0.000000e+00 : f32
          %broadcast_in_dim3A_200 = vector.broadcast %broadcast_in_dim3A_199 : f32 to vector<16xf32>
          %add3A_201 = arith.constant 0 : i32
          %add3A_202 = vector.broadcast %add3A_201 : i32 to vector<16xi32>
          %add3A_203 = arith.addi %add3A_202, %iota3A : vector<16xi32>
          %gather3A_204 = tpu.vector_load_idx %arg13[%broadcast_in_dim3A_198, %add3A_203] : memref<128x128xf32, #tpu.memory_space<vmem>>[vector<16xi32>, vector<16xi32>], vector<16xf32>,
          %gather3A_205 = tpu.vector_load_idx %arg14[%broadcast_in_dim3A_198, %add3A_203] : memref<128x128xf32, #tpu.memory_space<vmem>>[vector<16xi32>, vector<16xi32>], vector<16xf32>,
          %gather3A_206 = tpu.vector_load_idx %arg15[%broadcast_in_dim3A_198, %add3A_203] : memref<128x128xf32, #tpu.memory_space<vmem>>[vector<16xi32>, vector<16xi32>], vector<16xf32>,
          %sub3A_207 = arith.subf %gather3A_206, %gather3A_205 : vector<16xf32>
          %mul3A_208 = arith.mulf %gather3A_204, %sub3A_207 : vector<16xf32>
          %add3A_209 = arith.addf %broadcast_in_dim3A_200, %mul3A_208 : vector<16xf32>
          %add3A_210 = arith.constant 16 : i32
          %add3A_211 = vector.broadcast %add3A_210 : i32 to vector<16xi32>
          %add3A_212 = arith.addi %add3A_211, %iota3A : vector<16xi32>
          %gather3A_213 = tpu.vector_load_idx %arg13[%broadcast_in_dim3A_198, %add3A_212] : memref<128x128xf32, #tpu.memory_space<vmem>>[vector<16xi32>, vector<16xi32>], vector<16xf32>,
          %gather3A_214 = tpu.vector_load_idx %arg14[%broadcast_in_dim3A_198, %add3A_212] : memref<128x128xf32, #tpu.memory_space<vmem>>[vector<16xi32>, vector<16xi32>], vector<16xf32>,
          %gather3A_215 = tpu.vector_load_idx %arg15[%broadcast_in_dim3A_198, %add3A_212] : memref<128x128xf32, #tpu.memory_space<vmem>>[vector<16xi32>, vector<16xi32>], vector<16xf32>,
          %sub3A_216 = arith.subf %gather3A_215, %gather3A_214 : vector<16xf32>
          %mul3A_217 = arith.mulf %gather3A_213, %sub3A_216 : vector<16xf32>
          %add3A_218 = arith.addf %add3A_209, %mul3A_217 : vector<16xf32>
          %add3A_219 = arith.constant 32 : i32
          %add3A_220 = vector.broadcast %add3A_219 : i32 to vector<16xi32>
          %add3A_221 = arith.addi %add3A_220, %iota3A : vector<16xi32>
          %gather3A_222 = tpu.vector_load_idx %arg13[%broadcast_in_dim3A_198, %add3A_221] : memref<128x128xf32, #tpu.memory_space<vmem>>[vector<16xi32>, vector<16xi32>], vector<16xf32>,
          %gather3A_223 = tpu.vector_load_idx %arg14[%broadcast_in_dim3A_198, %add3A_221] : memref<128x128xf32, #tpu.memory_space<vmem>>[vector<16xi32>, vector<16xi32>], vector<16xf32>,
          %gather3A_224 = tpu.vector_load_idx %arg15[%broadcast_in_dim3A_198, %add3A_221] : memref<128x128xf32, #tpu.memory_space<vmem>>[vector<16xi32>, vector<16xi32>], vector<16xf32>,
          %sub3A_225 = arith.subf %gather3A_224, %gather3A_223 : vector<16xf32>
          %mul3A_226 = arith.mulf %gather3A_222, %sub3A_225 : vector<16xf32>
          %add3A_227 = arith.addf %add3A_218, %mul3A_226 : vector<16xf32>
          %add3A_228 = arith.constant 48 : i32
          %add3A_229 = vector.broadcast %add3A_228 : i32 to vector<16xi32>
          %add3A_230 = arith.addi %add3A_229, %iota3A : vector<16xi32>
          %gather3A_231 = tpu.vector_load_idx %arg13[%broadcast_in_dim3A_198, %add3A_230] : memref<128x128xf32, #tpu.memory_space<vmem>>[vector<16xi32>, vector<16xi32>], vector<16xf32>,
          %gather3A_232 = tpu.vector_load_idx %arg14[%broadcast_in_dim3A_198, %add3A_230] : memref<128x128xf32, #tpu.memory_space<vmem>>[vector<16xi32>, vector<16xi32>], vector<16xf32>,
          %gather3A_233 = tpu.vector_load_idx %arg15[%broadcast_in_dim3A_198, %add3A_230] : memref<128x128xf32, #tpu.memory_space<vmem>>[vector<16xi32>, vector<16xi32>], vector<16xf32>,
          %sub3A_234 = arith.subf %gather3A_233, %gather3A_232 : vector<16xf32>
          %mul3A_235 = arith.mulf %gather3A_231, %sub3A_234 : vector<16xf32>
          %add3A_236 = arith.addf %add3A_227, %mul3A_235 : vector<16xf32>
          %add3A_237 = arith.constant 64 : i32
          %add3A_238 = vector.broadcast %add3A_237 : i32 to vector<16xi32>
          %add3A_239 = arith.addi %add3A_238, %iota3A : vector<16xi32>
          %gather3A_240 = tpu.vector_load_idx %arg13[%broadcast_in_dim3A_198, %add3A_239] : memref<128x128xf32, #tpu.memory_space<vmem>>[vector<16xi32>, vector<16xi32>], vector<16xf32>,
          %gather3A_241 = tpu.vector_load_idx %arg14[%broadcast_in_dim3A_198, %add3A_239] : memref<128x128xf32, #tpu.memory_space<vmem>>[vector<16xi32>, vector<16xi32>], vector<16xf32>,
          %gather3A_242 = tpu.vector_load_idx %arg15[%broadcast_in_dim3A_198, %add3A_239] : memref<128x128xf32, #tpu.memory_space<vmem>>[vector<16xi32>, vector<16xi32>], vector<16xf32>,
          %sub3A_243 = arith.subf %gather3A_242, %gather3A_241 : vector<16xf32>
          %mul3A_244 = arith.mulf %gather3A_240, %sub3A_243 : vector<16xf32>
          %add3A_245 = arith.addf %add3A_236, %mul3A_244 : vector<16xf32>
          %add3A_246 = arith.constant 80 : i32
          %add3A_247 = vector.broadcast %add3A_246 : i32 to vector<16xi32>
          %add3A_248 = arith.addi %add3A_247, %iota3A : vector<16xi32>
          %gather3A_249 = tpu.vector_load_idx %arg13[%broadcast_in_dim3A_198, %add3A_248] : memref<128x128xf32, #tpu.memory_space<vmem>>[vector<16xi32>, vector<16xi32>], vector<16xf32>,
          %gather3A_250 = tpu.vector_load_idx %arg14[%broadcast_in_dim3A_198, %add3A_248] : memref<128x128xf32, #tpu.memory_space<vmem>>[vector<16xi32>, vector<16xi32>], vector<16xf32>,
          %gather3A_251 = tpu.vector_load_idx %arg15[%broadcast_in_dim3A_198, %add3A_248] : memref<128x128xf32, #tpu.memory_space<vmem>>[vector<16xi32>, vector<16xi32>], vector<16xf32>,
          %sub3A_252 = arith.subf %gather3A_251, %gather3A_250 : vector<16xf32>
          %mul3A_253 = arith.mulf %gather3A_249, %sub3A_252 : vector<16xf32>
          %add3A_254 = arith.addf %add3A_245, %mul3A_253 : vector<16xf32>
          %reduce_sum3A = arith.constant true
          %reduce_sum3A_255 = vector.broadcast %reduce_sum3A : i1 to vector<16xi1>
          %reduce_sum3A_256 = tpu.scan <sum>, %add3A_254 masked %reduce_sum3A_255 : vector<16xf32>, vector<16xi1> -> vector<16xf32>
          %reduce_sum3A_257 = vector.extract %reduce_sum3A_256[15] : f32 from vector<16xf32>
          %add3A_258 = arith.constant 6.000000e-01 : f32
          %add3A_259 = arith.addf %reduce_sum3A_257, %add3A_258 : f32
          %max3A_260 = arith.constant 0.000000e+00 : f32
          %max3A_261 = arith.maximumf %add3A_259, %max3A_260 : f32
          %add3A_262 = arith.constant 0 : i32
          %add3A_263 = arith.addi %add3A_262, %add3A_197 : i32
          %lt3A_264 = arith.cmpi slt, %add3A_263, %min3A_47 : i32
          %jit3A_265 = arith.constant 0.000000e+00 : f32
          %select_n3A_266 = arith.select %lt3A_264, %max3A_261, %jit3A_265 : f32
          %add3A_267 = arith.constant 0.000000e+00 : f32
          %add3A_268 = arith.addf %add3A_267, %select_n3A_266 : f32
          %mul3A_269 = arith.constant 4 : i32
          %mul3A_270 = arith.muli %while3A_192, %mul3A_269 : i32
          %add3A_271 = arith.constant 1 : i32
          %add3A_272 = arith.addi %mul3A_270, %add3A_271 : i32
          %broadcast_in_dim3A_273 = vector.broadcast %add3A_272 : i32 to vector<16xi32>
          %broadcast_in_dim3A_274 = arith.constant 0.000000e+00 : f32
          %broadcast_in_dim3A_275 = vector.broadcast %broadcast_in_dim3A_274 : f32 to vector<16xf32>
          %add3A_276 = arith.constant 0 : i32
          %add3A_277 = vector.broadcast %add3A_276 : i32 to vector<16xi32>
          %add3A_278 = arith.addi %add3A_277, %iota3A : vector<16xi32>
          %gather3A_279 = tpu.vector_load_idx %arg13[%broadcast_in_dim3A_273, %add3A_278] : memref<128x128xf32, #tpu.memory_space<vmem>>[vector<16xi32>, vector<16xi32>], vector<16xf32>,
          %gather3A_280 = tpu.vector_load_idx %arg14[%broadcast_in_dim3A_273, %add3A_278] : memref<128x128xf32, #tpu.memory_space<vmem>>[vector<16xi32>, vector<16xi32>], vector<16xf32>,
          %gather3A_281 = tpu.vector_load_idx %arg15[%broadcast_in_dim3A_273, %add3A_278] : memref<128x128xf32, #tpu.memory_space<vmem>>[vector<16xi32>, vector<16xi32>], vector<16xf32>,
          %sub3A_282 = arith.subf %gather3A_281, %gather3A_280 : vector<16xf32>
          %mul3A_283 = arith.mulf %gather3A_279, %sub3A_282 : vector<16xf32>
          %add3A_284 = arith.addf %broadcast_in_dim3A_275, %mul3A_283 : vector<16xf32>
          %add3A_285 = arith.constant 16 : i32
          %add3A_286 = vector.broadcast %add3A_285 : i32 to vector<16xi32>
          %add3A_287 = arith.addi %add3A_286, %iota3A : vector<16xi32>
          %gather3A_288 = tpu.vector_load_idx %arg13[%broadcast_in_dim3A_273, %add3A_287] : memref<128x128xf32, #tpu.memory_space<vmem>>[vector<16xi32>, vector<16xi32>], vector<16xf32>,
          %gather3A_289 = tpu.vector_load_idx %arg14[%broadcast_in_dim3A_273, %add3A_287] : memref<128x128xf32, #tpu.memory_space<vmem>>[vector<16xi32>, vector<16xi32>], vector<16xf32>,
          %gather3A_290 = tpu.vector_load_idx %arg15[%broadcast_in_dim3A_273, %add3A_287] : memref<128x128xf32, #tpu.memory_space<vmem>>[vector<16xi32>, vector<16xi32>], vector<16xf32>,
          %sub3A_291 = arith.subf %gather3A_290, %gather3A_289 : vector<16xf32>
          %mul3A_292 = arith.mulf %gather3A_288, %sub3A_291 : vector<16xf32>
          %add3A_293 = arith.addf %add3A_284, %mul3A_292 : vector<16xf32>
          %add3A_294 = arith.constant 32 : i32
          %add3A_295 = vector.broadcast %add3A_294 : i32 to vector<16xi32>
          %add3A_296 = arith.addi %add3A_295, %iota3A : vector<16xi32>
          %gather3A_297 = tpu.vector_load_idx %arg13[%broadcast_in_dim3A_273, %add3A_296] : memref<128x128xf32, #tpu.memory_space<vmem>>[vector<16xi32>, vector<16xi32>], vector<16xf32>,
          %gather3A_298 = tpu.vector_load_idx %arg14[%broadcast_in_dim3A_273, %add3A_296] : memref<128x128xf32, #tpu.memory_space<vmem>>[vector<16xi32>, vector<16xi32>], vector<16xf32>,
          %gather3A_299 = tpu.vector_load_idx %arg15[%broadcast_in_dim3A_273, %add3A_296] : memref<128x128xf32, #tpu.memory_space<vmem>>[vector<16xi32>, vector<16xi32>], vector<16xf32>,
          %sub3A_300 = arith.subf %gather3A_299, %gather3A_298 : vector<16xf32>
          %mul3A_301 = arith.mulf %gather3A_297, %sub3A_300 : vector<16xf32>
          %add3A_302 = arith.addf %add3A_293, %mul3A_301 : vector<16xf32>
          %add3A_303 = arith.constant 48 : i32
          %add3A_304 = vector.broadcast %add3A_303 : i32 to vector<16xi32>
          %add3A_305 = arith.addi %add3A_304, %iota3A : vector<16xi32>
          %gather3A_306 = tpu.vector_load_idx %arg13[%broadcast_in_dim3A_273, %add3A_305] : memref<128x128xf32, #tpu.memory_space<vmem>>[vector<16xi32>, vector<16xi32>], vector<16xf32>,
          %gather3A_307 = tpu.vector_load_idx %arg14[%broadcast_in_dim3A_273, %add3A_305] : memref<128x128xf32, #tpu.memory_space<vmem>>[vector<16xi32>, vector<16xi32>], vector<16xf32>,
          %gather3A_308 = tpu.vector_load_idx %arg15[%broadcast_in_dim3A_273, %add3A_305] : memref<128x128xf32, #tpu.memory_space<vmem>>[vector<16xi32>, vector<16xi32>], vector<16xf32>,
          %sub3A_309 = arith.subf %gather3A_308, %gather3A_307 : vector<16xf32>
          %mul3A_310 = arith.mulf %gather3A_306, %sub3A_309 : vector<16xf32>
          %add3A_311 = arith.addf %add3A_302, %mul3A_310 : vector<16xf32>
          %add3A_312 = arith.constant 64 : i32
          %add3A_313 = vector.broadcast %add3A_312 : i32 to vector<16xi32>
          %add3A_314 = arith.addi %add3A_313, %iota3A : vector<16xi32>
          %gather3A_315 = tpu.vector_load_idx %arg13[%broadcast_in_dim3A_273, %add3A_314] : memref<128x128xf32, #tpu.memory_space<vmem>>[vector<16xi32>, vector<16xi32>], vector<16xf32>,
          %gather3A_316 = tpu.vector_load_idx %arg14[%broadcast_in_dim3A_273, %add3A_314] : memref<128x128xf32, #tpu.memory_space<vmem>>[vector<16xi32>, vector<16xi32>], vector<16xf32>,
          %gather3A_317 = tpu.vector_load_idx %arg15[%broadcast_in_dim3A_273, %add3A_314] : memref<128x128xf32, #tpu.memory_space<vmem>>[vector<16xi32>, vector<16xi32>], vector<16xf32>,
          %sub3A_318 = arith.subf %gather3A_317, %gather3A_316 : vector<16xf32>
          %mul3A_319 = arith.mulf %gather3A_315, %sub3A_318 : vector<16xf32>
          %add3A_320 = arith.addf %add3A_311, %mul3A_319 : vector<16xf32>
          %add3A_321 = arith.constant 80 : i32
          %add3A_322 = vector.broadcast %add3A_321 : i32 to vector<16xi32>
          %add3A_323 = arith.addi %add3A_322, %iota3A : vector<16xi32>
          %gather3A_324 = tpu.vector_load_idx %arg13[%broadcast_in_dim3A_273, %add3A_323] : memref<128x128xf32, #tpu.memory_space<vmem>>[vector<16xi32>, vector<16xi32>], vector<16xf32>,
          %gather3A_325 = tpu.vector_load_idx %arg14[%broadcast_in_dim3A_273, %add3A_323] : memref<128x128xf32, #tpu.memory_space<vmem>>[vector<16xi32>, vector<16xi32>], vector<16xf32>,
          %gather3A_326 = tpu.vector_load_idx %arg15[%broadcast_in_dim3A_273, %add3A_323] : memref<128x128xf32, #tpu.memory_space<vmem>>[vector<16xi32>, vector<16xi32>], vector<16xf32>,
          %sub3A_327 = arith.subf %gather3A_326, %gather3A_325 : vector<16xf32>
          %mul3A_328 = arith.mulf %gather3A_324, %sub3A_327 : vector<16xf32>
          %add3A_329 = arith.addf %add3A_320, %mul3A_328 : vector<16xf32>
          %reduce_sum3A_330 = arith.constant true
          %reduce_sum3A_331 = vector.broadcast %reduce_sum3A_330 : i1 to vector<16xi1>
          %reduce_sum3A_332 = tpu.scan <sum>, %add3A_329 masked %reduce_sum3A_331 : vector<16xf32>, vector<16xi1> -> vector<16xf32>
          %reduce_sum3A_333 = vector.extract %reduce_sum3A_332[15] : f32 from vector<16xf32>
          %add3A_334 = arith.constant 6.000000e-01 : f32
          %add3A_335 = arith.addf %reduce_sum3A_333, %add3A_334 : f32
          %max3A_336 = arith.constant 0.000000e+00 : f32
          %max3A_337 = arith.maximumf %add3A_335, %max3A_336 : f32
          %add3A_338 = arith.constant 0 : i32
          %add3A_339 = arith.addi %add3A_338, %add3A_272 : i32
          %lt3A_340 = arith.cmpi slt, %add3A_339, %min3A_47 : i32
          %jit3A_341 = arith.constant 0.000000e+00 : f32
          %select_n3A_342 = arith.select %lt3A_340, %max3A_337, %jit3A_341 : f32
          %add3A_343 = arith.addf %add3A_268, %select_n3A_342 : f32
          %mul3A_344 = arith.constant 4 : i32
          %mul3A_345 = arith.muli %while3A_192, %mul3A_344 : i32
          %add3A_346 = arith.constant 2 : i32
          %add3A_347 = arith.addi %mul3A_345, %add3A_346 : i32
          %broadcast_in_dim3A_348 = vector.broadcast %add3A_347 : i32 to vector<16xi32>
          %broadcast_in_dim3A_349 = arith.constant 0.000000e+00 : f32
          %broadcast_in_dim3A_350 = vector.broadcast %broadcast_in_dim3A_349 : f32 to vector<16xf32>
          %add3A_351 = arith.constant 0 : i32
          %add3A_352 = vector.broadcast %add3A_351 : i32 to vector<16xi32>
          %add3A_353 = arith.addi %add3A_352, %iota3A : vector<16xi32>
          %gather3A_354 = tpu.vector_load_idx %arg13[%broadcast_in_dim3A_348, %add3A_353] : memref<128x128xf32, #tpu.memory_space<vmem>>[vector<16xi32>, vector<16xi32>], vector<16xf32>,
          %gather3A_355 = tpu.vector_load_idx %arg14[%broadcast_in_dim3A_348, %add3A_353] : memref<128x128xf32, #tpu.memory_space<vmem>>[vector<16xi32>, vector<16xi32>], vector<16xf32>,
          %gather3A_356 = tpu.vector_load_idx %arg15[%broadcast_in_dim3A_348, %add3A_353] : memref<128x128xf32, #tpu.memory_space<vmem>>[vector<16xi32>, vector<16xi32>], vector<16xf32>,
          %sub3A_357 = arith.subf %gather3A_356, %gather3A_355 : vector<16xf32>
          %mul3A_358 = arith.mulf %gather3A_354, %sub3A_357 : vector<16xf32>
          %add3A_359 = arith.addf %broadcast_in_dim3A_350, %mul3A_358 : vector<16xf32>
          %add3A_360 = arith.constant 16 : i32
          %add3A_361 = vector.broadcast %add3A_360 : i32 to vector<16xi32>
          %add3A_362 = arith.addi %add3A_361, %iota3A : vector<16xi32>
          %gather3A_363 = tpu.vector_load_idx %arg13[%broadcast_in_dim3A_348, %add3A_362] : memref<128x128xf32, #tpu.memory_space<vmem>>[vector<16xi32>, vector<16xi32>], vector<16xf32>,
          %gather3A_364 = tpu.vector_load_idx %arg14[%broadcast_in_dim3A_348, %add3A_362] : memref<128x128xf32, #tpu.memory_space<vmem>>[vector<16xi32>, vector<16xi32>], vector<16xf32>,
          %gather3A_365 = tpu.vector_load_idx %arg15[%broadcast_in_dim3A_348, %add3A_362] : memref<128x128xf32, #tpu.memory_space<vmem>>[vector<16xi32>, vector<16xi32>], vector<16xf32>,
          %sub3A_366 = arith.subf %gather3A_365, %gather3A_364 : vector<16xf32>
          %mul3A_367 = arith.mulf %gather3A_363, %sub3A_366 : vector<16xf32>
          %add3A_368 = arith.addf %add3A_359, %mul3A_367 : vector<16xf32>
          %add3A_369 = arith.constant 32 : i32
          %add3A_370 = vector.broadcast %add3A_369 : i32 to vector<16xi32>
          %add3A_371 = arith.addi %add3A_370, %iota3A : vector<16xi32>
          %gather3A_372 = tpu.vector_load_idx %arg13[%broadcast_in_dim3A_348, %add3A_371] : memref<128x128xf32, #tpu.memory_space<vmem>>[vector<16xi32>, vector<16xi32>], vector<16xf32>,
          %gather3A_373 = tpu.vector_load_idx %arg14[%broadcast_in_dim3A_348, %add3A_371] : memref<128x128xf32, #tpu.memory_space<vmem>>[vector<16xi32>, vector<16xi32>], vector<16xf32>,
          %gather3A_374 = tpu.vector_load_idx %arg15[%broadcast_in_dim3A_348, %add3A_371] : memref<128x128xf32, #tpu.memory_space<vmem>>[vector<16xi32>, vector<16xi32>], vector<16xf32>,
          %sub3A_375 = arith.subf %gather3A_374, %gather3A_373 : vector<16xf32>
          %mul3A_376 = arith.mulf %gather3A_372, %sub3A_375 : vector<16xf32>
          %add3A_377 = arith.addf %add3A_368, %mul3A_376 : vector<16xf32>
          %add3A_378 = arith.constant 48 : i32
          %add3A_379 = vector.broadcast %add3A_378 : i32 to vector<16xi32>
          %add3A_380 = arith.addi %add3A_379, %iota3A : vector<16xi32>
          %gather3A_381 = tpu.vector_load_idx %arg13[%broadcast_in_dim3A_348, %add3A_380] : memref<128x128xf32, #tpu.memory_space<vmem>>[vector<16xi32>, vector<16xi32>], vector<16xf32>,
          %gather3A_382 = tpu.vector_load_idx %arg14[%broadcast_in_dim3A_348, %add3A_380] : memref<128x128xf32, #tpu.memory_space<vmem>>[vector<16xi32>, vector<16xi32>], vector<16xf32>,
          %gather3A_383 = tpu.vector_load_idx %arg15[%broadcast_in_dim3A_348, %add3A_380] : memref<128x128xf32, #tpu.memory_space<vmem>>[vector<16xi32>, vector<16xi32>], vector<16xf32>,
          %sub3A_384 = arith.subf %gather3A_383, %gather3A_382 : vector<16xf32>
          %mul3A_385 = arith.mulf %gather3A_381, %sub3A_384 : vector<16xf32>
          %add3A_386 = arith.addf %add3A_377, %mul3A_385 : vector<16xf32>
          %add3A_387 = arith.constant 64 : i32
          %add3A_388 = vector.broadcast %add3A_387 : i32 to vector<16xi32>
          %add3A_389 = arith.addi %add3A_388, %iota3A : vector<16xi32>
          %gather3A_390 = tpu.vector_load_idx %arg13[%broadcast_in_dim3A_348, %add3A_389] : memref<128x128xf32, #tpu.memory_space<vmem>>[vector<16xi32>, vector<16xi32>], vector<16xf32>,
          %gather3A_391 = tpu.vector_load_idx %arg14[%broadcast_in_dim3A_348, %add3A_389] : memref<128x128xf32, #tpu.memory_space<vmem>>[vector<16xi32>, vector<16xi32>], vector<16xf32>,
          %gather3A_392 = tpu.vector_load_idx %arg15[%broadcast_in_dim3A_348, %add3A_389] : memref<128x128xf32, #tpu.memory_space<vmem>>[vector<16xi32>, vector<16xi32>], vector<16xf32>,
          %sub3A_393 = arith.subf %gather3A_392, %gather3A_391 : vector<16xf32>
          %mul3A_394 = arith.mulf %gather3A_390, %sub3A_393 : vector<16xf32>
          %add3A_395 = arith.addf %add3A_386, %mul3A_394 : vector<16xf32>
          %add3A_396 = arith.constant 80 : i32
          %add3A_397 = vector.broadcast %add3A_396 : i32 to vector<16xi32>
          %add3A_398 = arith.addi %add3A_397, %iota3A : vector<16xi32>
          %gather3A_399 = tpu.vector_load_idx %arg13[%broadcast_in_dim3A_348, %add3A_398] : memref<128x128xf32, #tpu.memory_space<vmem>>[vector<16xi32>, vector<16xi32>], vector<16xf32>,
          %gather3A_400 = tpu.vector_load_idx %arg14[%broadcast_in_dim3A_348, %add3A_398] : memref<128x128xf32, #tpu.memory_space<vmem>>[vector<16xi32>, vector<16xi32>], vector<16xf32>,
          %gather3A_401 = tpu.vector_load_idx %arg15[%broadcast_in_dim3A_348, %add3A_398] : memref<128x128xf32, #tpu.memory_space<vmem>>[vector<16xi32>, vector<16xi32>], vector<16xf32>,
          %sub3A_402 = arith.subf %gather3A_401, %gather3A_400 : vector<16xf32>
          %mul3A_403 = arith.mulf %gather3A_399, %sub3A_402 : vector<16xf32>
          %add3A_404 = arith.addf %add3A_395, %mul3A_403 : vector<16xf32>
          %reduce_sum3A_405 = arith.constant true
          %reduce_sum3A_406 = vector.broadcast %reduce_sum3A_405 : i1 to vector<16xi1>
          %reduce_sum3A_407 = tpu.scan <sum>, %add3A_404 masked %reduce_sum3A_406 : vector<16xf32>, vector<16xi1> -> vector<16xf32>
          %reduce_sum3A_408 = vector.extract %reduce_sum3A_407[15] : f32 from vector<16xf32>
          %add3A_409 = arith.constant 6.000000e-01 : f32
          %add3A_410 = arith.addf %reduce_sum3A_408, %add3A_409 : f32
          %max3A_411 = arith.constant 0.000000e+00 : f32
          %max3A_412 = arith.maximumf %add3A_410, %max3A_411 : f32
          %add3A_413 = arith.constant 0 : i32
          %add3A_414 = arith.addi %add3A_413, %add3A_347 : i32
          %lt3A_415 = arith.cmpi slt, %add3A_414, %min3A_47 : i32
          %jit3A_416 = arith.constant 0.000000e+00 : f32
          %select_n3A_417 = arith.select %lt3A_415, %max3A_412, %jit3A_416 : f32
          %add3A_418 = arith.addf %add3A_343, %select_n3A_417 : f32
          %mul3A_419 = arith.constant 4 : i32
          %mul3A_420 = arith.muli %while3A_192, %mul3A_419 : i32
          %add3A_421 = arith.constant 3 : i32
          %add3A_422 = arith.addi %mul3A_420, %add3A_421 : i32
          %broadcast_in_dim3A_423 = vector.broadcast %add3A_422 : i32 to vector<16xi32>
          %broadcast_in_dim3A_424 = arith.constant 0.000000e+00 : f32
          %broadcast_in_dim3A_425 = vector.broadcast %broadcast_in_dim3A_424 : f32 to vector<16xf32>
          %add3A_426 = arith.constant 0 : i32
          %add3A_427 = vector.broadcast %add3A_426 : i32 to vector<16xi32>
          %add3A_428 = arith.addi %add3A_427, %iota3A : vector<16xi32>
          %gather3A_429 = tpu.vector_load_idx %arg13[%broadcast_in_dim3A_423, %add3A_428] : memref<128x128xf32, #tpu.memory_space<vmem>>[vector<16xi32>, vector<16xi32>], vector<16xf32>,
          %gather3A_430 = tpu.vector_load_idx %arg14[%broadcast_in_dim3A_423, %add3A_428] : memref<128x128xf32, #tpu.memory_space<vmem>>[vector<16xi32>, vector<16xi32>], vector<16xf32>,
          %gather3A_431 = tpu.vector_load_idx %arg15[%broadcast_in_dim3A_423, %add3A_428] : memref<128x128xf32, #tpu.memory_space<vmem>>[vector<16xi32>, vector<16xi32>], vector<16xf32>,
          %sub3A_432 = arith.subf %gather3A_431, %gather3A_430 : vector<16xf32>
          %mul3A_433 = arith.mulf %gather3A_429, %sub3A_432 : vector<16xf32>
          %add3A_434 = arith.addf %broadcast_in_dim3A_425, %mul3A_433 : vector<16xf32>
          %add3A_435 = arith.constant 16 : i32
          %add3A_436 = vector.broadcast %add3A_435 : i32 to vector<16xi32>
          %add3A_437 = arith.addi %add3A_436, %iota3A : vector<16xi32>
          %gather3A_438 = tpu.vector_load_idx %arg13[%broadcast_in_dim3A_423, %add3A_437] : memref<128x128xf32, #tpu.memory_space<vmem>>[vector<16xi32>, vector<16xi32>], vector<16xf32>,
          %gather3A_439 = tpu.vector_load_idx %arg14[%broadcast_in_dim3A_423, %add3A_437] : memref<128x128xf32, #tpu.memory_space<vmem>>[vector<16xi32>, vector<16xi32>], vector<16xf32>,
          %gather3A_440 = tpu.vector_load_idx %arg15[%broadcast_in_dim3A_423, %add3A_437] : memref<128x128xf32, #tpu.memory_space<vmem>>[vector<16xi32>, vector<16xi32>], vector<16xf32>,
          %sub3A_441 = arith.subf %gather3A_440, %gather3A_439 : vector<16xf32>
          %mul3A_442 = arith.mulf %gather3A_438, %sub3A_441 : vector<16xf32>
          %add3A_443 = arith.addf %add3A_434, %mul3A_442 : vector<16xf32>
          %add3A_444 = arith.constant 32 : i32
          %add3A_445 = vector.broadcast %add3A_444 : i32 to vector<16xi32>
          %add3A_446 = arith.addi %add3A_445, %iota3A : vector<16xi32>
          %gather3A_447 = tpu.vector_load_idx %arg13[%broadcast_in_dim3A_423, %add3A_446] : memref<128x128xf32, #tpu.memory_space<vmem>>[vector<16xi32>, vector<16xi32>], vector<16xf32>,
          %gather3A_448 = tpu.vector_load_idx %arg14[%broadcast_in_dim3A_423, %add3A_446] : memref<128x128xf32, #tpu.memory_space<vmem>>[vector<16xi32>, vector<16xi32>], vector<16xf32>,
          %gather3A_449 = tpu.vector_load_idx %arg15[%broadcast_in_dim3A_423, %add3A_446] : memref<128x128xf32, #tpu.memory_space<vmem>>[vector<16xi32>, vector<16xi32>], vector<16xf32>,
          %sub3A_450 = arith.subf %gather3A_449, %gather3A_448 : vector<16xf32>
          %mul3A_451 = arith.mulf %gather3A_447, %sub3A_450 : vector<16xf32>
          %add3A_452 = arith.addf %add3A_443, %mul3A_451 : vector<16xf32>
          %add3A_453 = arith.constant 48 : i32
          %add3A_454 = vector.broadcast %add3A_453 : i32 to vector<16xi32>
          %add3A_455 = arith.addi %add3A_454, %iota3A : vector<16xi32>
          %gather3A_456 = tpu.vector_load_idx %arg13[%broadcast_in_dim3A_423, %add3A_455] : memref<128x128xf32, #tpu.memory_space<vmem>>[vector<16xi32>, vector<16xi32>], vector<16xf32>,
          %gather3A_457 = tpu.vector_load_idx %arg14[%broadcast_in_dim3A_423, %add3A_455] : memref<128x128xf32, #tpu.memory_space<vmem>>[vector<16xi32>, vector<16xi32>], vector<16xf32>,
          %gather3A_458 = tpu.vector_load_idx %arg15[%broadcast_in_dim3A_423, %add3A_455] : memref<128x128xf32, #tpu.memory_space<vmem>>[vector<16xi32>, vector<16xi32>], vector<16xf32>,
          %sub3A_459 = arith.subf %gather3A_458, %gather3A_457 : vector<16xf32>
          %mul3A_460 = arith.mulf %gather3A_456, %sub3A_459 : vector<16xf32>
          %add3A_461 = arith.addf %add3A_452, %mul3A_460 : vector<16xf32>
          %add3A_462 = arith.constant 64 : i32
          %add3A_463 = vector.broadcast %add3A_462 : i32 to vector<16xi32>
          %add3A_464 = arith.addi %add3A_463, %iota3A : vector<16xi32>
          %gather3A_465 = tpu.vector_load_idx %arg13[%broadcast_in_dim3A_423, %add3A_464] : memref<128x128xf32, #tpu.memory_space<vmem>>[vector<16xi32>, vector<16xi32>], vector<16xf32>,
          %gather3A_466 = tpu.vector_load_idx %arg14[%broadcast_in_dim3A_423, %add3A_464] : memref<128x128xf32, #tpu.memory_space<vmem>>[vector<16xi32>, vector<16xi32>], vector<16xf32>,
          %gather3A_467 = tpu.vector_load_idx %arg15[%broadcast_in_dim3A_423, %add3A_464] : memref<128x128xf32, #tpu.memory_space<vmem>>[vector<16xi32>, vector<16xi32>], vector<16xf32>,
          %sub3A_468 = arith.subf %gather3A_467, %gather3A_466 : vector<16xf32>
          %mul3A_469 = arith.mulf %gather3A_465, %sub3A_468 : vector<16xf32>
          %add3A_470 = arith.addf %add3A_461, %mul3A_469 : vector<16xf32>
          %add3A_471 = arith.constant 80 : i32
          %add3A_472 = vector.broadcast %add3A_471 : i32 to vector<16xi32>
          %add3A_473 = arith.addi %add3A_472, %iota3A : vector<16xi32>
          %gather3A_474 = tpu.vector_load_idx %arg13[%broadcast_in_dim3A_423, %add3A_473] : memref<128x128xf32, #tpu.memory_space<vmem>>[vector<16xi32>, vector<16xi32>], vector<16xf32>,
          %gather3A_475 = tpu.vector_load_idx %arg14[%broadcast_in_dim3A_423, %add3A_473] : memref<128x128xf32, #tpu.memory_space<vmem>>[vector<16xi32>, vector<16xi32>], vector<16xf32>,
          %gather3A_476 = tpu.vector_load_idx %arg15[%broadcast_in_dim3A_423, %add3A_473] : memref<128x128xf32, #tpu.memory_space<vmem>>[vector<16xi32>, vector<16xi32>], vector<16xf32>,
          %sub3A_477 = arith.subf %gather3A_476, %gather3A_475 : vector<16xf32>
          %mul3A_478 = arith.mulf %gather3A_474, %sub3A_477 : vector<16xf32>
          %add3A_479 = arith.addf %add3A_470, %mul3A_478 : vector<16xf32>
          %reduce_sum3A_480 = arith.constant true
          %reduce_sum3A_481 = vector.broadcast %reduce_sum3A_480 : i1 to vector<16xi1>
          %reduce_sum3A_482 = tpu.scan <sum>, %add3A_479 masked %reduce_sum3A_481 : vector<16xf32>, vector<16xi1> -> vector<16xf32>
          %reduce_sum3A_483 = vector.extract %reduce_sum3A_482[15] : f32 from vector<16xf32>
          %add3A_484 = arith.constant 6.000000e-01 : f32
          %add3A_485 = arith.addf %reduce_sum3A_483, %add3A_484 : f32
          %max3A_486 = arith.constant 0.000000e+00 : f32
          %max3A_487 = arith.maximumf %add3A_485, %max3A_486 : f32
          %add3A_488 = arith.constant 0 : i32
          %add3A_489 = arith.addi %add3A_488, %add3A_422 : i32
          %lt3A_490 = arith.cmpi slt, %add3A_489, %min3A_47 : i32
          %jit3A_491 = arith.constant 0.000000e+00 : f32
          %select_n3A_492 = arith.select %lt3A_490, %max3A_487, %jit3A_491 : f32
          %add3A_493 = arith.addf %add3A_418, %select_n3A_492 : f32
          %add3A_494 = arith.addf %while3A_193, %add3A_493 : f32
          scf.yield %add3A_494 : f32
        }
        %while3A_134 = arith.constant 1 : i32
        %while3A_135 = scf.for %while3A_192 = %while3A_131 to %while3A_127 step %while3A_134 iter_args(%while3A_193 = %while3A_133) -> (f32)  : i32 {
          %mul3A_194 = arith.constant 4 : i32
          %mul3A_195 = arith.muli %while3A_192, %mul3A_194 : i32
          %add3A_196 = arith.constant 0 : i32
          %add3A_197 = arith.addi %mul3A_195, %add3A_196 : i32
          %broadcast_in_dim3A_198 = vector.broadcast %add3A_197 : i32 to vector<16xi32>
          %broadcast_in_dim3A_199 = arith.constant 0.000000e+00 : f32
          %broadcast_in_dim3A_200 = vector.broadcast %broadcast_in_dim3A_199 : f32 to vector<16xf32>
          %add3A_201 = arith.constant 0 : i32
          %add3A_202 = vector.broadcast %add3A_201 : i32 to vector<16xi32>
          %add3A_203 = arith.addi %add3A_202, %iota3A : vector<16xi32>
          %gather3A_204 = tpu.vector_load_idx %arg13[%broadcast_in_dim3A_198, %add3A_203] : memref<128x128xf32, #tpu.memory_space<vmem>>[vector<16xi32>, vector<16xi32>], vector<16xf32>,
          %gather3A_205 = tpu.vector_load_idx %arg14[%broadcast_in_dim3A_198, %add3A_203] : memref<128x128xf32, #tpu.memory_space<vmem>>[vector<16xi32>, vector<16xi32>], vector<16xf32>,
          %gather3A_206 = tpu.vector_load_idx %arg15[%broadcast_in_dim3A_198, %add3A_203] : memref<128x128xf32, #tpu.memory_space<vmem>>[vector<16xi32>, vector<16xi32>], vector<16xf32>,
          %sub3A_207 = arith.subf %gather3A_206, %gather3A_205 : vector<16xf32>
          %mul3A_208 = arith.mulf %gather3A_204, %sub3A_207 : vector<16xf32>
          %add3A_209 = arith.addf %broadcast_in_dim3A_200, %mul3A_208 : vector<16xf32>
          %add3A_210 = arith.constant 16 : i32
          %add3A_211 = vector.broadcast %add3A_210 : i32 to vector<16xi32>
          %add3A_212 = arith.addi %add3A_211, %iota3A : vector<16xi32>
          %gather3A_213 = tpu.vector_load_idx %arg13[%broadcast_in_dim3A_198, %add3A_212] : memref<128x128xf32, #tpu.memory_space<vmem>>[vector<16xi32>, vector<16xi32>], vector<16xf32>,
          %gather3A_214 = tpu.vector_load_idx %arg14[%broadcast_in_dim3A_198, %add3A_212] : memref<128x128xf32, #tpu.memory_space<vmem>>[vector<16xi32>, vector<16xi32>], vector<16xf32>,
          %gather3A_215 = tpu.vector_load_idx %arg15[%broadcast_in_dim3A_198, %add3A_212] : memref<128x128xf32, #tpu.memory_space<vmem>>[vector<16xi32>, vector<16xi32>], vector<16xf32>,
          %sub3A_216 = arith.subf %gather3A_215, %gather3A_214 : vector<16xf32>
          %mul3A_217 = arith.mulf %gather3A_213, %sub3A_216 : vector<16xf32>
          %add3A_218 = arith.addf %add3A_209, %mul3A_217 : vector<16xf32>
          %add3A_219 = arith.constant 32 : i32
          %add3A_220 = vector.broadcast %add3A_219 : i32 to vector<16xi32>
          %add3A_221 = arith.addi %add3A_220, %iota3A : vector<16xi32>
          %gather3A_222 = tpu.vector_load_idx %arg13[%broadcast_in_dim3A_198, %add3A_221] : memref<128x128xf32, #tpu.memory_space<vmem>>[vector<16xi32>, vector<16xi32>], vector<16xf32>,
          %gather3A_223 = tpu.vector_load_idx %arg14[%broadcast_in_dim3A_198, %add3A_221] : memref<128x128xf32, #tpu.memory_space<vmem>>[vector<16xi32>, vector<16xi32>], vector<16xf32>,
          %gather3A_224 = tpu.vector_load_idx %arg15[%broadcast_in_dim3A_198, %add3A_221] : memref<128x128xf32, #tpu.memory_space<vmem>>[vector<16xi32>, vector<16xi32>], vector<16xf32>,
          %sub3A_225 = arith.subf %gather3A_224, %gather3A_223 : vector<16xf32>
          %mul3A_226 = arith.mulf %gather3A_222, %sub3A_225 : vector<16xf32>
          %add3A_227 = arith.addf %add3A_218, %mul3A_226 : vector<16xf32>
          %add3A_228 = arith.constant 48 : i32
          %add3A_229 = vector.broadcast %add3A_228 : i32 to vector<16xi32>
          %add3A_230 = arith.addi %add3A_229, %iota3A : vector<16xi32>
          %gather3A_231 = tpu.vector_load_idx %arg13[%broadcast_in_dim3A_198, %add3A_230] : memref<128x128xf32, #tpu.memory_space<vmem>>[vector<16xi32>, vector<16xi32>], vector<16xf32>,
          %gather3A_232 = tpu.vector_load_idx %arg14[%broadcast_in_dim3A_198, %add3A_230] : memref<128x128xf32, #tpu.memory_space<vmem>>[vector<16xi32>, vector<16xi32>], vector<16xf32>,
          %gather3A_233 = tpu.vector_load_idx %arg15[%broadcast_in_dim3A_198, %add3A_230] : memref<128x128xf32, #tpu.memory_space<vmem>>[vector<16xi32>, vector<16xi32>], vector<16xf32>,
          %sub3A_234 = arith.subf %gather3A_233, %gather3A_232 : vector<16xf32>
          %mul3A_235 = arith.mulf %gather3A_231, %sub3A_234 : vector<16xf32>
          %add3A_236 = arith.addf %add3A_227, %mul3A_235 : vector<16xf32>
          %add3A_237 = arith.constant 64 : i32
          %add3A_238 = vector.broadcast %add3A_237 : i32 to vector<16xi32>
          %add3A_239 = arith.addi %add3A_238, %iota3A : vector<16xi32>
          %gather3A_240 = tpu.vector_load_idx %arg13[%broadcast_in_dim3A_198, %add3A_239] : memref<128x128xf32, #tpu.memory_space<vmem>>[vector<16xi32>, vector<16xi32>], vector<16xf32>,
          %gather3A_241 = tpu.vector_load_idx %arg14[%broadcast_in_dim3A_198, %add3A_239] : memref<128x128xf32, #tpu.memory_space<vmem>>[vector<16xi32>, vector<16xi32>], vector<16xf32>,
          %gather3A_242 = tpu.vector_load_idx %arg15[%broadcast_in_dim3A_198, %add3A_239] : memref<128x128xf32, #tpu.memory_space<vmem>>[vector<16xi32>, vector<16xi32>], vector<16xf32>,
          %sub3A_243 = arith.subf %gather3A_242, %gather3A_241 : vector<16xf32>
          %mul3A_244 = arith.mulf %gather3A_240, %sub3A_243 : vector<16xf32>
          %add3A_245 = arith.addf %add3A_236, %mul3A_244 : vector<16xf32>
          %add3A_246 = arith.constant 80 : i32
          %add3A_247 = vector.broadcast %add3A_246 : i32 to vector<16xi32>
          %add3A_248 = arith.addi %add3A_247, %iota3A : vector<16xi32>
          %gather3A_249 = tpu.vector_load_idx %arg13[%broadcast_in_dim3A_198, %add3A_248] : memref<128x128xf32, #tpu.memory_space<vmem>>[vector<16xi32>, vector<16xi32>], vector<16xf32>,
          %gather3A_250 = tpu.vector_load_idx %arg14[%broadcast_in_dim3A_198, %add3A_248] : memref<128x128xf32, #tpu.memory_space<vmem>>[vector<16xi32>, vector<16xi32>], vector<16xf32>,
          %gather3A_251 = tpu.vector_load_idx %arg15[%broadcast_in_dim3A_198, %add3A_248] : memref<128x128xf32, #tpu.memory_space<vmem>>[vector<16xi32>, vector<16xi32>], vector<16xf32>,
          %sub3A_252 = arith.subf %gather3A_251, %gather3A_250 : vector<16xf32>
          %mul3A_253 = arith.mulf %gather3A_249, %sub3A_252 : vector<16xf32>
          %add3A_254 = arith.addf %add3A_245, %mul3A_253 : vector<16xf32>
          %reduce_sum3A = arith.constant true
          %reduce_sum3A_255 = vector.broadcast %reduce_sum3A : i1 to vector<16xi1>
          %reduce_sum3A_256 = tpu.scan <sum>, %add3A_254 masked %reduce_sum3A_255 : vector<16xf32>, vector<16xi1> -> vector<16xf32>
          %reduce_sum3A_257 = vector.extract %reduce_sum3A_256[15] : f32 from vector<16xf32>
          %add3A_258 = arith.constant 6.000000e-01 : f32
          %add3A_259 = arith.addf %reduce_sum3A_257, %add3A_258 : f32
          %max3A_260 = arith.constant 0.000000e+00 : f32
          %max3A_261 = arith.maximumf %add3A_259, %max3A_260 : f32
          %add3A_262 = arith.constant 0 : i32
          %add3A_263 = arith.addi %add3A_262, %add3A_197 : i32
          %lt3A_264 = arith.cmpi slt, %add3A_263, %min3A_47 : i32
          %jit3A_265 = arith.constant 0.000000e+00 : f32
          %select_n3A_266 = arith.select %lt3A_264, %max3A_261, %jit3A_265 : f32
          %add3A_267 = arith.constant 0.000000e+00 : f32
          %add3A_268 = arith.addf %add3A_267, %select_n3A_266 : f32
          %mul3A_269 = arith.constant 4 : i32
          %mul3A_270 = arith.muli %while3A_192, %mul3A_269 : i32
          %add3A_271 = arith.constant 1 : i32
          %add3A_272 = arith.addi %mul3A_270, %add3A_271 : i32
          %broadcast_in_dim3A_273 = vector.broadcast %add3A_272 : i32 to vector<16xi32>
          %broadcast_in_dim3A_274 = arith.constant 0.000000e+00 : f32
          %broadcast_in_dim3A_275 = vector.broadcast %broadcast_in_dim3A_274 : f32 to vector<16xf32>
          %add3A_276 = arith.constant 0 : i32
          %add3A_277 = vector.broadcast %add3A_276 : i32 to vector<16xi32>
          %add3A_278 = arith.addi %add3A_277, %iota3A : vector<16xi32>
          %gather3A_279 = tpu.vector_load_idx %arg13[%broadcast_in_dim3A_273, %add3A_278] : memref<128x128xf32, #tpu.memory_space<vmem>>[vector<16xi32>, vector<16xi32>], vector<16xf32>,
          %gather3A_280 = tpu.vector_load_idx %arg14[%broadcast_in_dim3A_273, %add3A_278] : memref<128x128xf32, #tpu.memory_space<vmem>>[vector<16xi32>, vector<16xi32>], vector<16xf32>,
          %gather3A_281 = tpu.vector_load_idx %arg15[%broadcast_in_dim3A_273, %add3A_278] : memref<128x128xf32, #tpu.memory_space<vmem>>[vector<16xi32>, vector<16xi32>], vector<16xf32>,
          %sub3A_282 = arith.subf %gather3A_281, %gather3A_280 : vector<16xf32>
          %mul3A_283 = arith.mulf %gather3A_279, %sub3A_282 : vector<16xf32>
          %add3A_284 = arith.addf %broadcast_in_dim3A_275, %mul3A_283 : vector<16xf32>
          %add3A_285 = arith.constant 16 : i32
          %add3A_286 = vector.broadcast %add3A_285 : i32 to vector<16xi32>
          %add3A_287 = arith.addi %add3A_286, %iota3A : vector<16xi32>
          %gather3A_288 = tpu.vector_load_idx %arg13[%broadcast_in_dim3A_273, %add3A_287] : memref<128x128xf32, #tpu.memory_space<vmem>>[vector<16xi32>, vector<16xi32>], vector<16xf32>,
          %gather3A_289 = tpu.vector_load_idx %arg14[%broadcast_in_dim3A_273, %add3A_287] : memref<128x128xf32, #tpu.memory_space<vmem>>[vector<16xi32>, vector<16xi32>], vector<16xf32>,
          %gather3A_290 = tpu.vector_load_idx %arg15[%broadcast_in_dim3A_273, %add3A_287] : memref<128x128xf32, #tpu.memory_space<vmem>>[vector<16xi32>, vector<16xi32>], vector<16xf32>,
          %sub3A_291 = arith.subf %gather3A_290, %gather3A_289 : vector<16xf32>
          %mul3A_292 = arith.mulf %gather3A_288, %sub3A_291 : vector<16xf32>
          %add3A_293 = arith.addf %add3A_284, %mul3A_292 : vector<16xf32>
          %add3A_294 = arith.constant 32 : i32
          %add3A_295 = vector.broadcast %add3A_294 : i32 to vector<16xi32>
          %add3A_296 = arith.addi %add3A_295, %iota3A : vector<16xi32>
          %gather3A_297 = tpu.vector_load_idx %arg13[%broadcast_in_dim3A_273, %add3A_296] : memref<128x128xf32, #tpu.memory_space<vmem>>[vector<16xi32>, vector<16xi32>], vector<16xf32>,
          %gather3A_298 = tpu.vector_load_idx %arg14[%broadcast_in_dim3A_273, %add3A_296] : memref<128x128xf32, #tpu.memory_space<vmem>>[vector<16xi32>, vector<16xi32>], vector<16xf32>,
          %gather3A_299 = tpu.vector_load_idx %arg15[%broadcast_in_dim3A_273, %add3A_296] : memref<128x128xf32, #tpu.memory_space<vmem>>[vector<16xi32>, vector<16xi32>], vector<16xf32>,
          %sub3A_300 = arith.subf %gather3A_299, %gather3A_298 : vector<16xf32>
          %mul3A_301 = arith.mulf %gather3A_297, %sub3A_300 : vector<16xf32>
          %add3A_302 = arith.addf %add3A_293, %mul3A_301 : vector<16xf32>
          %add3A_303 = arith.constant 48 : i32
          %add3A_304 = vector.broadcast %add3A_303 : i32 to vector<16xi32>
          %add3A_305 = arith.addi %add3A_304, %iota3A : vector<16xi32>
          %gather3A_306 = tpu.vector_load_idx %arg13[%broadcast_in_dim3A_273, %add3A_305] : memref<128x128xf32, #tpu.memory_space<vmem>>[vector<16xi32>, vector<16xi32>], vector<16xf32>,
          %gather3A_307 = tpu.vector_load_idx %arg14[%broadcast_in_dim3A_273, %add3A_305] : memref<128x128xf32, #tpu.memory_space<vmem>>[vector<16xi32>, vector<16xi32>], vector<16xf32>,
          %gather3A_308 = tpu.vector_load_idx %arg15[%broadcast_in_dim3A_273, %add3A_305] : memref<128x128xf32, #tpu.memory_space<vmem>>[vector<16xi32>, vector<16xi32>], vector<16xf32>,
          %sub3A_309 = arith.subf %gather3A_308, %gather3A_307 : vector<16xf32>
          %mul3A_310 = arith.mulf %gather3A_306, %sub3A_309 : vector<16xf32>
          %add3A_311 = arith.addf %add3A_302, %mul3A_310 : vector<16xf32>
          %add3A_312 = arith.constant 64 : i32
          %add3A_313 = vector.broadcast %add3A_312 : i32 to vector<16xi32>
          %add3A_314 = arith.addi %add3A_313, %iota3A : vector<16xi32>
          %gather3A_315 = tpu.vector_load_idx %arg13[%broadcast_in_dim3A_273, %add3A_314] : memref<128x128xf32, #tpu.memory_space<vmem>>[vector<16xi32>, vector<16xi32>], vector<16xf32>,
          %gather3A_316 = tpu.vector_load_idx %arg14[%broadcast_in_dim3A_273, %add3A_314] : memref<128x128xf32, #tpu.memory_space<vmem>>[vector<16xi32>, vector<16xi32>], vector<16xf32>,
          %gather3A_317 = tpu.vector_load_idx %arg15[%broadcast_in_dim3A_273, %add3A_314] : memref<128x128xf32, #tpu.memory_space<vmem>>[vector<16xi32>, vector<16xi32>], vector<16xf32>,
          %sub3A_318 = arith.subf %gather3A_317, %gather3A_316 : vector<16xf32>
          %mul3A_319 = arith.mulf %gather3A_315, %sub3A_318 : vector<16xf32>
          %add3A_320 = arith.addf %add3A_311, %mul3A_319 : vector<16xf32>
          %add3A_321 = arith.constant 80 : i32
          %add3A_322 = vector.broadcast %add3A_321 : i32 to vector<16xi32>
          %add3A_323 = arith.addi %add3A_322, %iota3A : vector<16xi32>
          %gather3A_324 = tpu.vector_load_idx %arg13[%broadcast_in_dim3A_273, %add3A_323] : memref<128x128xf32, #tpu.memory_space<vmem>>[vector<16xi32>, vector<16xi32>], vector<16xf32>,
          %gather3A_325 = tpu.vector_load_idx %arg14[%broadcast_in_dim3A_273, %add3A_323] : memref<128x128xf32, #tpu.memory_space<vmem>>[vector<16xi32>, vector<16xi32>], vector<16xf32>,
          %gather3A_326 = tpu.vector_load_idx %arg15[%broadcast_in_dim3A_273, %add3A_323] : memref<128x128xf32, #tpu.memory_space<vmem>>[vector<16xi32>, vector<16xi32>], vector<16xf32>,
          %sub3A_327 = arith.subf %gather3A_326, %gather3A_325 : vector<16xf32>
          %mul3A_328 = arith.mulf %gather3A_324, %sub3A_327 : vector<16xf32>
          %add3A_329 = arith.addf %add3A_320, %mul3A_328 : vector<16xf32>
          %reduce_sum3A_330 = arith.constant true
          %reduce_sum3A_331 = vector.broadcast %reduce_sum3A_330 : i1 to vector<16xi1>
          %reduce_sum3A_332 = tpu.scan <sum>, %add3A_329 masked %reduce_sum3A_331 : vector<16xf32>, vector<16xi1> -> vector<16xf32>
          %reduce_sum3A_333 = vector.extract %reduce_sum3A_332[15] : f32 from vector<16xf32>
          %add3A_334 = arith.constant 6.000000e-01 : f32
          %add3A_335 = arith.addf %reduce_sum3A_333, %add3A_334 : f32
          %max3A_336 = arith.constant 0.000000e+00 : f32
          %max3A_337 = arith.maximumf %add3A_335, %max3A_336 : f32
          %add3A_338 = arith.constant 0 : i32
          %add3A_339 = arith.addi %add3A_338, %add3A_272 : i32
          %lt3A_340 = arith.cmpi slt, %add3A_339, %min3A_47 : i32
          %jit3A_341 = arith.constant 0.000000e+00 : f32
          %select_n3A_342 = arith.select %lt3A_340, %max3A_337, %jit3A_341 : f32
          %add3A_343 = arith.addf %add3A_268, %select_n3A_342 : f32
          %mul3A_344 = arith.constant 4 : i32
          %mul3A_345 = arith.muli %while3A_192, %mul3A_344 : i32
          %add3A_346 = arith.constant 2 : i32
          %add3A_347 = arith.addi %mul3A_345, %add3A_346 : i32
          %broadcast_in_dim3A_348 = vector.broadcast %add3A_347 : i32 to vector<16xi32>
          %broadcast_in_dim3A_349 = arith.constant 0.000000e+00 : f32
          %broadcast_in_dim3A_350 = vector.broadcast %broadcast_in_dim3A_349 : f32 to vector<16xf32>
          %add3A_351 = arith.constant 0 : i32
          %add3A_352 = vector.broadcast %add3A_351 : i32 to vector<16xi32>
          %add3A_353 = arith.addi %add3A_352, %iota3A : vector<16xi32>
          %gather3A_354 = tpu.vector_load_idx %arg13[%broadcast_in_dim3A_348, %add3A_353] : memref<128x128xf32, #tpu.memory_space<vmem>>[vector<16xi32>, vector<16xi32>], vector<16xf32>,
          %gather3A_355 = tpu.vector_load_idx %arg14[%broadcast_in_dim3A_348, %add3A_353] : memref<128x128xf32, #tpu.memory_space<vmem>>[vector<16xi32>, vector<16xi32>], vector<16xf32>,
          %gather3A_356 = tpu.vector_load_idx %arg15[%broadcast_in_dim3A_348, %add3A_353] : memref<128x128xf32, #tpu.memory_space<vmem>>[vector<16xi32>, vector<16xi32>], vector<16xf32>,
          %sub3A_357 = arith.subf %gather3A_356, %gather3A_355 : vector<16xf32>
          %mul3A_358 = arith.mulf %gather3A_354, %sub3A_357 : vector<16xf32>
          %add3A_359 = arith.addf %broadcast_in_dim3A_350, %mul3A_358 : vector<16xf32>
          %add3A_360 = arith.constant 16 : i32
          %add3A_361 = vector.broadcast %add3A_360 : i32 to vector<16xi32>
          %add3A_362 = arith.addi %add3A_361, %iota3A : vector<16xi32>
          %gather3A_363 = tpu.vector_load_idx %arg13[%broadcast_in_dim3A_348, %add3A_362] : memref<128x128xf32, #tpu.memory_space<vmem>>[vector<16xi32>, vector<16xi32>], vector<16xf32>,
          %gather3A_364 = tpu.vector_load_idx %arg14[%broadcast_in_dim3A_348, %add3A_362] : memref<128x128xf32, #tpu.memory_space<vmem>>[vector<16xi32>, vector<16xi32>], vector<16xf32>,
          %gather3A_365 = tpu.vector_load_idx %arg15[%broadcast_in_dim3A_348, %add3A_362] : memref<128x128xf32, #tpu.memory_space<vmem>>[vector<16xi32>, vector<16xi32>], vector<16xf32>,
          %sub3A_366 = arith.subf %gather3A_365, %gather3A_364 : vector<16xf32>
          %mul3A_367 = arith.mulf %gather3A_363, %sub3A_366 : vector<16xf32>
          %add3A_368 = arith.addf %add3A_359, %mul3A_367 : vector<16xf32>
          %add3A_369 = arith.constant 32 : i32
          %add3A_370 = vector.broadcast %add3A_369 : i32 to vector<16xi32>
          %add3A_371 = arith.addi %add3A_370, %iota3A : vector<16xi32>
          %gather3A_372 = tpu.vector_load_idx %arg13[%broadcast_in_dim3A_348, %add3A_371] : memref<128x128xf32, #tpu.memory_space<vmem>>[vector<16xi32>, vector<16xi32>], vector<16xf32>,
          %gather3A_373 = tpu.vector_load_idx %arg14[%broadcast_in_dim3A_348, %add3A_371] : memref<128x128xf32, #tpu.memory_space<vmem>>[vector<16xi32>, vector<16xi32>], vector<16xf32>,
          %gather3A_374 = tpu.vector_load_idx %arg15[%broadcast_in_dim3A_348, %add3A_371] : memref<128x128xf32, #tpu.memory_space<vmem>>[vector<16xi32>, vector<16xi32>], vector<16xf32>,
          %sub3A_375 = arith.subf %gather3A_374, %gather3A_373 : vector<16xf32>
          %mul3A_376 = arith.mulf %gather3A_372, %sub3A_375 : vector<16xf32>
          %add3A_377 = arith.addf %add3A_368, %mul3A_376 : vector<16xf32>
          %add3A_378 = arith.constant 48 : i32
          %add3A_379 = vector.broadcast %add3A_378 : i32 to vector<16xi32>
          %add3A_380 = arith.addi %add3A_379, %iota3A : vector<16xi32>
          %gather3A_381 = tpu.vector_load_idx %arg13[%broadcast_in_dim3A_348, %add3A_380] : memref<128x128xf32, #tpu.memory_space<vmem>>[vector<16xi32>, vector<16xi32>], vector<16xf32>,
          %gather3A_382 = tpu.vector_load_idx %arg14[%broadcast_in_dim3A_348, %add3A_380] : memref<128x128xf32, #tpu.memory_space<vmem>>[vector<16xi32>, vector<16xi32>], vector<16xf32>,
          %gather3A_383 = tpu.vector_load_idx %arg15[%broadcast_in_dim3A_348, %add3A_380] : memref<128x128xf32, #tpu.memory_space<vmem>>[vector<16xi32>, vector<16xi32>], vector<16xf32>,
          %sub3A_384 = arith.subf %gather3A_383, %gather3A_382 : vector<16xf32>
          %mul3A_385 = arith.mulf %gather3A_381, %sub3A_384 : vector<16xf32>
          %add3A_386 = arith.addf %add3A_377, %mul3A_385 : vector<16xf32>
          %add3A_387 = arith.constant 64 : i32
          %add3A_388 = vector.broadcast %add3A_387 : i32 to vector<16xi32>
          %add3A_389 = arith.addi %add3A_388, %iota3A : vector<16xi32>
          %gather3A_390 = tpu.vector_load_idx %arg13[%broadcast_in_dim3A_348, %add3A_389] : memref<128x128xf32, #tpu.memory_space<vmem>>[vector<16xi32>, vector<16xi32>], vector<16xf32>,
          %gather3A_391 = tpu.vector_load_idx %arg14[%broadcast_in_dim3A_348, %add3A_389] : memref<128x128xf32, #tpu.memory_space<vmem>>[vector<16xi32>, vector<16xi32>], vector<16xf32>,
          %gather3A_392 = tpu.vector_load_idx %arg15[%broadcast_in_dim3A_348, %add3A_389] : memref<128x128xf32, #tpu.memory_space<vmem>>[vector<16xi32>, vector<16xi32>], vector<16xf32>,
          %sub3A_393 = arith.subf %gather3A_392, %gather3A_391 : vector<16xf32>
          %mul3A_394 = arith.mulf %gather3A_390, %sub3A_393 : vector<16xf32>
          %add3A_395 = arith.addf %add3A_386, %mul3A_394 : vector<16xf32>
          %add3A_396 = arith.constant 80 : i32
          %add3A_397 = vector.broadcast %add3A_396 : i32 to vector<16xi32>
          %add3A_398 = arith.addi %add3A_397, %iota3A : vector<16xi32>
          %gather3A_399 = tpu.vector_load_idx %arg13[%broadcast_in_dim3A_348, %add3A_398] : memref<128x128xf32, #tpu.memory_space<vmem>>[vector<16xi32>, vector<16xi32>], vector<16xf32>,
          %gather3A_400 = tpu.vector_load_idx %arg14[%broadcast_in_dim3A_348, %add3A_398] : memref<128x128xf32, #tpu.memory_space<vmem>>[vector<16xi32>, vector<16xi32>], vector<16xf32>,
          %gather3A_401 = tpu.vector_load_idx %arg15[%broadcast_in_dim3A_348, %add3A_398] : memref<128x128xf32, #tpu.memory_space<vmem>>[vector<16xi32>, vector<16xi32>], vector<16xf32>,
          %sub3A_402 = arith.subf %gather3A_401, %gather3A_400 : vector<16xf32>
          %mul3A_403 = arith.mulf %gather3A_399, %sub3A_402 : vector<16xf32>
          %add3A_404 = arith.addf %add3A_395, %mul3A_403 : vector<16xf32>
          %reduce_sum3A_405 = arith.constant true
          %reduce_sum3A_406 = vector.broadcast %reduce_sum3A_405 : i1 to vector<16xi1>
          %reduce_sum3A_407 = tpu.scan <sum>, %add3A_404 masked %reduce_sum3A_406 : vector<16xf32>, vector<16xi1> -> vector<16xf32>
          %reduce_sum3A_408 = vector.extract %reduce_sum3A_407[15] : f32 from vector<16xf32>
          %add3A_409 = arith.constant 6.000000e-01 : f32
          %add3A_410 = arith.addf %reduce_sum3A_408, %add3A_409 : f32
          %max3A_411 = arith.constant 0.000000e+00 : f32
          %max3A_412 = arith.maximumf %add3A_410, %max3A_411 : f32
          %add3A_413 = arith.constant 0 : i32
          %add3A_414 = arith.addi %add3A_413, %add3A_347 : i32
          %lt3A_415 = arith.cmpi slt, %add3A_414, %min3A_47 : i32
          %jit3A_416 = arith.constant 0.000000e+00 : f32
          %select_n3A_417 = arith.select %lt3A_415, %max3A_412, %jit3A_416 : f32
          %add3A_418 = arith.addf %add3A_343, %select_n3A_417 : f32
          %mul3A_419 = arith.constant 4 : i32
          %mul3A_420 = arith.muli %while3A_192, %mul3A_419 : i32
          %add3A_421 = arith.constant 3 : i32
          %add3A_422 = arith.addi %mul3A_420, %add3A_421 : i32
          %broadcast_in_dim3A_423 = vector.broadcast %add3A_422 : i32 to vector<16xi32>
          %broadcast_in_dim3A_424 = arith.constant 0.000000e+00 : f32
          %broadcast_in_dim3A_425 = vector.broadcast %broadcast_in_dim3A_424 : f32 to vector<16xf32>
          %add3A_426 = arith.constant 0 : i32
          %add3A_427 = vector.broadcast %add3A_426 : i32 to vector<16xi32>
          %add3A_428 = arith.addi %add3A_427, %iota3A : vector<16xi32>
          %gather3A_429 = tpu.vector_load_idx %arg13[%broadcast_in_dim3A_423, %add3A_428] : memref<128x128xf32, #tpu.memory_space<vmem>>[vector<16xi32>, vector<16xi32>], vector<16xf32>,
          %gather3A_430 = tpu.vector_load_idx %arg14[%broadcast_in_dim3A_423, %add3A_428] : memref<128x128xf32, #tpu.memory_space<vmem>>[vector<16xi32>, vector<16xi32>], vector<16xf32>,
          %gather3A_431 = tpu.vector_load_idx %arg15[%broadcast_in_dim3A_423, %add3A_428] : memref<128x128xf32, #tpu.memory_space<vmem>>[vector<16xi32>, vector<16xi32>], vector<16xf32>,
          %sub3A_432 = arith.subf %gather3A_431, %gather3A_430 : vector<16xf32>
          %mul3A_433 = arith.mulf %gather3A_429, %sub3A_432 : vector<16xf32>
          %add3A_434 = arith.addf %broadcast_in_dim3A_425, %mul3A_433 : vector<16xf32>
          %add3A_435 = arith.constant 16 : i32
          %add3A_436 = vector.broadcast %add3A_435 : i32 to vector<16xi32>
          %add3A_437 = arith.addi %add3A_436, %iota3A : vector<16xi32>
          %gather3A_438 = tpu.vector_load_idx %arg13[%broadcast_in_dim3A_423, %add3A_437] : memref<128x128xf32, #tpu.memory_space<vmem>>[vector<16xi32>, vector<16xi32>], vector<16xf32>,
          %gather3A_439 = tpu.vector_load_idx %arg14[%broadcast_in_dim3A_423, %add3A_437] : memref<128x128xf32, #tpu.memory_space<vmem>>[vector<16xi32>, vector<16xi32>], vector<16xf32>,
          %gather3A_440 = tpu.vector_load_idx %arg15[%broadcast_in_dim3A_423, %add3A_437] : memref<128x128xf32, #tpu.memory_space<vmem>>[vector<16xi32>, vector<16xi32>], vector<16xf32>,
          %sub3A_441 = arith.subf %gather3A_440, %gather3A_439 : vector<16xf32>
          %mul3A_442 = arith.mulf %gather3A_438, %sub3A_441 : vector<16xf32>
          %add3A_443 = arith.addf %add3A_434, %mul3A_442 : vector<16xf32>
          %add3A_444 = arith.constant 32 : i32
          %add3A_445 = vector.broadcast %add3A_444 : i32 to vector<16xi32>
          %add3A_446 = arith.addi %add3A_445, %iota3A : vector<16xi32>
          %gather3A_447 = tpu.vector_load_idx %arg13[%broadcast_in_dim3A_423, %add3A_446] : memref<128x128xf32, #tpu.memory_space<vmem>>[vector<16xi32>, vector<16xi32>], vector<16xf32>,
          %gather3A_448 = tpu.vector_load_idx %arg14[%broadcast_in_dim3A_423, %add3A_446] : memref<128x128xf32, #tpu.memory_space<vmem>>[vector<16xi32>, vector<16xi32>], vector<16xf32>,
          %gather3A_449 = tpu.vector_load_idx %arg15[%broadcast_in_dim3A_423, %add3A_446] : memref<128x128xf32, #tpu.memory_space<vmem>>[vector<16xi32>, vector<16xi32>], vector<16xf32>,
          %sub3A_450 = arith.subf %gather3A_449, %gather3A_448 : vector<16xf32>
          %mul3A_451 = arith.mulf %gather3A_447, %sub3A_450 : vector<16xf32>
          %add3A_452 = arith.addf %add3A_443, %mul3A_451 : vector<16xf32>
          %add3A_453 = arith.constant 48 : i32
          %add3A_454 = vector.broadcast %add3A_453 : i32 to vector<16xi32>
          %add3A_455 = arith.addi %add3A_454, %iota3A : vector<16xi32>
          %gather3A_456 = tpu.vector_load_idx %arg13[%broadcast_in_dim3A_423, %add3A_455] : memref<128x128xf32, #tpu.memory_space<vmem>>[vector<16xi32>, vector<16xi32>], vector<16xf32>,
          %gather3A_457 = tpu.vector_load_idx %arg14[%broadcast_in_dim3A_423, %add3A_455] : memref<128x128xf32, #tpu.memory_space<vmem>>[vector<16xi32>, vector<16xi32>], vector<16xf32>,
          %gather3A_458 = tpu.vector_load_idx %arg15[%broadcast_in_dim3A_423, %add3A_455] : memref<128x128xf32, #tpu.memory_space<vmem>>[vector<16xi32>, vector<16xi32>], vector<16xf32>,
          %sub3A_459 = arith.subf %gather3A_458, %gather3A_457 : vector<16xf32>
          %mul3A_460 = arith.mulf %gather3A_456, %sub3A_459 : vector<16xf32>
          %add3A_461 = arith.addf %add3A_452, %mul3A_460 : vector<16xf32>
          %add3A_462 = arith.constant 64 : i32
          %add3A_463 = vector.broadcast %add3A_462 : i32 to vector<16xi32>
          %add3A_464 = arith.addi %add3A_463, %iota3A : vector<16xi32>
          %gather3A_465 = tpu.vector_load_idx %arg13[%broadcast_in_dim3A_423, %add3A_464] : memref<128x128xf32, #tpu.memory_space<vmem>>[vector<16xi32>, vector<16xi32>], vector<16xf32>,
          %gather3A_466 = tpu.vector_load_idx %arg14[%broadcast_in_dim3A_423, %add3A_464] : memref<128x128xf32, #tpu.memory_space<vmem>>[vector<16xi32>, vector<16xi32>], vector<16xf32>,
          %gather3A_467 = tpu.vector_load_idx %arg15[%broadcast_in_dim3A_423, %add3A_464] : memref<128x128xf32, #tpu.memory_space<vmem>>[vector<16xi32>, vector<16xi32>], vector<16xf32>,
          %sub3A_468 = arith.subf %gather3A_467, %gather3A_466 : vector<16xf32>
          %mul3A_469 = arith.mulf %gather3A_465, %sub3A_468 : vector<16xf32>
          %add3A_470 = arith.addf %add3A_461, %mul3A_469 : vector<16xf32>
          %add3A_471 = arith.constant 80 : i32
          %add3A_472 = vector.broadcast %add3A_471 : i32 to vector<16xi32>
          %add3A_473 = arith.addi %add3A_472, %iota3A : vector<16xi32>
          %gather3A_474 = tpu.vector_load_idx %arg13[%broadcast_in_dim3A_423, %add3A_473] : memref<128x128xf32, #tpu.memory_space<vmem>>[vector<16xi32>, vector<16xi32>], vector<16xf32>,
          %gather3A_475 = tpu.vector_load_idx %arg14[%broadcast_in_dim3A_423, %add3A_473] : memref<128x128xf32, #tpu.memory_space<vmem>>[vector<16xi32>, vector<16xi32>], vector<16xf32>,
          %gather3A_476 = tpu.vector_load_idx %arg15[%broadcast_in_dim3A_423, %add3A_473] : memref<128x128xf32, #tpu.memory_space<vmem>>[vector<16xi32>, vector<16xi32>], vector<16xf32>,
          %sub3A_477 = arith.subf %gather3A_476, %gather3A_475 : vector<16xf32>
          %mul3A_478 = arith.mulf %gather3A_474, %sub3A_477 : vector<16xf32>
          %add3A_479 = arith.addf %add3A_470, %mul3A_478 : vector<16xf32>
          %reduce_sum3A_480 = arith.constant true
          %reduce_sum3A_481 = vector.broadcast %reduce_sum3A_480 : i1 to vector<16xi1>
          %reduce_sum3A_482 = tpu.scan <sum>, %add3A_479 masked %reduce_sum3A_481 : vector<16xf32>, vector<16xi1> -> vector<16xf32>
          %reduce_sum3A_483 = vector.extract %reduce_sum3A_482[15] : f32 from vector<16xf32>
          %add3A_484 = arith.constant 6.000000e-01 : f32
          %add3A_485 = arith.addf %reduce_sum3A_483, %add3A_484 : f32
          %max3A_486 = arith.constant 0.000000e+00 : f32
          %max3A_487 = arith.maximumf %add3A_485, %max3A_486 : f32
          %add3A_488 = arith.constant 0 : i32
          %add3A_489 = arith.addi %add3A_488, %add3A_422 : i32
          %lt3A_490 = arith.cmpi slt, %add3A_489, %min3A_47 : i32
          %jit3A_491 = arith.constant 0.000000e+00 : f32
          %select_n3A_492 = arith.select %lt3A_490, %max3A_487, %jit3A_491 : f32
          %add3A_493 = arith.addf %add3A_418, %select_n3A_492 : f32
          %add3A_494 = arith.addf %while3A_193, %add3A_493 : f32
          scf.yield %add3A_494 : f32
        }
        %sub3A_136 = arith.constant 128 : i32
        %sub3A_137 = arith.subi %min3A_47, %sub3A_136 : i32
        %add3A_138 = arith.constant 4 : i32
        %add3A_139 = arith.addi %sub3A_137, %add3A_138 : i32
        %sub3A_140 = arith.constant 1 : i32
        %sub3A_141 = arith.subi %add3A_139, %sub3A_140 : i32
        %max3A = arith.constant 0 : i32
        %max3A_142 = arith.maxsi %sub3A_141, %max3A : i32
        %jit3A_143 = arith.constant 4 : i32
        %div3A_144 = arith.divsi %max3A_142, %jit3A_143 : i32
        %sign3A_145 = arith.constant 0 : i32
        %sign3A_146 = arith.cmpi sgt, %max3A_142, %sign3A_145 : i32
        %sign3A_147 = arith.extui %sign3A_146 : i1 to i32
        %sign3A_148 = arith.constant 0 : i32
        %sign3A_149 = arith.cmpi slt, %max3A_142, %sign3A_148 : i32
        %sign3A_150 = arith.extui %sign3A_149 : i1 to i32
        %sign3A_151 = arith.subi %sign3A_147, %sign3A_150 : i32
        %sign3A_152 = arith.constant 0 : i32
        %sign3A_153 = arith.cmpi sgt, %jit3A_143, %sign3A_152 : i32
        %sign3A_154 = arith.extui %sign3A_153 : i1 to i32
        %sign3A_155 = arith.constant 0 : i32
        %sign3A_156 = arith.cmpi slt, %jit3A_143, %sign3A_155 : i32
        %sign3A_157 = arith.extui %sign3A_156 : i1 to i32
        %sign3A_158 = arith.subi %sign3A_154, %sign3A_157 : i32
        %ne3A_159 = arith.cmpi ne, %sign3A_151, %sign3A_158 : i32
        %rem3A_160 = arith.remsi %max3A_142, %jit3A_143 : i32
        %ne3A_161 = arith.constant 0 : i32
        %ne3A_162 = arith.cmpi ne, %rem3A_160, %ne3A_161 : i32
        %and3A_163 = arith.andi %ne3A_159, %ne3A_162 : i1
        %sub3A_164 = arith.constant 1 : i32
        %sub3A_165 = arith.subi %div3A_144, %sub3A_164 : i32
        %select_n3A_166 = arith.select %and3A_163, %sub3A_165, %div3A_144 : i32
        %while3A_167 = arith.constant 0 : i32
        %while3A_168 = arith.subi %select_n3A_166, %while3A_167 : i32
        %while3A_169 = arith.addi %while3A_167, %while3A_168 : i32
        %while3A_170 = arith.constant 1 : i32
        %while3A_171 = arith.divsi %while3A_168, %while3A_170 : i32
        %while3A_172 = arith.muli %while3A_171, %while3A_170 : i32
        %while3A_173 = arith.addi %while3A_167, %while3A_172 : i32
        %while3A_174 = arith.constant 1 : i32
        %while3A_175 = scf.for %while3A_192 = %while3A_167 to %while3A_173 step %while3A_174 iter_args(%while3A_193 = %while3A_135) -> (f32)  : i32 {
          %mul3A_194 = arith.constant 4 : i32
          %mul3A_195 = arith.muli %while3A_192, %mul3A_194 : i32
          %add3A_196 = arith.constant 0 : i32
          %add3A_197 = arith.addi %mul3A_195, %add3A_196 : i32
          %broadcast_in_dim3A_198 = vector.broadcast %add3A_197 : i32 to vector<16xi32>
          %broadcast_in_dim3A_199 = arith.constant 0.000000e+00 : f32
          %broadcast_in_dim3A_200 = vector.broadcast %broadcast_in_dim3A_199 : f32 to vector<16xf32>
          %add3A_201 = arith.constant 0 : i32
          %add3A_202 = vector.broadcast %add3A_201 : i32 to vector<16xi32>
          %add3A_203 = arith.addi %add3A_202, %iota3A : vector<16xi32>
          %gather3A_204 = tpu.vector_load_idx %arg16[%broadcast_in_dim3A_198, %add3A_203] : memref<96x128xf32, #tpu.memory_space<vmem>>[vector<16xi32>, vector<16xi32>], vector<16xf32>,
          %gather3A_205 = tpu.vector_load_idx %arg17[%broadcast_in_dim3A_198, %add3A_203] : memref<96x128xf32, #tpu.memory_space<vmem>>[vector<16xi32>, vector<16xi32>], vector<16xf32>,
          %gather3A_206 = tpu.vector_load_idx %arg18[%broadcast_in_dim3A_198, %add3A_203] : memref<96x128xf32, #tpu.memory_space<vmem>>[vector<16xi32>, vector<16xi32>], vector<16xf32>,
          %sub3A_207 = arith.subf %gather3A_206, %gather3A_205 : vector<16xf32>
          %mul3A_208 = arith.mulf %gather3A_204, %sub3A_207 : vector<16xf32>
          %add3A_209 = arith.addf %broadcast_in_dim3A_200, %mul3A_208 : vector<16xf32>
          %add3A_210 = arith.constant 16 : i32
          %add3A_211 = vector.broadcast %add3A_210 : i32 to vector<16xi32>
          %add3A_212 = arith.addi %add3A_211, %iota3A : vector<16xi32>
          %gather3A_213 = tpu.vector_load_idx %arg16[%broadcast_in_dim3A_198, %add3A_212] : memref<96x128xf32, #tpu.memory_space<vmem>>[vector<16xi32>, vector<16xi32>], vector<16xf32>,
          %gather3A_214 = tpu.vector_load_idx %arg17[%broadcast_in_dim3A_198, %add3A_212] : memref<96x128xf32, #tpu.memory_space<vmem>>[vector<16xi32>, vector<16xi32>], vector<16xf32>,
          %gather3A_215 = tpu.vector_load_idx %arg18[%broadcast_in_dim3A_198, %add3A_212] : memref<96x128xf32, #tpu.memory_space<vmem>>[vector<16xi32>, vector<16xi32>], vector<16xf32>,
          %sub3A_216 = arith.subf %gather3A_215, %gather3A_214 : vector<16xf32>
          %mul3A_217 = arith.mulf %gather3A_213, %sub3A_216 : vector<16xf32>
          %add3A_218 = arith.addf %add3A_209, %mul3A_217 : vector<16xf32>
          %add3A_219 = arith.constant 32 : i32
          %add3A_220 = vector.broadcast %add3A_219 : i32 to vector<16xi32>
          %add3A_221 = arith.addi %add3A_220, %iota3A : vector<16xi32>
          %gather3A_222 = tpu.vector_load_idx %arg16[%broadcast_in_dim3A_198, %add3A_221] : memref<96x128xf32, #tpu.memory_space<vmem>>[vector<16xi32>, vector<16xi32>], vector<16xf32>,
          %gather3A_223 = tpu.vector_load_idx %arg17[%broadcast_in_dim3A_198, %add3A_221] : memref<96x128xf32, #tpu.memory_space<vmem>>[vector<16xi32>, vector<16xi32>], vector<16xf32>,
          %gather3A_224 = tpu.vector_load_idx %arg18[%broadcast_in_dim3A_198, %add3A_221] : memref<96x128xf32, #tpu.memory_space<vmem>>[vector<16xi32>, vector<16xi32>], vector<16xf32>,
          %sub3A_225 = arith.subf %gather3A_224, %gather3A_223 : vector<16xf32>
          %mul3A_226 = arith.mulf %gather3A_222, %sub3A_225 : vector<16xf32>
          %add3A_227 = arith.addf %add3A_218, %mul3A_226 : vector<16xf32>
          %add3A_228 = arith.constant 48 : i32
          %add3A_229 = vector.broadcast %add3A_228 : i32 to vector<16xi32>
          %add3A_230 = arith.addi %add3A_229, %iota3A : vector<16xi32>
          %gather3A_231 = tpu.vector_load_idx %arg16[%broadcast_in_dim3A_198, %add3A_230] : memref<96x128xf32, #tpu.memory_space<vmem>>[vector<16xi32>, vector<16xi32>], vector<16xf32>,
          %gather3A_232 = tpu.vector_load_idx %arg17[%broadcast_in_dim3A_198, %add3A_230] : memref<96x128xf32, #tpu.memory_space<vmem>>[vector<16xi32>, vector<16xi32>], vector<16xf32>,
          %gather3A_233 = tpu.vector_load_idx %arg18[%broadcast_in_dim3A_198, %add3A_230] : memref<96x128xf32, #tpu.memory_space<vmem>>[vector<16xi32>, vector<16xi32>], vector<16xf32>,
          %sub3A_234 = arith.subf %gather3A_233, %gather3A_232 : vector<16xf32>
          %mul3A_235 = arith.mulf %gather3A_231, %sub3A_234 : vector<16xf32>
          %add3A_236 = arith.addf %add3A_227, %mul3A_235 : vector<16xf32>
          %add3A_237 = arith.constant 64 : i32
          %add3A_238 = vector.broadcast %add3A_237 : i32 to vector<16xi32>
          %add3A_239 = arith.addi %add3A_238, %iota3A : vector<16xi32>
          %gather3A_240 = tpu.vector_load_idx %arg16[%broadcast_in_dim3A_198, %add3A_239] : memref<96x128xf32, #tpu.memory_space<vmem>>[vector<16xi32>, vector<16xi32>], vector<16xf32>,
          %gather3A_241 = tpu.vector_load_idx %arg17[%broadcast_in_dim3A_198, %add3A_239] : memref<96x128xf32, #tpu.memory_space<vmem>>[vector<16xi32>, vector<16xi32>], vector<16xf32>,
          %gather3A_242 = tpu.vector_load_idx %arg18[%broadcast_in_dim3A_198, %add3A_239] : memref<96x128xf32, #tpu.memory_space<vmem>>[vector<16xi32>, vector<16xi32>], vector<16xf32>,
          %sub3A_243 = arith.subf %gather3A_242, %gather3A_241 : vector<16xf32>
          %mul3A_244 = arith.mulf %gather3A_240, %sub3A_243 : vector<16xf32>
          %add3A_245 = arith.addf %add3A_236, %mul3A_244 : vector<16xf32>
          %add3A_246 = arith.constant 80 : i32
          %add3A_247 = vector.broadcast %add3A_246 : i32 to vector<16xi32>
          %add3A_248 = arith.addi %add3A_247, %iota3A : vector<16xi32>
          %gather3A_249 = tpu.vector_load_idx %arg16[%broadcast_in_dim3A_198, %add3A_248] : memref<96x128xf32, #tpu.memory_space<vmem>>[vector<16xi32>, vector<16xi32>], vector<16xf32>,
          %gather3A_250 = tpu.vector_load_idx %arg17[%broadcast_in_dim3A_198, %add3A_248] : memref<96x128xf32, #tpu.memory_space<vmem>>[vector<16xi32>, vector<16xi32>], vector<16xf32>,
          %gather3A_251 = tpu.vector_load_idx %arg18[%broadcast_in_dim3A_198, %add3A_248] : memref<96x128xf32, #tpu.memory_space<vmem>>[vector<16xi32>, vector<16xi32>], vector<16xf32>,
          %sub3A_252 = arith.subf %gather3A_251, %gather3A_250 : vector<16xf32>
          %mul3A_253 = arith.mulf %gather3A_249, %sub3A_252 : vector<16xf32>
          %add3A_254 = arith.addf %add3A_245, %mul3A_253 : vector<16xf32>
          %reduce_sum3A = arith.constant true
          %reduce_sum3A_255 = vector.broadcast %reduce_sum3A : i1 to vector<16xi1>
          %reduce_sum3A_256 = tpu.scan <sum>, %add3A_254 masked %reduce_sum3A_255 : vector<16xf32>, vector<16xi1> -> vector<16xf32>
          %reduce_sum3A_257 = vector.extract %reduce_sum3A_256[15] : f32 from vector<16xf32>
          %add3A_258 = arith.constant 6.000000e-01 : f32
          %add3A_259 = arith.addf %reduce_sum3A_257, %add3A_258 : f32
          %max3A_260 = arith.constant 0.000000e+00 : f32
          %max3A_261 = arith.maximumf %add3A_259, %max3A_260 : f32
          %add3A_262 = arith.constant 128 : i32
          %add3A_263 = arith.addi %add3A_262, %add3A_197 : i32
          %lt3A_264 = arith.cmpi slt, %add3A_263, %min3A_47 : i32
          %jit3A_265 = arith.constant 0.000000e+00 : f32
          %select_n3A_266 = arith.select %lt3A_264, %max3A_261, %jit3A_265 : f32
          %add3A_267 = arith.constant 0.000000e+00 : f32
          %add3A_268 = arith.addf %add3A_267, %select_n3A_266 : f32
          %mul3A_269 = arith.constant 4 : i32
          %mul3A_270 = arith.muli %while3A_192, %mul3A_269 : i32
          %add3A_271 = arith.constant 1 : i32
          %add3A_272 = arith.addi %mul3A_270, %add3A_271 : i32
          %broadcast_in_dim3A_273 = vector.broadcast %add3A_272 : i32 to vector<16xi32>
          %broadcast_in_dim3A_274 = arith.constant 0.000000e+00 : f32
          %broadcast_in_dim3A_275 = vector.broadcast %broadcast_in_dim3A_274 : f32 to vector<16xf32>
          %add3A_276 = arith.constant 0 : i32
          %add3A_277 = vector.broadcast %add3A_276 : i32 to vector<16xi32>
          %add3A_278 = arith.addi %add3A_277, %iota3A : vector<16xi32>
          %gather3A_279 = tpu.vector_load_idx %arg16[%broadcast_in_dim3A_273, %add3A_278] : memref<96x128xf32, #tpu.memory_space<vmem>>[vector<16xi32>, vector<16xi32>], vector<16xf32>,
          %gather3A_280 = tpu.vector_load_idx %arg17[%broadcast_in_dim3A_273, %add3A_278] : memref<96x128xf32, #tpu.memory_space<vmem>>[vector<16xi32>, vector<16xi32>], vector<16xf32>,
          %gather3A_281 = tpu.vector_load_idx %arg18[%broadcast_in_dim3A_273, %add3A_278] : memref<96x128xf32, #tpu.memory_space<vmem>>[vector<16xi32>, vector<16xi32>], vector<16xf32>,
          %sub3A_282 = arith.subf %gather3A_281, %gather3A_280 : vector<16xf32>
          %mul3A_283 = arith.mulf %gather3A_279, %sub3A_282 : vector<16xf32>
          %add3A_284 = arith.addf %broadcast_in_dim3A_275, %mul3A_283 : vector<16xf32>
          %add3A_285 = arith.constant 16 : i32
          %add3A_286 = vector.broadcast %add3A_285 : i32 to vector<16xi32>
          %add3A_287 = arith.addi %add3A_286, %iota3A : vector<16xi32>
          %gather3A_288 = tpu.vector_load_idx %arg16[%broadcast_in_dim3A_273, %add3A_287] : memref<96x128xf32, #tpu.memory_space<vmem>>[vector<16xi32>, vector<16xi32>], vector<16xf32>,
          %gather3A_289 = tpu.vector_load_idx %arg17[%broadcast_in_dim3A_273, %add3A_287] : memref<96x128xf32, #tpu.memory_space<vmem>>[vector<16xi32>, vector<16xi32>], vector<16xf32>,
          %gather3A_290 = tpu.vector_load_idx %arg18[%broadcast_in_dim3A_273, %add3A_287] : memref<96x128xf32, #tpu.memory_space<vmem>>[vector<16xi32>, vector<16xi32>], vector<16xf32>,
          %sub3A_291 = arith.subf %gather3A_290, %gather3A_289 : vector<16xf32>
          %mul3A_292 = arith.mulf %gather3A_288, %sub3A_291 : vector<16xf32>
          %add3A_293 = arith.addf %add3A_284, %mul3A_292 : vector<16xf32>
          %add3A_294 = arith.constant 32 : i32
          %add3A_295 = vector.broadcast %add3A_294 : i32 to vector<16xi32>
          %add3A_296 = arith.addi %add3A_295, %iota3A : vector<16xi32>
          %gather3A_297 = tpu.vector_load_idx %arg16[%broadcast_in_dim3A_273, %add3A_296] : memref<96x128xf32, #tpu.memory_space<vmem>>[vector<16xi32>, vector<16xi32>], vector<16xf32>,
          %gather3A_298 = tpu.vector_load_idx %arg17[%broadcast_in_dim3A_273, %add3A_296] : memref<96x128xf32, #tpu.memory_space<vmem>>[vector<16xi32>, vector<16xi32>], vector<16xf32>,
          %gather3A_299 = tpu.vector_load_idx %arg18[%broadcast_in_dim3A_273, %add3A_296] : memref<96x128xf32, #tpu.memory_space<vmem>>[vector<16xi32>, vector<16xi32>], vector<16xf32>,
          %sub3A_300 = arith.subf %gather3A_299, %gather3A_298 : vector<16xf32>
          %mul3A_301 = arith.mulf %gather3A_297, %sub3A_300 : vector<16xf32>
          %add3A_302 = arith.addf %add3A_293, %mul3A_301 : vector<16xf32>
          %add3A_303 = arith.constant 48 : i32
          %add3A_304 = vector.broadcast %add3A_303 : i32 to vector<16xi32>
          %add3A_305 = arith.addi %add3A_304, %iota3A : vector<16xi32>
          %gather3A_306 = tpu.vector_load_idx %arg16[%broadcast_in_dim3A_273, %add3A_305] : memref<96x128xf32, #tpu.memory_space<vmem>>[vector<16xi32>, vector<16xi32>], vector<16xf32>,
          %gather3A_307 = tpu.vector_load_idx %arg17[%broadcast_in_dim3A_273, %add3A_305] : memref<96x128xf32, #tpu.memory_space<vmem>>[vector<16xi32>, vector<16xi32>], vector<16xf32>,
          %gather3A_308 = tpu.vector_load_idx %arg18[%broadcast_in_dim3A_273, %add3A_305] : memref<96x128xf32, #tpu.memory_space<vmem>>[vector<16xi32>, vector<16xi32>], vector<16xf32>,
          %sub3A_309 = arith.subf %gather3A_308, %gather3A_307 : vector<16xf32>
          %mul3A_310 = arith.mulf %gather3A_306, %sub3A_309 : vector<16xf32>
          %add3A_311 = arith.addf %add3A_302, %mul3A_310 : vector<16xf32>
          %add3A_312 = arith.constant 64 : i32
          %add3A_313 = vector.broadcast %add3A_312 : i32 to vector<16xi32>
          %add3A_314 = arith.addi %add3A_313, %iota3A : vector<16xi32>
          %gather3A_315 = tpu.vector_load_idx %arg16[%broadcast_in_dim3A_273, %add3A_314] : memref<96x128xf32, #tpu.memory_space<vmem>>[vector<16xi32>, vector<16xi32>], vector<16xf32>,
          %gather3A_316 = tpu.vector_load_idx %arg17[%broadcast_in_dim3A_273, %add3A_314] : memref<96x128xf32, #tpu.memory_space<vmem>>[vector<16xi32>, vector<16xi32>], vector<16xf32>,
          %gather3A_317 = tpu.vector_load_idx %arg18[%broadcast_in_dim3A_273, %add3A_314] : memref<96x128xf32, #tpu.memory_space<vmem>>[vector<16xi32>, vector<16xi32>], vector<16xf32>,
          %sub3A_318 = arith.subf %gather3A_317, %gather3A_316 : vector<16xf32>
          %mul3A_319 = arith.mulf %gather3A_315, %sub3A_318 : vector<16xf32>
          %add3A_320 = arith.addf %add3A_311, %mul3A_319 : vector<16xf32>
          %add3A_321 = arith.constant 80 : i32
          %add3A_322 = vector.broadcast %add3A_321 : i32 to vector<16xi32>
          %add3A_323 = arith.addi %add3A_322, %iota3A : vector<16xi32>
          %gather3A_324 = tpu.vector_load_idx %arg16[%broadcast_in_dim3A_273, %add3A_323] : memref<96x128xf32, #tpu.memory_space<vmem>>[vector<16xi32>, vector<16xi32>], vector<16xf32>,
          %gather3A_325 = tpu.vector_load_idx %arg17[%broadcast_in_dim3A_273, %add3A_323] : memref<96x128xf32, #tpu.memory_space<vmem>>[vector<16xi32>, vector<16xi32>], vector<16xf32>,
          %gather3A_326 = tpu.vector_load_idx %arg18[%broadcast_in_dim3A_273, %add3A_323] : memref<96x128xf32, #tpu.memory_space<vmem>>[vector<16xi32>, vector<16xi32>], vector<16xf32>,
          %sub3A_327 = arith.subf %gather3A_326, %gather3A_325 : vector<16xf32>
          %mul3A_328 = arith.mulf %gather3A_324, %sub3A_327 : vector<16xf32>
          %add3A_329 = arith.addf %add3A_320, %mul3A_328 : vector<16xf32>
          %reduce_sum3A_330 = arith.constant true
          %reduce_sum3A_331 = vector.broadcast %reduce_sum3A_330 : i1 to vector<16xi1>
          %reduce_sum3A_332 = tpu.scan <sum>, %add3A_329 masked %reduce_sum3A_331 : vector<16xf32>, vector<16xi1> -> vector<16xf32>
          %reduce_sum3A_333 = vector.extract %reduce_sum3A_332[15] : f32 from vector<16xf32>
          %add3A_334 = arith.constant 6.000000e-01 : f32
          %add3A_335 = arith.addf %reduce_sum3A_333, %add3A_334 : f32
          %max3A_336 = arith.constant 0.000000e+00 : f32
          %max3A_337 = arith.maximumf %add3A_335, %max3A_336 : f32
          %add3A_338 = arith.constant 128 : i32
          %add3A_339 = arith.addi %add3A_338, %add3A_272 : i32
          %lt3A_340 = arith.cmpi slt, %add3A_339, %min3A_47 : i32
          %jit3A_341 = arith.constant 0.000000e+00 : f32
          %select_n3A_342 = arith.select %lt3A_340, %max3A_337, %jit3A_341 : f32
          %add3A_343 = arith.addf %add3A_268, %select_n3A_342 : f32
          %mul3A_344 = arith.constant 4 : i32
          %mul3A_345 = arith.muli %while3A_192, %mul3A_344 : i32
          %add3A_346 = arith.constant 2 : i32
          %add3A_347 = arith.addi %mul3A_345, %add3A_346 : i32
          %broadcast_in_dim3A_348 = vector.broadcast %add3A_347 : i32 to vector<16xi32>
          %broadcast_in_dim3A_349 = arith.constant 0.000000e+00 : f32
          %broadcast_in_dim3A_350 = vector.broadcast %broadcast_in_dim3A_349 : f32 to vector<16xf32>
          %add3A_351 = arith.constant 0 : i32
          %add3A_352 = vector.broadcast %add3A_351 : i32 to vector<16xi32>
          %add3A_353 = arith.addi %add3A_352, %iota3A : vector<16xi32>
          %gather3A_354 = tpu.vector_load_idx %arg16[%broadcast_in_dim3A_348, %add3A_353] : memref<96x128xf32, #tpu.memory_space<vmem>>[vector<16xi32>, vector<16xi32>], vector<16xf32>,
          %gather3A_355 = tpu.vector_load_idx %arg17[%broadcast_in_dim3A_348, %add3A_353] : memref<96x128xf32, #tpu.memory_space<vmem>>[vector<16xi32>, vector<16xi32>], vector<16xf32>,
          %gather3A_356 = tpu.vector_load_idx %arg18[%broadcast_in_dim3A_348, %add3A_353] : memref<96x128xf32, #tpu.memory_space<vmem>>[vector<16xi32>, vector<16xi32>], vector<16xf32>,
          %sub3A_357 = arith.subf %gather3A_356, %gather3A_355 : vector<16xf32>
          %mul3A_358 = arith.mulf %gather3A_354, %sub3A_357 : vector<16xf32>
          %add3A_359 = arith.addf %broadcast_in_dim3A_350, %mul3A_358 : vector<16xf32>
          %add3A_360 = arith.constant 16 : i32
          %add3A_361 = vector.broadcast %add3A_360 : i32 to vector<16xi32>
          %add3A_362 = arith.addi %add3A_361, %iota3A : vector<16xi32>
          %gather3A_363 = tpu.vector_load_idx %arg16[%broadcast_in_dim3A_348, %add3A_362] : memref<96x128xf32, #tpu.memory_space<vmem>>[vector<16xi32>, vector<16xi32>], vector<16xf32>,
          %gather3A_364 = tpu.vector_load_idx %arg17[%broadcast_in_dim3A_348, %add3A_362] : memref<96x128xf32, #tpu.memory_space<vmem>>[vector<16xi32>, vector<16xi32>], vector<16xf32>,
          %gather3A_365 = tpu.vector_load_idx %arg18[%broadcast_in_dim3A_348, %add3A_362] : memref<96x128xf32, #tpu.memory_space<vmem>>[vector<16xi32>, vector<16xi32>], vector<16xf32>,
          %sub3A_366 = arith.subf %gather3A_365, %gather3A_364 : vector<16xf32>
          %mul3A_367 = arith.mulf %gather3A_363, %sub3A_366 : vector<16xf32>
          %add3A_368 = arith.addf %add3A_359, %mul3A_367 : vector<16xf32>
          %add3A_369 = arith.constant 32 : i32
          %add3A_370 = vector.broadcast %add3A_369 : i32 to vector<16xi32>
          %add3A_371 = arith.addi %add3A_370, %iota3A : vector<16xi32>
          %gather3A_372 = tpu.vector_load_idx %arg16[%broadcast_in_dim3A_348, %add3A_371] : memref<96x128xf32, #tpu.memory_space<vmem>>[vector<16xi32>, vector<16xi32>], vector<16xf32>,
          %gather3A_373 = tpu.vector_load_idx %arg17[%broadcast_in_dim3A_348, %add3A_371] : memref<96x128xf32, #tpu.memory_space<vmem>>[vector<16xi32>, vector<16xi32>], vector<16xf32>,
          %gather3A_374 = tpu.vector_load_idx %arg18[%broadcast_in_dim3A_348, %add3A_371] : memref<96x128xf32, #tpu.memory_space<vmem>>[vector<16xi32>, vector<16xi32>], vector<16xf32>,
          %sub3A_375 = arith.subf %gather3A_374, %gather3A_373 : vector<16xf32>
          %mul3A_376 = arith.mulf %gather3A_372, %sub3A_375 : vector<16xf32>
          %add3A_377 = arith.addf %add3A_368, %mul3A_376 : vector<16xf32>
          %add3A_378 = arith.constant 48 : i32
          %add3A_379 = vector.broadcast %add3A_378 : i32 to vector<16xi32>
          %add3A_380 = arith.addi %add3A_379, %iota3A : vector<16xi32>
          %gather3A_381 = tpu.vector_load_idx %arg16[%broadcast_in_dim3A_348, %add3A_380] : memref<96x128xf32, #tpu.memory_space<vmem>>[vector<16xi32>, vector<16xi32>], vector<16xf32>,
          %gather3A_382 = tpu.vector_load_idx %arg17[%broadcast_in_dim3A_348, %add3A_380] : memref<96x128xf32, #tpu.memory_space<vmem>>[vector<16xi32>, vector<16xi32>], vector<16xf32>,
          %gather3A_383 = tpu.vector_load_idx %arg18[%broadcast_in_dim3A_348, %add3A_380] : memref<96x128xf32, #tpu.memory_space<vmem>>[vector<16xi32>, vector<16xi32>], vector<16xf32>,
          %sub3A_384 = arith.subf %gather3A_383, %gather3A_382 : vector<16xf32>
          %mul3A_385 = arith.mulf %gather3A_381, %sub3A_384 : vector<16xf32>
          %add3A_386 = arith.addf %add3A_377, %mul3A_385 : vector<16xf32>
          %add3A_387 = arith.constant 64 : i32
          %add3A_388 = vector.broadcast %add3A_387 : i32 to vector<16xi32>
          %add3A_389 = arith.addi %add3A_388, %iota3A : vector<16xi32>
          %gather3A_390 = tpu.vector_load_idx %arg16[%broadcast_in_dim3A_348, %add3A_389] : memref<96x128xf32, #tpu.memory_space<vmem>>[vector<16xi32>, vector<16xi32>], vector<16xf32>,
          %gather3A_391 = tpu.vector_load_idx %arg17[%broadcast_in_dim3A_348, %add3A_389] : memref<96x128xf32, #tpu.memory_space<vmem>>[vector<16xi32>, vector<16xi32>], vector<16xf32>,
          %gather3A_392 = tpu.vector_load_idx %arg18[%broadcast_in_dim3A_348, %add3A_389] : memref<96x128xf32, #tpu.memory_space<vmem>>[vector<16xi32>, vector<16xi32>], vector<16xf32>,
          %sub3A_393 = arith.subf %gather3A_392, %gather3A_391 : vector<16xf32>
          %mul3A_394 = arith.mulf %gather3A_390, %sub3A_393 : vector<16xf32>
          %add3A_395 = arith.addf %add3A_386, %mul3A_394 : vector<16xf32>
          %add3A_396 = arith.constant 80 : i32
          %add3A_397 = vector.broadcast %add3A_396 : i32 to vector<16xi32>
          %add3A_398 = arith.addi %add3A_397, %iota3A : vector<16xi32>
          %gather3A_399 = tpu.vector_load_idx %arg16[%broadcast_in_dim3A_348, %add3A_398] : memref<96x128xf32, #tpu.memory_space<vmem>>[vector<16xi32>, vector<16xi32>], vector<16xf32>,
          %gather3A_400 = tpu.vector_load_idx %arg17[%broadcast_in_dim3A_348, %add3A_398] : memref<96x128xf32, #tpu.memory_space<vmem>>[vector<16xi32>, vector<16xi32>], vector<16xf32>,
          %gather3A_401 = tpu.vector_load_idx %arg18[%broadcast_in_dim3A_348, %add3A_398] : memref<96x128xf32, #tpu.memory_space<vmem>>[vector<16xi32>, vector<16xi32>], vector<16xf32>,
          %sub3A_402 = arith.subf %gather3A_401, %gather3A_400 : vector<16xf32>
          %mul3A_403 = arith.mulf %gather3A_399, %sub3A_402 : vector<16xf32>
          %add3A_404 = arith.addf %add3A_395, %mul3A_403 : vector<16xf32>
          %reduce_sum3A_405 = arith.constant true
          %reduce_sum3A_406 = vector.broadcast %reduce_sum3A_405 : i1 to vector<16xi1>
          %reduce_sum3A_407 = tpu.scan <sum>, %add3A_404 masked %reduce_sum3A_406 : vector<16xf32>, vector<16xi1> -> vector<16xf32>
          %reduce_sum3A_408 = vector.extract %reduce_sum3A_407[15] : f32 from vector<16xf32>
          %add3A_409 = arith.constant 6.000000e-01 : f32
          %add3A_410 = arith.addf %reduce_sum3A_408, %add3A_409 : f32
          %max3A_411 = arith.constant 0.000000e+00 : f32
          %max3A_412 = arith.maximumf %add3A_410, %max3A_411 : f32
          %add3A_413 = arith.constant 128 : i32
          %add3A_414 = arith.addi %add3A_413, %add3A_347 : i32
          %lt3A_415 = arith.cmpi slt, %add3A_414, %min3A_47 : i32
          %jit3A_416 = arith.constant 0.000000e+00 : f32
          %select_n3A_417 = arith.select %lt3A_415, %max3A_412, %jit3A_416 : f32
          %add3A_418 = arith.addf %add3A_343, %select_n3A_417 : f32
          %mul3A_419 = arith.constant 4 : i32
          %mul3A_420 = arith.muli %while3A_192, %mul3A_419 : i32
          %add3A_421 = arith.constant 3 : i32
          %add3A_422 = arith.addi %mul3A_420, %add3A_421 : i32
          %broadcast_in_dim3A_423 = vector.broadcast %add3A_422 : i32 to vector<16xi32>
          %broadcast_in_dim3A_424 = arith.constant 0.000000e+00 : f32
          %broadcast_in_dim3A_425 = vector.broadcast %broadcast_in_dim3A_424 : f32 to vector<16xf32>
          %add3A_426 = arith.constant 0 : i32
          %add3A_427 = vector.broadcast %add3A_426 : i32 to vector<16xi32>
          %add3A_428 = arith.addi %add3A_427, %iota3A : vector<16xi32>
          %gather3A_429 = tpu.vector_load_idx %arg16[%broadcast_in_dim3A_423, %add3A_428] : memref<96x128xf32, #tpu.memory_space<vmem>>[vector<16xi32>, vector<16xi32>], vector<16xf32>,
          %gather3A_430 = tpu.vector_load_idx %arg17[%broadcast_in_dim3A_423, %add3A_428] : memref<96x128xf32, #tpu.memory_space<vmem>>[vector<16xi32>, vector<16xi32>], vector<16xf32>,
          %gather3A_431 = tpu.vector_load_idx %arg18[%broadcast_in_dim3A_423, %add3A_428] : memref<96x128xf32, #tpu.memory_space<vmem>>[vector<16xi32>, vector<16xi32>], vector<16xf32>,
          %sub3A_432 = arith.subf %gather3A_431, %gather3A_430 : vector<16xf32>
          %mul3A_433 = arith.mulf %gather3A_429, %sub3A_432 : vector<16xf32>
          %add3A_434 = arith.addf %broadcast_in_dim3A_425, %mul3A_433 : vector<16xf32>
          %add3A_435 = arith.constant 16 : i32
          %add3A_436 = vector.broadcast %add3A_435 : i32 to vector<16xi32>
          %add3A_437 = arith.addi %add3A_436, %iota3A : vector<16xi32>
          %gather3A_438 = tpu.vector_load_idx %arg16[%broadcast_in_dim3A_423, %add3A_437] : memref<96x128xf32, #tpu.memory_space<vmem>>[vector<16xi32>, vector<16xi32>], vector<16xf32>,
          %gather3A_439 = tpu.vector_load_idx %arg17[%broadcast_in_dim3A_423, %add3A_437] : memref<96x128xf32, #tpu.memory_space<vmem>>[vector<16xi32>, vector<16xi32>], vector<16xf32>,
          %gather3A_440 = tpu.vector_load_idx %arg18[%broadcast_in_dim3A_423, %add3A_437] : memref<96x128xf32, #tpu.memory_space<vmem>>[vector<16xi32>, vector<16xi32>], vector<16xf32>,
          %sub3A_441 = arith.subf %gather3A_440, %gather3A_439 : vector<16xf32>
          %mul3A_442 = arith.mulf %gather3A_438, %sub3A_441 : vector<16xf32>
          %add3A_443 = arith.addf %add3A_434, %mul3A_442 : vector<16xf32>
          %add3A_444 = arith.constant 32 : i32
          %add3A_445 = vector.broadcast %add3A_444 : i32 to vector<16xi32>
          %add3A_446 = arith.addi %add3A_445, %iota3A : vector<16xi32>
          %gather3A_447 = tpu.vector_load_idx %arg16[%broadcast_in_dim3A_423, %add3A_446] : memref<96x128xf32, #tpu.memory_space<vmem>>[vector<16xi32>, vector<16xi32>], vector<16xf32>,
          %gather3A_448 = tpu.vector_load_idx %arg17[%broadcast_in_dim3A_423, %add3A_446] : memref<96x128xf32, #tpu.memory_space<vmem>>[vector<16xi32>, vector<16xi32>], vector<16xf32>,
          %gather3A_449 = tpu.vector_load_idx %arg18[%broadcast_in_dim3A_423, %add3A_446] : memref<96x128xf32, #tpu.memory_space<vmem>>[vector<16xi32>, vector<16xi32>], vector<16xf32>,
          %sub3A_450 = arith.subf %gather3A_449, %gather3A_448 : vector<16xf32>
          %mul3A_451 = arith.mulf %gather3A_447, %sub3A_450 : vector<16xf32>
          %add3A_452 = arith.addf %add3A_443, %mul3A_451 : vector<16xf32>
          %add3A_453 = arith.constant 48 : i32
          %add3A_454 = vector.broadcast %add3A_453 : i32 to vector<16xi32>
          %add3A_455 = arith.addi %add3A_454, %iota3A : vector<16xi32>
          %gather3A_456 = tpu.vector_load_idx %arg16[%broadcast_in_dim3A_423, %add3A_455] : memref<96x128xf32, #tpu.memory_space<vmem>>[vector<16xi32>, vector<16xi32>], vector<16xf32>,
          %gather3A_457 = tpu.vector_load_idx %arg17[%broadcast_in_dim3A_423, %add3A_455] : memref<96x128xf32, #tpu.memory_space<vmem>>[vector<16xi32>, vector<16xi32>], vector<16xf32>,
          %gather3A_458 = tpu.vector_load_idx %arg18[%broadcast_in_dim3A_423, %add3A_455] : memref<96x128xf32, #tpu.memory_space<vmem>>[vector<16xi32>, vector<16xi32>], vector<16xf32>,
          %sub3A_459 = arith.subf %gather3A_458, %gather3A_457 : vector<16xf32>
          %mul3A_460 = arith.mulf %gather3A_456, %sub3A_459 : vector<16xf32>
          %add3A_461 = arith.addf %add3A_452, %mul3A_460 : vector<16xf32>
          %add3A_462 = arith.constant 64 : i32
          %add3A_463 = vector.broadcast %add3A_462 : i32 to vector<16xi32>
          %add3A_464 = arith.addi %add3A_463, %iota3A : vector<16xi32>
          %gather3A_465 = tpu.vector_load_idx %arg16[%broadcast_in_dim3A_423, %add3A_464] : memref<96x128xf32, #tpu.memory_space<vmem>>[vector<16xi32>, vector<16xi32>], vector<16xf32>,
          %gather3A_466 = tpu.vector_load_idx %arg17[%broadcast_in_dim3A_423, %add3A_464] : memref<96x128xf32, #tpu.memory_space<vmem>>[vector<16xi32>, vector<16xi32>], vector<16xf32>,
          %gather3A_467 = tpu.vector_load_idx %arg18[%broadcast_in_dim3A_423, %add3A_464] : memref<96x128xf32, #tpu.memory_space<vmem>>[vector<16xi32>, vector<16xi32>], vector<16xf32>,
          %sub3A_468 = arith.subf %gather3A_467, %gather3A_466 : vector<16xf32>
          %mul3A_469 = arith.mulf %gather3A_465, %sub3A_468 : vector<16xf32>
          %add3A_470 = arith.addf %add3A_461, %mul3A_469 : vector<16xf32>
          %add3A_471 = arith.constant 80 : i32
          %add3A_472 = vector.broadcast %add3A_471 : i32 to vector<16xi32>
          %add3A_473 = arith.addi %add3A_472, %iota3A : vector<16xi32>
          %gather3A_474 = tpu.vector_load_idx %arg16[%broadcast_in_dim3A_423, %add3A_473] : memref<96x128xf32, #tpu.memory_space<vmem>>[vector<16xi32>, vector<16xi32>], vector<16xf32>,
          %gather3A_475 = tpu.vector_load_idx %arg17[%broadcast_in_dim3A_423, %add3A_473] : memref<96x128xf32, #tpu.memory_space<vmem>>[vector<16xi32>, vector<16xi32>], vector<16xf32>,
          %gather3A_476 = tpu.vector_load_idx %arg18[%broadcast_in_dim3A_423, %add3A_473] : memref<96x128xf32, #tpu.memory_space<vmem>>[vector<16xi32>, vector<16xi32>], vector<16xf32>,
          %sub3A_477 = arith.subf %gather3A_476, %gather3A_475 : vector<16xf32>
          %mul3A_478 = arith.mulf %gather3A_474, %sub3A_477 : vector<16xf32>
          %add3A_479 = arith.addf %add3A_470, %mul3A_478 : vector<16xf32>
          %reduce_sum3A_480 = arith.constant true
          %reduce_sum3A_481 = vector.broadcast %reduce_sum3A_480 : i1 to vector<16xi1>
          %reduce_sum3A_482 = tpu.scan <sum>, %add3A_479 masked %reduce_sum3A_481 : vector<16xf32>, vector<16xi1> -> vector<16xf32>
          %reduce_sum3A_483 = vector.extract %reduce_sum3A_482[15] : f32 from vector<16xf32>
          %add3A_484 = arith.constant 6.000000e-01 : f32
          %add3A_485 = arith.addf %reduce_sum3A_483, %add3A_484 : f32
          %max3A_486 = arith.constant 0.000000e+00 : f32
          %max3A_487 = arith.maximumf %add3A_485, %max3A_486 : f32
          %add3A_488 = arith.constant 128 : i32
          %add3A_489 = arith.addi %add3A_488, %add3A_422 : i32
          %lt3A_490 = arith.cmpi slt, %add3A_489, %min3A_47 : i32
          %jit3A_491 = arith.constant 0.000000e+00 : f32
          %select_n3A_492 = arith.select %lt3A_490, %max3A_487, %jit3A_491 : f32
          %add3A_493 = arith.addf %add3A_418, %select_n3A_492 : f32
          %add3A_494 = arith.addf %while3A_193, %add3A_493 : f32
          scf.yield %add3A_494 : f32
        }
        %while3A_176 = arith.constant 1 : i32
        %while3A_177 = scf.for %while3A_192 = %while3A_173 to %while3A_169 step %while3A_176 iter_args(%while3A_193 = %while3A_175) -> (f32)  : i32 {
          %mul3A_194 = arith.constant 4 : i32
          %mul3A_195 = arith.muli %while3A_192, %mul3A_194 : i32
          %add3A_196 = arith.constant 0 : i32
          %add3A_197 = arith.addi %mul3A_195, %add3A_196 : i32
          %broadcast_in_dim3A_198 = vector.broadcast %add3A_197 : i32 to vector<16xi32>
          %broadcast_in_dim3A_199 = arith.constant 0.000000e+00 : f32
          %broadcast_in_dim3A_200 = vector.broadcast %broadcast_in_dim3A_199 : f32 to vector<16xf32>
          %add3A_201 = arith.constant 0 : i32
          %add3A_202 = vector.broadcast %add3A_201 : i32 to vector<16xi32>
          %add3A_203 = arith.addi %add3A_202, %iota3A : vector<16xi32>
          %gather3A_204 = tpu.vector_load_idx %arg16[%broadcast_in_dim3A_198, %add3A_203] : memref<96x128xf32, #tpu.memory_space<vmem>>[vector<16xi32>, vector<16xi32>], vector<16xf32>,
          %gather3A_205 = tpu.vector_load_idx %arg17[%broadcast_in_dim3A_198, %add3A_203] : memref<96x128xf32, #tpu.memory_space<vmem>>[vector<16xi32>, vector<16xi32>], vector<16xf32>,
          %gather3A_206 = tpu.vector_load_idx %arg18[%broadcast_in_dim3A_198, %add3A_203] : memref<96x128xf32, #tpu.memory_space<vmem>>[vector<16xi32>, vector<16xi32>], vector<16xf32>,
          %sub3A_207 = arith.subf %gather3A_206, %gather3A_205 : vector<16xf32>
          %mul3A_208 = arith.mulf %gather3A_204, %sub3A_207 : vector<16xf32>
          %add3A_209 = arith.addf %broadcast_in_dim3A_200, %mul3A_208 : vector<16xf32>
          %add3A_210 = arith.constant 16 : i32
          %add3A_211 = vector.broadcast %add3A_210 : i32 to vector<16xi32>
          %add3A_212 = arith.addi %add3A_211, %iota3A : vector<16xi32>
          %gather3A_213 = tpu.vector_load_idx %arg16[%broadcast_in_dim3A_198, %add3A_212] : memref<96x128xf32, #tpu.memory_space<vmem>>[vector<16xi32>, vector<16xi32>], vector<16xf32>,
          %gather3A_214 = tpu.vector_load_idx %arg17[%broadcast_in_dim3A_198, %add3A_212] : memref<96x128xf32, #tpu.memory_space<vmem>>[vector<16xi32>, vector<16xi32>], vector<16xf32>,
          %gather3A_215 = tpu.vector_load_idx %arg18[%broadcast_in_dim3A_198, %add3A_212] : memref<96x128xf32, #tpu.memory_space<vmem>>[vector<16xi32>, vector<16xi32>], vector<16xf32>,
          %sub3A_216 = arith.subf %gather3A_215, %gather3A_214 : vector<16xf32>
          %mul3A_217 = arith.mulf %gather3A_213, %sub3A_216 : vector<16xf32>
          %add3A_218 = arith.addf %add3A_209, %mul3A_217 : vector<16xf32>
          %add3A_219 = arith.constant 32 : i32
          %add3A_220 = vector.broadcast %add3A_219 : i32 to vector<16xi32>
          %add3A_221 = arith.addi %add3A_220, %iota3A : vector<16xi32>
          %gather3A_222 = tpu.vector_load_idx %arg16[%broadcast_in_dim3A_198, %add3A_221] : memref<96x128xf32, #tpu.memory_space<vmem>>[vector<16xi32>, vector<16xi32>], vector<16xf32>,
          %gather3A_223 = tpu.vector_load_idx %arg17[%broadcast_in_dim3A_198, %add3A_221] : memref<96x128xf32, #tpu.memory_space<vmem>>[vector<16xi32>, vector<16xi32>], vector<16xf32>,
          %gather3A_224 = tpu.vector_load_idx %arg18[%broadcast_in_dim3A_198, %add3A_221] : memref<96x128xf32, #tpu.memory_space<vmem>>[vector<16xi32>, vector<16xi32>], vector<16xf32>,
          %sub3A_225 = arith.subf %gather3A_224, %gather3A_223 : vector<16xf32>
          %mul3A_226 = arith.mulf %gather3A_222, %sub3A_225 : vector<16xf32>
          %add3A_227 = arith.addf %add3A_218, %mul3A_226 : vector<16xf32>
          %add3A_228 = arith.constant 48 : i32
          %add3A_229 = vector.broadcast %add3A_228 : i32 to vector<16xi32>
          %add3A_230 = arith.addi %add3A_229, %iota3A : vector<16xi32>
          %gather3A_231 = tpu.vector_load_idx %arg16[%broadcast_in_dim3A_198, %add3A_230] : memref<96x128xf32, #tpu.memory_space<vmem>>[vector<16xi32>, vector<16xi32>], vector<16xf32>,
          %gather3A_232 = tpu.vector_load_idx %arg17[%broadcast_in_dim3A_198, %add3A_230] : memref<96x128xf32, #tpu.memory_space<vmem>>[vector<16xi32>, vector<16xi32>], vector<16xf32>,
          %gather3A_233 = tpu.vector_load_idx %arg18[%broadcast_in_dim3A_198, %add3A_230] : memref<96x128xf32, #tpu.memory_space<vmem>>[vector<16xi32>, vector<16xi32>], vector<16xf32>,
          %sub3A_234 = arith.subf %gather3A_233, %gather3A_232 : vector<16xf32>
          %mul3A_235 = arith.mulf %gather3A_231, %sub3A_234 : vector<16xf32>
          %add3A_236 = arith.addf %add3A_227, %mul3A_235 : vector<16xf32>
          %add3A_237 = arith.constant 64 : i32
          %add3A_238 = vector.broadcast %add3A_237 : i32 to vector<16xi32>
          %add3A_239 = arith.addi %add3A_238, %iota3A : vector<16xi32>
          %gather3A_240 = tpu.vector_load_idx %arg16[%broadcast_in_dim3A_198, %add3A_239] : memref<96x128xf32, #tpu.memory_space<vmem>>[vector<16xi32>, vector<16xi32>], vector<16xf32>,
          %gather3A_241 = tpu.vector_load_idx %arg17[%broadcast_in_dim3A_198, %add3A_239] : memref<96x128xf32, #tpu.memory_space<vmem>>[vector<16xi32>, vector<16xi32>], vector<16xf32>,
          %gather3A_242 = tpu.vector_load_idx %arg18[%broadcast_in_dim3A_198, %add3A_239] : memref<96x128xf32, #tpu.memory_space<vmem>>[vector<16xi32>, vector<16xi32>], vector<16xf32>,
          %sub3A_243 = arith.subf %gather3A_242, %gather3A_241 : vector<16xf32>
          %mul3A_244 = arith.mulf %gather3A_240, %sub3A_243 : vector<16xf32>
          %add3A_245 = arith.addf %add3A_236, %mul3A_244 : vector<16xf32>
          %add3A_246 = arith.constant 80 : i32
          %add3A_247 = vector.broadcast %add3A_246 : i32 to vector<16xi32>
          %add3A_248 = arith.addi %add3A_247, %iota3A : vector<16xi32>
          %gather3A_249 = tpu.vector_load_idx %arg16[%broadcast_in_dim3A_198, %add3A_248] : memref<96x128xf32, #tpu.memory_space<vmem>>[vector<16xi32>, vector<16xi32>], vector<16xf32>,
          %gather3A_250 = tpu.vector_load_idx %arg17[%broadcast_in_dim3A_198, %add3A_248] : memref<96x128xf32, #tpu.memory_space<vmem>>[vector<16xi32>, vector<16xi32>], vector<16xf32>,
          %gather3A_251 = tpu.vector_load_idx %arg18[%broadcast_in_dim3A_198, %add3A_248] : memref<96x128xf32, #tpu.memory_space<vmem>>[vector<16xi32>, vector<16xi32>], vector<16xf32>,
          %sub3A_252 = arith.subf %gather3A_251, %gather3A_250 : vector<16xf32>
          %mul3A_253 = arith.mulf %gather3A_249, %sub3A_252 : vector<16xf32>
          %add3A_254 = arith.addf %add3A_245, %mul3A_253 : vector<16xf32>
          %reduce_sum3A = arith.constant true
          %reduce_sum3A_255 = vector.broadcast %reduce_sum3A : i1 to vector<16xi1>
          %reduce_sum3A_256 = tpu.scan <sum>, %add3A_254 masked %reduce_sum3A_255 : vector<16xf32>, vector<16xi1> -> vector<16xf32>
          %reduce_sum3A_257 = vector.extract %reduce_sum3A_256[15] : f32 from vector<16xf32>
          %add3A_258 = arith.constant 6.000000e-01 : f32
          %add3A_259 = arith.addf %reduce_sum3A_257, %add3A_258 : f32
          %max3A_260 = arith.constant 0.000000e+00 : f32
          %max3A_261 = arith.maximumf %add3A_259, %max3A_260 : f32
          %add3A_262 = arith.constant 128 : i32
          %add3A_263 = arith.addi %add3A_262, %add3A_197 : i32
          %lt3A_264 = arith.cmpi slt, %add3A_263, %min3A_47 : i32
          %jit3A_265 = arith.constant 0.000000e+00 : f32
          %select_n3A_266 = arith.select %lt3A_264, %max3A_261, %jit3A_265 : f32
          %add3A_267 = arith.constant 0.000000e+00 : f32
          %add3A_268 = arith.addf %add3A_267, %select_n3A_266 : f32
          %mul3A_269 = arith.constant 4 : i32
          %mul3A_270 = arith.muli %while3A_192, %mul3A_269 : i32
          %add3A_271 = arith.constant 1 : i32
          %add3A_272 = arith.addi %mul3A_270, %add3A_271 : i32
          %broadcast_in_dim3A_273 = vector.broadcast %add3A_272 : i32 to vector<16xi32>
          %broadcast_in_dim3A_274 = arith.constant 0.000000e+00 : f32
          %broadcast_in_dim3A_275 = vector.broadcast %broadcast_in_dim3A_274 : f32 to vector<16xf32>
          %add3A_276 = arith.constant 0 : i32
          %add3A_277 = vector.broadcast %add3A_276 : i32 to vector<16xi32>
          %add3A_278 = arith.addi %add3A_277, %iota3A : vector<16xi32>
          %gather3A_279 = tpu.vector_load_idx %arg16[%broadcast_in_dim3A_273, %add3A_278] : memref<96x128xf32, #tpu.memory_space<vmem>>[vector<16xi32>, vector<16xi32>], vector<16xf32>,
          %gather3A_280 = tpu.vector_load_idx %arg17[%broadcast_in_dim3A_273, %add3A_278] : memref<96x128xf32, #tpu.memory_space<vmem>>[vector<16xi32>, vector<16xi32>], vector<16xf32>,
          %gather3A_281 = tpu.vector_load_idx %arg18[%broadcast_in_dim3A_273, %add3A_278] : memref<96x128xf32, #tpu.memory_space<vmem>>[vector<16xi32>, vector<16xi32>], vector<16xf32>,
          %sub3A_282 = arith.subf %gather3A_281, %gather3A_280 : vector<16xf32>
          %mul3A_283 = arith.mulf %gather3A_279, %sub3A_282 : vector<16xf32>
          %add3A_284 = arith.addf %broadcast_in_dim3A_275, %mul3A_283 : vector<16xf32>
          %add3A_285 = arith.constant 16 : i32
          %add3A_286 = vector.broadcast %add3A_285 : i32 to vector<16xi32>
          %add3A_287 = arith.addi %add3A_286, %iota3A : vector<16xi32>
          %gather3A_288 = tpu.vector_load_idx %arg16[%broadcast_in_dim3A_273, %add3A_287] : memref<96x128xf32, #tpu.memory_space<vmem>>[vector<16xi32>, vector<16xi32>], vector<16xf32>,
          %gather3A_289 = tpu.vector_load_idx %arg17[%broadcast_in_dim3A_273, %add3A_287] : memref<96x128xf32, #tpu.memory_space<vmem>>[vector<16xi32>, vector<16xi32>], vector<16xf32>,
          %gather3A_290 = tpu.vector_load_idx %arg18[%broadcast_in_dim3A_273, %add3A_287] : memref<96x128xf32, #tpu.memory_space<vmem>>[vector<16xi32>, vector<16xi32>], vector<16xf32>,
          %sub3A_291 = arith.subf %gather3A_290, %gather3A_289 : vector<16xf32>
          %mul3A_292 = arith.mulf %gather3A_288, %sub3A_291 : vector<16xf32>
          %add3A_293 = arith.addf %add3A_284, %mul3A_292 : vector<16xf32>
          %add3A_294 = arith.constant 32 : i32
          %add3A_295 = vector.broadcast %add3A_294 : i32 to vector<16xi32>
          %add3A_296 = arith.addi %add3A_295, %iota3A : vector<16xi32>
          %gather3A_297 = tpu.vector_load_idx %arg16[%broadcast_in_dim3A_273, %add3A_296] : memref<96x128xf32, #tpu.memory_space<vmem>>[vector<16xi32>, vector<16xi32>], vector<16xf32>,
          %gather3A_298 = tpu.vector_load_idx %arg17[%broadcast_in_dim3A_273, %add3A_296] : memref<96x128xf32, #tpu.memory_space<vmem>>[vector<16xi32>, vector<16xi32>], vector<16xf32>,
          %gather3A_299 = tpu.vector_load_idx %arg18[%broadcast_in_dim3A_273, %add3A_296] : memref<96x128xf32, #tpu.memory_space<vmem>>[vector<16xi32>, vector<16xi32>], vector<16xf32>,
          %sub3A_300 = arith.subf %gather3A_299, %gather3A_298 : vector<16xf32>
          %mul3A_301 = arith.mulf %gather3A_297, %sub3A_300 : vector<16xf32>
          %add3A_302 = arith.addf %add3A_293, %mul3A_301 : vector<16xf32>
          %add3A_303 = arith.constant 48 : i32
          %add3A_304 = vector.broadcast %add3A_303 : i32 to vector<16xi32>
          %add3A_305 = arith.addi %add3A_304, %iota3A : vector<16xi32>
          %gather3A_306 = tpu.vector_load_idx %arg16[%broadcast_in_dim3A_273, %add3A_305] : memref<96x128xf32, #tpu.memory_space<vmem>>[vector<16xi32>, vector<16xi32>], vector<16xf32>,
          %gather3A_307 = tpu.vector_load_idx %arg17[%broadcast_in_dim3A_273, %add3A_305] : memref<96x128xf32, #tpu.memory_space<vmem>>[vector<16xi32>, vector<16xi32>], vector<16xf32>,
          %gather3A_308 = tpu.vector_load_idx %arg18[%broadcast_in_dim3A_273, %add3A_305] : memref<96x128xf32, #tpu.memory_space<vmem>>[vector<16xi32>, vector<16xi32>], vector<16xf32>,
          %sub3A_309 = arith.subf %gather3A_308, %gather3A_307 : vector<16xf32>
          %mul3A_310 = arith.mulf %gather3A_306, %sub3A_309 : vector<16xf32>
          %add3A_311 = arith.addf %add3A_302, %mul3A_310 : vector<16xf32>
          %add3A_312 = arith.constant 64 : i32
          %add3A_313 = vector.broadcast %add3A_312 : i32 to vector<16xi32>
          %add3A_314 = arith.addi %add3A_313, %iota3A : vector<16xi32>
          %gather3A_315 = tpu.vector_load_idx %arg16[%broadcast_in_dim3A_273, %add3A_314] : memref<96x128xf32, #tpu.memory_space<vmem>>[vector<16xi32>, vector<16xi32>], vector<16xf32>,
          %gather3A_316 = tpu.vector_load_idx %arg17[%broadcast_in_dim3A_273, %add3A_314] : memref<96x128xf32, #tpu.memory_space<vmem>>[vector<16xi32>, vector<16xi32>], vector<16xf32>,
          %gather3A_317 = tpu.vector_load_idx %arg18[%broadcast_in_dim3A_273, %add3A_314] : memref<96x128xf32, #tpu.memory_space<vmem>>[vector<16xi32>, vector<16xi32>], vector<16xf32>,
          %sub3A_318 = arith.subf %gather3A_317, %gather3A_316 : vector<16xf32>
          %mul3A_319 = arith.mulf %gather3A_315, %sub3A_318 : vector<16xf32>
          %add3A_320 = arith.addf %add3A_311, %mul3A_319 : vector<16xf32>
          %add3A_321 = arith.constant 80 : i32
          %add3A_322 = vector.broadcast %add3A_321 : i32 to vector<16xi32>
          %add3A_323 = arith.addi %add3A_322, %iota3A : vector<16xi32>
          %gather3A_324 = tpu.vector_load_idx %arg16[%broadcast_in_dim3A_273, %add3A_323] : memref<96x128xf32, #tpu.memory_space<vmem>>[vector<16xi32>, vector<16xi32>], vector<16xf32>,
          %gather3A_325 = tpu.vector_load_idx %arg17[%broadcast_in_dim3A_273, %add3A_323] : memref<96x128xf32, #tpu.memory_space<vmem>>[vector<16xi32>, vector<16xi32>], vector<16xf32>,
          %gather3A_326 = tpu.vector_load_idx %arg18[%broadcast_in_dim3A_273, %add3A_323] : memref<96x128xf32, #tpu.memory_space<vmem>>[vector<16xi32>, vector<16xi32>], vector<16xf32>,
          %sub3A_327 = arith.subf %gather3A_326, %gather3A_325 : vector<16xf32>
          %mul3A_328 = arith.mulf %gather3A_324, %sub3A_327 : vector<16xf32>
          %add3A_329 = arith.addf %add3A_320, %mul3A_328 : vector<16xf32>
          %reduce_sum3A_330 = arith.constant true
          %reduce_sum3A_331 = vector.broadcast %reduce_sum3A_330 : i1 to vector<16xi1>
          %reduce_sum3A_332 = tpu.scan <sum>, %add3A_329 masked %reduce_sum3A_331 : vector<16xf32>, vector<16xi1> -> vector<16xf32>
          %reduce_sum3A_333 = vector.extract %reduce_sum3A_332[15] : f32 from vector<16xf32>
          %add3A_334 = arith.constant 6.000000e-01 : f32
          %add3A_335 = arith.addf %reduce_sum3A_333, %add3A_334 : f32
          %max3A_336 = arith.constant 0.000000e+00 : f32
          %max3A_337 = arith.maximumf %add3A_335, %max3A_336 : f32
          %add3A_338 = arith.constant 128 : i32
          %add3A_339 = arith.addi %add3A_338, %add3A_272 : i32
          %lt3A_340 = arith.cmpi slt, %add3A_339, %min3A_47 : i32
          %jit3A_341 = arith.constant 0.000000e+00 : f32
          %select_n3A_342 = arith.select %lt3A_340, %max3A_337, %jit3A_341 : f32
          %add3A_343 = arith.addf %add3A_268, %select_n3A_342 : f32
          %mul3A_344 = arith.constant 4 : i32
          %mul3A_345 = arith.muli %while3A_192, %mul3A_344 : i32
          %add3A_346 = arith.constant 2 : i32
          %add3A_347 = arith.addi %mul3A_345, %add3A_346 : i32
          %broadcast_in_dim3A_348 = vector.broadcast %add3A_347 : i32 to vector<16xi32>
          %broadcast_in_dim3A_349 = arith.constant 0.000000e+00 : f32
          %broadcast_in_dim3A_350 = vector.broadcast %broadcast_in_dim3A_349 : f32 to vector<16xf32>
          %add3A_351 = arith.constant 0 : i32
          %add3A_352 = vector.broadcast %add3A_351 : i32 to vector<16xi32>
          %add3A_353 = arith.addi %add3A_352, %iota3A : vector<16xi32>
          %gather3A_354 = tpu.vector_load_idx %arg16[%broadcast_in_dim3A_348, %add3A_353] : memref<96x128xf32, #tpu.memory_space<vmem>>[vector<16xi32>, vector<16xi32>], vector<16xf32>,
          %gather3A_355 = tpu.vector_load_idx %arg17[%broadcast_in_dim3A_348, %add3A_353] : memref<96x128xf32, #tpu.memory_space<vmem>>[vector<16xi32>, vector<16xi32>], vector<16xf32>,
          %gather3A_356 = tpu.vector_load_idx %arg18[%broadcast_in_dim3A_348, %add3A_353] : memref<96x128xf32, #tpu.memory_space<vmem>>[vector<16xi32>, vector<16xi32>], vector<16xf32>,
          %sub3A_357 = arith.subf %gather3A_356, %gather3A_355 : vector<16xf32>
          %mul3A_358 = arith.mulf %gather3A_354, %sub3A_357 : vector<16xf32>
          %add3A_359 = arith.addf %broadcast_in_dim3A_350, %mul3A_358 : vector<16xf32>
          %add3A_360 = arith.constant 16 : i32
          %add3A_361 = vector.broadcast %add3A_360 : i32 to vector<16xi32>
          %add3A_362 = arith.addi %add3A_361, %iota3A : vector<16xi32>
          %gather3A_363 = tpu.vector_load_idx %arg16[%broadcast_in_dim3A_348, %add3A_362] : memref<96x128xf32, #tpu.memory_space<vmem>>[vector<16xi32>, vector<16xi32>], vector<16xf32>,
          %gather3A_364 = tpu.vector_load_idx %arg17[%broadcast_in_dim3A_348, %add3A_362] : memref<96x128xf32, #tpu.memory_space<vmem>>[vector<16xi32>, vector<16xi32>], vector<16xf32>,
          %gather3A_365 = tpu.vector_load_idx %arg18[%broadcast_in_dim3A_348, %add3A_362] : memref<96x128xf32, #tpu.memory_space<vmem>>[vector<16xi32>, vector<16xi32>], vector<16xf32>,
          %sub3A_366 = arith.subf %gather3A_365, %gather3A_364 : vector<16xf32>
          %mul3A_367 = arith.mulf %gather3A_363, %sub3A_366 : vector<16xf32>
          %add3A_368 = arith.addf %add3A_359, %mul3A_367 : vector<16xf32>
          %add3A_369 = arith.constant 32 : i32
          %add3A_370 = vector.broadcast %add3A_369 : i32 to vector<16xi32>
          %add3A_371 = arith.addi %add3A_370, %iota3A : vector<16xi32>
          %gather3A_372 = tpu.vector_load_idx %arg16[%broadcast_in_dim3A_348, %add3A_371] : memref<96x128xf32, #tpu.memory_space<vmem>>[vector<16xi32>, vector<16xi32>], vector<16xf32>,
          %gather3A_373 = tpu.vector_load_idx %arg17[%broadcast_in_dim3A_348, %add3A_371] : memref<96x128xf32, #tpu.memory_space<vmem>>[vector<16xi32>, vector<16xi32>], vector<16xf32>,
          %gather3A_374 = tpu.vector_load_idx %arg18[%broadcast_in_dim3A_348, %add3A_371] : memref<96x128xf32, #tpu.memory_space<vmem>>[vector<16xi32>, vector<16xi32>], vector<16xf32>,
          %sub3A_375 = arith.subf %gather3A_374, %gather3A_373 : vector<16xf32>
          %mul3A_376 = arith.mulf %gather3A_372, %sub3A_375 : vector<16xf32>
          %add3A_377 = arith.addf %add3A_368, %mul3A_376 : vector<16xf32>
          %add3A_378 = arith.constant 48 : i32
          %add3A_379 = vector.broadcast %add3A_378 : i32 to vector<16xi32>
          %add3A_380 = arith.addi %add3A_379, %iota3A : vector<16xi32>
          %gather3A_381 = tpu.vector_load_idx %arg16[%broadcast_in_dim3A_348, %add3A_380] : memref<96x128xf32, #tpu.memory_space<vmem>>[vector<16xi32>, vector<16xi32>], vector<16xf32>,
          %gather3A_382 = tpu.vector_load_idx %arg17[%broadcast_in_dim3A_348, %add3A_380] : memref<96x128xf32, #tpu.memory_space<vmem>>[vector<16xi32>, vector<16xi32>], vector<16xf32>,
          %gather3A_383 = tpu.vector_load_idx %arg18[%broadcast_in_dim3A_348, %add3A_380] : memref<96x128xf32, #tpu.memory_space<vmem>>[vector<16xi32>, vector<16xi32>], vector<16xf32>,
          %sub3A_384 = arith.subf %gather3A_383, %gather3A_382 : vector<16xf32>
          %mul3A_385 = arith.mulf %gather3A_381, %sub3A_384 : vector<16xf32>
          %add3A_386 = arith.addf %add3A_377, %mul3A_385 : vector<16xf32>
          %add3A_387 = arith.constant 64 : i32
          %add3A_388 = vector.broadcast %add3A_387 : i32 to vector<16xi32>
          %add3A_389 = arith.addi %add3A_388, %iota3A : vector<16xi32>
          %gather3A_390 = tpu.vector_load_idx %arg16[%broadcast_in_dim3A_348, %add3A_389] : memref<96x128xf32, #tpu.memory_space<vmem>>[vector<16xi32>, vector<16xi32>], vector<16xf32>,
          %gather3A_391 = tpu.vector_load_idx %arg17[%broadcast_in_dim3A_348, %add3A_389] : memref<96x128xf32, #tpu.memory_space<vmem>>[vector<16xi32>, vector<16xi32>], vector<16xf32>,
          %gather3A_392 = tpu.vector_load_idx %arg18[%broadcast_in_dim3A_348, %add3A_389] : memref<96x128xf32, #tpu.memory_space<vmem>>[vector<16xi32>, vector<16xi32>], vector<16xf32>,
          %sub3A_393 = arith.subf %gather3A_392, %gather3A_391 : vector<16xf32>
          %mul3A_394 = arith.mulf %gather3A_390, %sub3A_393 : vector<16xf32>
          %add3A_395 = arith.addf %add3A_386, %mul3A_394 : vector<16xf32>
          %add3A_396 = arith.constant 80 : i32
          %add3A_397 = vector.broadcast %add3A_396 : i32 to vector<16xi32>
          %add3A_398 = arith.addi %add3A_397, %iota3A : vector<16xi32>
          %gather3A_399 = tpu.vector_load_idx %arg16[%broadcast_in_dim3A_348, %add3A_398] : memref<96x128xf32, #tpu.memory_space<vmem>>[vector<16xi32>, vector<16xi32>], vector<16xf32>,
          %gather3A_400 = tpu.vector_load_idx %arg17[%broadcast_in_dim3A_348, %add3A_398] : memref<96x128xf32, #tpu.memory_space<vmem>>[vector<16xi32>, vector<16xi32>], vector<16xf32>,
          %gather3A_401 = tpu.vector_load_idx %arg18[%broadcast_in_dim3A_348, %add3A_398] : memref<96x128xf32, #tpu.memory_space<vmem>>[vector<16xi32>, vector<16xi32>], vector<16xf32>,
          %sub3A_402 = arith.subf %gather3A_401, %gather3A_400 : vector<16xf32>
          %mul3A_403 = arith.mulf %gather3A_399, %sub3A_402 : vector<16xf32>
          %add3A_404 = arith.addf %add3A_395, %mul3A_403 : vector<16xf32>
          %reduce_sum3A_405 = arith.constant true
          %reduce_sum3A_406 = vector.broadcast %reduce_sum3A_405 : i1 to vector<16xi1>
          %reduce_sum3A_407 = tpu.scan <sum>, %add3A_404 masked %reduce_sum3A_406 : vector<16xf32>, vector<16xi1> -> vector<16xf32>
          %reduce_sum3A_408 = vector.extract %reduce_sum3A_407[15] : f32 from vector<16xf32>
          %add3A_409 = arith.constant 6.000000e-01 : f32
          %add3A_410 = arith.addf %reduce_sum3A_408, %add3A_409 : f32
          %max3A_411 = arith.constant 0.000000e+00 : f32
          %max3A_412 = arith.maximumf %add3A_410, %max3A_411 : f32
          %add3A_413 = arith.constant 128 : i32
          %add3A_414 = arith.addi %add3A_413, %add3A_347 : i32
          %lt3A_415 = arith.cmpi slt, %add3A_414, %min3A_47 : i32
          %jit3A_416 = arith.constant 0.000000e+00 : f32
          %select_n3A_417 = arith.select %lt3A_415, %max3A_412, %jit3A_416 : f32
          %add3A_418 = arith.addf %add3A_343, %select_n3A_417 : f32
          %mul3A_419 = arith.constant 4 : i32
          %mul3A_420 = arith.muli %while3A_192, %mul3A_419 : i32
          %add3A_421 = arith.constant 3 : i32
          %add3A_422 = arith.addi %mul3A_420, %add3A_421 : i32
          %broadcast_in_dim3A_423 = vector.broadcast %add3A_422 : i32 to vector<16xi32>
          %broadcast_in_dim3A_424 = arith.constant 0.000000e+00 : f32
          %broadcast_in_dim3A_425 = vector.broadcast %broadcast_in_dim3A_424 : f32 to vector<16xf32>
          %add3A_426 = arith.constant 0 : i32
          %add3A_427 = vector.broadcast %add3A_426 : i32 to vector<16xi32>
          %add3A_428 = arith.addi %add3A_427, %iota3A : vector<16xi32>
          %gather3A_429 = tpu.vector_load_idx %arg16[%broadcast_in_dim3A_423, %add3A_428] : memref<96x128xf32, #tpu.memory_space<vmem>>[vector<16xi32>, vector<16xi32>], vector<16xf32>,
          %gather3A_430 = tpu.vector_load_idx %arg17[%broadcast_in_dim3A_423, %add3A_428] : memref<96x128xf32, #tpu.memory_space<vmem>>[vector<16xi32>, vector<16xi32>], vector<16xf32>,
          %gather3A_431 = tpu.vector_load_idx %arg18[%broadcast_in_dim3A_423, %add3A_428] : memref<96x128xf32, #tpu.memory_space<vmem>>[vector<16xi32>, vector<16xi32>], vector<16xf32>,
          %sub3A_432 = arith.subf %gather3A_431, %gather3A_430 : vector<16xf32>
          %mul3A_433 = arith.mulf %gather3A_429, %sub3A_432 : vector<16xf32>
          %add3A_434 = arith.addf %broadcast_in_dim3A_425, %mul3A_433 : vector<16xf32>
          %add3A_435 = arith.constant 16 : i32
          %add3A_436 = vector.broadcast %add3A_435 : i32 to vector<16xi32>
          %add3A_437 = arith.addi %add3A_436, %iota3A : vector<16xi32>
          %gather3A_438 = tpu.vector_load_idx %arg16[%broadcast_in_dim3A_423, %add3A_437] : memref<96x128xf32, #tpu.memory_space<vmem>>[vector<16xi32>, vector<16xi32>], vector<16xf32>,
          %gather3A_439 = tpu.vector_load_idx %arg17[%broadcast_in_dim3A_423, %add3A_437] : memref<96x128xf32, #tpu.memory_space<vmem>>[vector<16xi32>, vector<16xi32>], vector<16xf32>,
          %gather3A_440 = tpu.vector_load_idx %arg18[%broadcast_in_dim3A_423, %add3A_437] : memref<96x128xf32, #tpu.memory_space<vmem>>[vector<16xi32>, vector<16xi32>], vector<16xf32>,
          %sub3A_441 = arith.subf %gather3A_440, %gather3A_439 : vector<16xf32>
          %mul3A_442 = arith.mulf %gather3A_438, %sub3A_441 : vector<16xf32>
          %add3A_443 = arith.addf %add3A_434, %mul3A_442 : vector<16xf32>
          %add3A_444 = arith.constant 32 : i32
          %add3A_445 = vector.broadcast %add3A_444 : i32 to vector<16xi32>
          %add3A_446 = arith.addi %add3A_445, %iota3A : vector<16xi32>
          %gather3A_447 = tpu.vector_load_idx %arg16[%broadcast_in_dim3A_423, %add3A_446] : memref<96x128xf32, #tpu.memory_space<vmem>>[vector<16xi32>, vector<16xi32>], vector<16xf32>,
          %gather3A_448 = tpu.vector_load_idx %arg17[%broadcast_in_dim3A_423, %add3A_446] : memref<96x128xf32, #tpu.memory_space<vmem>>[vector<16xi32>, vector<16xi32>], vector<16xf32>,
          %gather3A_449 = tpu.vector_load_idx %arg18[%broadcast_in_dim3A_423, %add3A_446] : memref<96x128xf32, #tpu.memory_space<vmem>>[vector<16xi32>, vector<16xi32>], vector<16xf32>,
          %sub3A_450 = arith.subf %gather3A_449, %gather3A_448 : vector<16xf32>
          %mul3A_451 = arith.mulf %gather3A_447, %sub3A_450 : vector<16xf32>
          %add3A_452 = arith.addf %add3A_443, %mul3A_451 : vector<16xf32>
          %add3A_453 = arith.constant 48 : i32
          %add3A_454 = vector.broadcast %add3A_453 : i32 to vector<16xi32>
          %add3A_455 = arith.addi %add3A_454, %iota3A : vector<16xi32>
          %gather3A_456 = tpu.vector_load_idx %arg16[%broadcast_in_dim3A_423, %add3A_455] : memref<96x128xf32, #tpu.memory_space<vmem>>[vector<16xi32>, vector<16xi32>], vector<16xf32>,
          %gather3A_457 = tpu.vector_load_idx %arg17[%broadcast_in_dim3A_423, %add3A_455] : memref<96x128xf32, #tpu.memory_space<vmem>>[vector<16xi32>, vector<16xi32>], vector<16xf32>,
          %gather3A_458 = tpu.vector_load_idx %arg18[%broadcast_in_dim3A_423, %add3A_455] : memref<96x128xf32, #tpu.memory_space<vmem>>[vector<16xi32>, vector<16xi32>], vector<16xf32>,
          %sub3A_459 = arith.subf %gather3A_458, %gather3A_457 : vector<16xf32>
          %mul3A_460 = arith.mulf %gather3A_456, %sub3A_459 : vector<16xf32>
          %add3A_461 = arith.addf %add3A_452, %mul3A_460 : vector<16xf32>
          %add3A_462 = arith.constant 64 : i32
          %add3A_463 = vector.broadcast %add3A_462 : i32 to vector<16xi32>
          %add3A_464 = arith.addi %add3A_463, %iota3A : vector<16xi32>
          %gather3A_465 = tpu.vector_load_idx %arg16[%broadcast_in_dim3A_423, %add3A_464] : memref<96x128xf32, #tpu.memory_space<vmem>>[vector<16xi32>, vector<16xi32>], vector<16xf32>,
          %gather3A_466 = tpu.vector_load_idx %arg17[%broadcast_in_dim3A_423, %add3A_464] : memref<96x128xf32, #tpu.memory_space<vmem>>[vector<16xi32>, vector<16xi32>], vector<16xf32>,
          %gather3A_467 = tpu.vector_load_idx %arg18[%broadcast_in_dim3A_423, %add3A_464] : memref<96x128xf32, #tpu.memory_space<vmem>>[vector<16xi32>, vector<16xi32>], vector<16xf32>,
          %sub3A_468 = arith.subf %gather3A_467, %gather3A_466 : vector<16xf32>
          %mul3A_469 = arith.mulf %gather3A_465, %sub3A_468 : vector<16xf32>
          %add3A_470 = arith.addf %add3A_461, %mul3A_469 : vector<16xf32>
          %add3A_471 = arith.constant 80 : i32
          %add3A_472 = vector.broadcast %add3A_471 : i32 to vector<16xi32>
          %add3A_473 = arith.addi %add3A_472, %iota3A : vector<16xi32>
          %gather3A_474 = tpu.vector_load_idx %arg16[%broadcast_in_dim3A_423, %add3A_473] : memref<96x128xf32, #tpu.memory_space<vmem>>[vector<16xi32>, vector<16xi32>], vector<16xf32>,
          %gather3A_475 = tpu.vector_load_idx %arg17[%broadcast_in_dim3A_423, %add3A_473] : memref<96x128xf32, #tpu.memory_space<vmem>>[vector<16xi32>, vector<16xi32>], vector<16xf32>,
          %gather3A_476 = tpu.vector_load_idx %arg18[%broadcast_in_dim3A_423, %add3A_473] : memref<96x128xf32, #tpu.memory_space<vmem>>[vector<16xi32>, vector<16xi32>], vector<16xf32>,
          %sub3A_477 = arith.subf %gather3A_476, %gather3A_475 : vector<16xf32>
          %mul3A_478 = arith.mulf %gather3A_474, %sub3A_477 : vector<16xf32>
          %add3A_479 = arith.addf %add3A_470, %mul3A_478 : vector<16xf32>
          %reduce_sum3A_480 = arith.constant true
          %reduce_sum3A_481 = vector.broadcast %reduce_sum3A_480 : i1 to vector<16xi1>
          %reduce_sum3A_482 = tpu.scan <sum>, %add3A_479 masked %reduce_sum3A_481 : vector<16xf32>, vector<16xi1> -> vector<16xf32>
          %reduce_sum3A_483 = vector.extract %reduce_sum3A_482[15] : f32 from vector<16xf32>
          %add3A_484 = arith.constant 6.000000e-01 : f32
          %add3A_485 = arith.addf %reduce_sum3A_483, %add3A_484 : f32
          %max3A_486 = arith.constant 0.000000e+00 : f32
          %max3A_487 = arith.maximumf %add3A_485, %max3A_486 : f32
          %add3A_488 = arith.constant 128 : i32
          %add3A_489 = arith.addi %add3A_488, %add3A_422 : i32
          %lt3A_490 = arith.cmpi slt, %add3A_489, %min3A_47 : i32
          %jit3A_491 = arith.constant 0.000000e+00 : f32
          %select_n3A_492 = arith.select %lt3A_490, %max3A_487, %jit3A_491 : f32
          %add3A_493 = arith.addf %add3A_418, %select_n3A_492 : f32
          %add3A_494 = arith.addf %while3A_193, %add3A_493 : f32
          scf.yield %add3A_494 : f32
        }
        %convert_element_type3A_178 = arith.sitofp %min3A_47 : i32 to f32
        %eq3A = arith.constant 0 : i32
        %eq3A_179 = vector.broadcast %eq3A : i32 to vector<16xi32>
        %eq3A_180 = arith.cmpi eq, %iota3A, %eq3A_179 : vector<16xi32>
        %eq3A_181 = arith.constant 1 : i32
        %eq3A_182 = vector.broadcast %eq3A_181 : i32 to vector<16xi32>
        %eq3A_183 = arith.cmpi eq, %iota3A, %eq3A_182 : vector<16xi32>
        %jit3A_184 = arith.constant 0.000000e+00 : f32
        %broadcast_in_dim3A_185 = vector.broadcast %convert_element_type3A_178 : f32 to vector<16xf32>
        %broadcast_in_dim3A_186 = vector.broadcast %jit3A_184 : f32 to vector<16xf32>
        %select_n3A_187 = arith.select %eq3A_183, %broadcast_in_dim3A_185, %broadcast_in_dim3A_186 : vector<16xi1>, vector<16xf32>
        %broadcast_in_dim3A_188 = vector.broadcast %while3A_177 : f32 to vector<16xf32>
        %select_n3A_189 = arith.select %eq3A_180, %broadcast_in_dim3A_188, %select_n3A_187 : vector<16xi1>, vector<16xf32>
        %swap3A_190 = arith.constant 0 : index
        %swap3A_191 = tpu.vector_load %arg20[%swap3A_190] {strides = array<i32>} : memref<128xf32, #tpu.memory_space<vmem>>, vector<16xf32>,
        tpu.vector_store %arg20[%swap3A_190], %select_n3A_189 {strides = array<i32>} : memref<128xf32, #tpu.memory_space<vmem>>, vector<16xf32>,
      } else {
      }
      "tpu.region"() ({
        %run_scoped3A = tpu.sem_alloc : memref<!tpu.dma_semaphore, #tpu.memory_space<semaphore_mem>>
        %dma_start3A = arith.constant 0 : i32
        %dma_start3A_69 = tpu.memref_slice %arg5[%add3A, %dma_start3A] : memref<19x128xf32, #tpu.memory_space<hbm>> -> memref<1x128xf32, #tpu.memory_space<hbm>>
        %dma_start3A_70 = tpu.memref_squeeze %dma_start3A_69 : memref<1x128xf32, #tpu.memory_space<hbm>> -> memref<128xf32, #tpu.memory_space<hbm>>
        %dma_start3A_71 = arith.constant 0 : i32
        %dma_start3A_72 = tpu.memref_slice %arg5[%add3A, %dma_start3A_71] : memref<19x128xf32, #tpu.memory_space<hbm>> -> memref<1x128xf32, #tpu.memory_space<hbm>>
        %dma_start3A_73 = tpu.memref_squeeze %dma_start3A_72 : memref<1x128xf32, #tpu.memory_space<hbm>> -> memref<128xf32, #tpu.memory_space<hbm>>
        tpu.enqueue_dma source(%arg20 : memref<128xf32, #tpu.memory_space<vmem>>) target(%dma_start3A_73 : memref<128xf32, #tpu.memory_space<hbm>>) target_semaphore(%run_scoped3A : memref<!tpu.dma_semaphore, #tpu.memory_space<semaphore_mem>>)
        %dma_wait3A = arith.constant 0 : i32
        %dma_wait3A_74 = tpu.memref_slice %arg5[%add3A, %dma_wait3A] : memref<19x128xf32, #tpu.memory_space<hbm>> -> memref<1x128xf32, #tpu.memory_space<hbm>>
        %dma_wait3A_75 = tpu.memref_squeeze %dma_wait3A_74 : memref<1x128xf32, #tpu.memory_space<hbm>> -> memref<128xf32, #tpu.memory_space<hbm>>
        %dma_wait3A_76 = arith.constant 0 : i32
        %dma_wait3A_77 = tpu.memref_slice %arg5[%add3A, %dma_wait3A_76] : memref<19x128xf32, #tpu.memory_space<hbm>> -> memref<1x128xf32, #tpu.memory_space<hbm>>
        %dma_wait3A_78 = tpu.memref_squeeze %dma_wait3A_77 : memref<1x128xf32, #tpu.memory_space<hbm>> -> memref<128xf32, #tpu.memory_space<hbm>>
        tpu.wait_dma2 semaphore(%run_scoped3A : memref<!tpu.dma_semaphore, #tpu.memory_space<semaphore_mem>>) src(%arg20 : memref<128xf32, #tpu.memory_space<vmem>>) dst(%dma_wait3A_78 : memref<128xf32, #tpu.memory_space<hbm>>)
        tpu.yield
      }) : () -> ()
    } else {
    }
    return
  }
}

#map = affine_map<(d0, d1) -> (0, 0, 0)>
#map1 = affine_map<(d0, d1) -> (0)>
#map2 = affine_map<(d0, d1) -> (0, 0)>
module attributes {stable_mosaic.version = 14 : i64} {
  func.func @_scan_body(%arg0: i32, %arg1: i32, %arg2: memref<8x512x512xi32, #tpu.memory_space<hbm>>, %arg3: memref<128xi32, #tpu.memory_space<hbm>>, %arg4: memref<19x1024xi32, #tpu.memory_space<hbm>>, %arg5: memref<64x512xi32, #tpu.memory_space<vmem>>, %arg6: memref<1024xi32, #tpu.memory_space<vmem>>, %arg7: memref<128xi32, #tpu.memory_space<vmem>>) attributes {dimension_semantics = [#tpu.dimension_semantics<core_parallel>, #tpu.dimension_semantics<subcore_parallel>], iteration_bounds = array<i64: 2, 16>, scalar_prefetch = 0 : i64, scratch_operands = 3 : i64, tpu.core_type = #tpu.core_type<sc_vector_subcore>, window_params = [{transform_indices = #map}, {transform_indices = #map1}, {transform_indices = #map2}]} {
    %mul3A = arith.constant 2 : i32
    %mul3A_0 = arith.muli %arg1, %mul3A : i32
    %add3A = arith.addi %mul3A_0, %arg0 : i32
    %lt3A = arith.constant 19 : i32
    %lt3A_1 = arith.cmpi slt, %add3A, %lt3A : i32
    %convert_element_type3A = arith.extui %lt3A_1 : i1 to i32
    %cond3A = arith.constant 0 : i32
    %cond3A_2 = arith.cmpi ne, %convert_element_type3A, %cond3A : i32
    scf.if %cond3A_2 {
      "tpu.region"() ({
        %run_scoped3A = tpu.sem_alloc : memref<!tpu.dma_semaphore, #tpu.memory_space<semaphore_mem>>
        tpu.enqueue_dma source(%arg3 : memref<128xi32, #tpu.memory_space<hbm>>) target(%arg7 : memref<128xi32, #tpu.memory_space<vmem>>) target_semaphore(%run_scoped3A : memref<!tpu.dma_semaphore, #tpu.memory_space<semaphore_mem>>)
        tpu.wait_dma2 semaphore(%run_scoped3A : memref<!tpu.dma_semaphore, #tpu.memory_space<semaphore_mem>>) src(%arg3 : memref<128xi32, #tpu.memory_space<hbm>>) dst(%arg7 : memref<128xi32, #tpu.memory_space<vmem>>)
        tpu.yield
      }) : () -> ()
      %broadcast_in_dim3A = vector.broadcast %add3A : i32 to vector<16xi32>
      %gather3A = tpu.vector_load_idx %arg7[%broadcast_in_dim3A] : memref<128xi32, #tpu.memory_space<vmem>>[vector<16xi32>], vector<16xi32>,
      %add3A_3 = arith.constant 24 : i32
      %add3A_4 = vector.broadcast %add3A_3 : i32 to vector<16xi32>
      %add3A_5 = arith.addi %broadcast_in_dim3A, %add3A_4 : vector<16xi32>
      %gather3A_6 = tpu.vector_load_idx %arg7[%add3A_5] : memref<128xi32, #tpu.memory_space<vmem>>[vector<16xi32>], vector<16xi32>,
      %iota3A = tpu.iota {dimensions = array<i32: 0>} : vector<16xi32>
      %broadcast_in_dim3A_7 = arith.constant 0 : i32
      %broadcast_in_dim3A_8 = vector.broadcast %broadcast_in_dim3A_7 : i32 to vector<16xi32>
      %scan3A = arith.constant 0 : i32
      %scan3A_9 = arith.constant 0 : i32
      %scan3A_10 = arith.constant 64 : i32
      %scan3A_11 = arith.addi %scan3A_9, %scan3A_10 : i32
      %scan3A_12 = arith.constant 1 : i32
      %scan3A_13 = scf.for %scan3A_34 = %scan3A_9 to %scan3A_11 step %scan3A_12 iter_args(%scan3A_35 = %scan3A) -> (i32)  : i32 {
        %mul3A_36 = arith.constant 16 : i32
        %mul3A_37 = arith.muli %scan3A_34, %mul3A_36 : i32
        %swap3A = arith.index_cast %mul3A_37 : i32 to index
        %swap3A_38 = tpu.vector_load %arg6[%swap3A] {strides = array<i32>} : memref<1024xi32, #tpu.memory_space<vmem>>, vector<16xi32>,
        tpu.vector_store %arg6[%swap3A], %broadcast_in_dim3A_8 {strides = array<i32>} : memref<1024xi32, #tpu.memory_space<vmem>>, vector<16xi32>,
        %scan3A_39 = arith.constant 0 : i32
        scf.yield %scan3A_39 : i32
      }
      %scan3A_14 = arith.constant 64 : i32
      %reduce_min3A = arith.constant true
      %reduce_min3A_15 = vector.broadcast %reduce_min3A : i1 to vector<16xi1>
      %reduce_min3A_16 = arith.constant -2147483648 : i32
      %reduce_min3A_17 = vector.broadcast %reduce_min3A_16 : i32 to vector<16xi32>
      %reduce_min3A_18 = arith.xori %gather3A_6, %reduce_min3A_17 : vector<16xi32>
      %reduce_min3A_19 = tpu.scan <min>, %reduce_min3A_18 masked %reduce_min3A_15 : vector<16xi32>, vector<16xi1> -> vector<16xi32>
      %reduce_min3A_20 = arith.xori %reduce_min3A_19, %reduce_min3A_17 : vector<16xi32>
      %reduce_min3A_21 = vector.extract %reduce_min3A_20[15] : i32 from vector<16xi32>
      %reduce_min3A_22 = arith.constant true
      %reduce_min3A_23 = vector.broadcast %reduce_min3A_22 : i1 to vector<16xi1>
      %reduce_min3A_24 = arith.constant -2147483648 : i32
      %reduce_min3A_25 = vector.broadcast %reduce_min3A_24 : i32 to vector<16xi32>
      %reduce_min3A_26 = arith.xori %gather3A, %reduce_min3A_25 : vector<16xi32>
      %reduce_min3A_27 = tpu.scan <min>, %reduce_min3A_26 masked %reduce_min3A_23 : vector<16xi32>, vector<16xi1> -> vector<16xi32>
      %reduce_min3A_28 = arith.xori %reduce_min3A_27, %reduce_min3A_25 : vector<16xi32>
      %reduce_min3A_29 = vector.extract %reduce_min3A_28[15] : i32 from vector<16xi32>
      %sub3A = arith.subi %reduce_min3A_21, %reduce_min3A_29 : i32
      %gt3A = arith.constant 1 : i32
      %gt3A_30 = arith.cmpi sgt, %sub3A, %gt3A : i32
      %convert_element_type3A_31 = arith.extui %gt3A_30 : i1 to i32
      %cond3A_32 = arith.constant 0 : i32
      %cond3A_33 = arith.cmpi ne, %convert_element_type3A_31, %cond3A_32 : i32
      scf.if %cond3A_33 {
        %while3A = arith.constant 0 : i32
        %while3A_34 = arith.constant 0 : i32
        %while3A_35 = arith.constant 0 : i32
        %while3A_36 = arith.constant 0 : i32
        %while3A_37:4 = scf.while (%while3A_53 = %while3A, %while3A_54 = %while3A_34, %while3A_55 = %while3A_35, %while3A_56 = %while3A_36) : (i32, i32, i32, i32) -> (i32, i32, i32, i32) {
          %lt3A_57 = arith.constant 64 : i32
          %lt3A_58 = arith.cmpi slt, %while3A_53, %lt3A_57 : i32
          %lt3A_59 = arith.constant 200 : i32
          %lt3A_60 = arith.cmpi slt, %while3A_54, %lt3A_59 : i32
          %lt3A_61 = arith.constant 200 : i32
          %lt3A_62 = arith.cmpi slt, %while3A_55, %lt3A_61 : i32
          %or3A = arith.ori %lt3A_60, %lt3A_62 : i1
          %lt3A_63 = arith.constant 200 : i32
          %lt3A_64 = arith.cmpi slt, %while3A_56, %lt3A_63 : i32
          %or3A_65 = arith.ori %or3A, %lt3A_64 : i1
          %and3A = arith.andi %lt3A_58, %or3A_65 : i1
          scf.condition(%and3A) %while3A_53, %while3A_54, %while3A_55, %while3A_56 : i32, i32, i32, i32
        } do {
        ^bb0(%while3A_53: i32, %while3A_54: i32, %while3A_55: i32, %while3A_56: i32):
          %jit3A_57 = arith.constant 8 : i32
          %div3A = arith.divsi %while3A_53, %jit3A_57 : i32
          %sign3A = arith.constant 0 : i32
          %sign3A_58 = arith.cmpi sgt, %while3A_53, %sign3A : i32
          %sign3A_59 = arith.extui %sign3A_58 : i1 to i32
          %sign3A_60 = arith.constant 0 : i32
          %sign3A_61 = arith.cmpi slt, %while3A_53, %sign3A_60 : i32
          %sign3A_62 = arith.extui %sign3A_61 : i1 to i32
          %sign3A_63 = arith.subi %sign3A_59, %sign3A_62 : i32
          %sign3A_64 = arith.constant 0 : i32
          %sign3A_65 = arith.cmpi sgt, %jit3A_57, %sign3A_64 : i32
          %sign3A_66 = arith.extui %sign3A_65 : i1 to i32
          %sign3A_67 = arith.constant 0 : i32
          %sign3A_68 = arith.cmpi slt, %jit3A_57, %sign3A_67 : i32
          %sign3A_69 = arith.extui %sign3A_68 : i1 to i32
          %sign3A_70 = arith.subi %sign3A_66, %sign3A_69 : i32
          %ne3A = arith.cmpi ne, %sign3A_63, %sign3A_70 : i32
          %rem3A = arith.remsi %while3A_53, %jit3A_57 : i32
          %ne3A_71 = arith.constant 0 : i32
          %ne3A_72 = arith.cmpi ne, %rem3A, %ne3A_71 : i32
          %and3A = arith.andi %ne3A, %ne3A_72 : i1
          %sub3A_73 = arith.constant 1 : i32
          %sub3A_74 = arith.subi %div3A, %sub3A_73 : i32
          %select_n3A_75 = arith.select %and3A, %sub3A_74, %div3A : i32
          %jit3A_76 = arith.constant 8 : i32
          %eq3A_77 = arith.constant 0 : i32
          %eq3A_78 = arith.cmpi eq, %jit3A_76, %eq3A_77 : i32
          %jit3A_79 = arith.constant 1 : i32
          %select_n3A_80 = arith.select %eq3A_78, %jit3A_79, %jit3A_76 : i32
          %rem3A_81 = arith.remsi %while3A_53, %select_n3A_80 : i32
          %ne3A_82 = arith.constant 0 : i32
          %ne3A_83 = arith.cmpi ne, %rem3A_81, %ne3A_82 : i32
          %lt3A_84 = arith.constant 0 : i32
          %lt3A_85 = arith.cmpi slt, %rem3A_81, %lt3A_84 : i32
          %lt3A_86 = arith.constant 0 : i32
          %lt3A_87 = arith.cmpi slt, %select_n3A_80, %lt3A_86 : i32
          %ne3A_88 = arith.xori %lt3A_85, %lt3A_87 : i1
          %and3A_89 = arith.andi %ne3A_88, %ne3A_83 : i1
          %add3A_90 = arith.addi %rem3A_81, %select_n3A_80 : i32
          %select_n3A_91 = arith.select %and3A_89, %add3A_90, %rem3A_81 : i32
          %mul3A_92 = arith.constant 64 : i32
          %mul3A_93 = arith.muli %select_n3A_91, %mul3A_92 : i32
          "tpu.region"() ({
            %run_scoped3A = tpu.sem_alloc : memref<!tpu.dma_semaphore, #tpu.memory_space<semaphore_mem>>
            %dma_start3A = arith.constant 0 : i32
            %dma_start3A_104 = tpu.memref_slice %arg2[%select_n3A_75, %mul3A_93, %dma_start3A] : memref<8x512x512xi32, #tpu.memory_space<hbm>> -> memref<1x64x512xi32, #tpu.memory_space<hbm>>
            %dma_start3A_105 = tpu.memref_squeeze %dma_start3A_104 : memref<1x64x512xi32, #tpu.memory_space<hbm>> -> memref<64x512xi32, #tpu.memory_space<hbm>>
            %dma_start3A_106 = arith.constant 0 : i32
            %dma_start3A_107 = tpu.memref_slice %arg2[%select_n3A_75, %mul3A_93, %dma_start3A_106] : memref<8x512x512xi32, #tpu.memory_space<hbm>> -> memref<1x64x512xi32, #tpu.memory_space<hbm>>
            %dma_start3A_108 = tpu.memref_squeeze %dma_start3A_107 : memref<1x64x512xi32, #tpu.memory_space<hbm>> -> memref<64x512xi32, #tpu.memory_space<hbm>>
            tpu.enqueue_dma source(%dma_start3A_108 : memref<64x512xi32, #tpu.memory_space<hbm>>) target(%arg5 : memref<64x512xi32, #tpu.memory_space<vmem>>) target_semaphore(%run_scoped3A : memref<!tpu.dma_semaphore, #tpu.memory_space<semaphore_mem>>)
            %dma_wait3A = arith.constant 0 : i32
            %dma_wait3A_109 = tpu.memref_slice %arg2[%select_n3A_75, %mul3A_93, %dma_wait3A] : memref<8x512x512xi32, #tpu.memory_space<hbm>> -> memref<1x64x512xi32, #tpu.memory_space<hbm>>
            %dma_wait3A_110 = tpu.memref_squeeze %dma_wait3A_109 : memref<1x64x512xi32, #tpu.memory_space<hbm>> -> memref<64x512xi32, #tpu.memory_space<hbm>>
            %dma_wait3A_111 = arith.constant 0 : i32
            %dma_wait3A_112 = tpu.memref_slice %arg2[%select_n3A_75, %mul3A_93, %dma_wait3A_111] : memref<8x512x512xi32, #tpu.memory_space<hbm>> -> memref<1x64x512xi32, #tpu.memory_space<hbm>>
            %dma_wait3A_113 = tpu.memref_squeeze %dma_wait3A_112 : memref<1x64x512xi32, #tpu.memory_space<hbm>> -> memref<64x512xi32, #tpu.memory_space<hbm>>
            tpu.wait_dma2 semaphore(%run_scoped3A : memref<!tpu.dma_semaphore, #tpu.memory_space<semaphore_mem>>) src(%dma_wait3A_113 : memref<64x512xi32, #tpu.memory_space<hbm>>) dst(%arg5 : memref<64x512xi32, #tpu.memory_space<vmem>>)
            tpu.yield
          }) : () -> ()
          %mul3A_94 = arith.constant 2048 : i32
          %mul3A_95 = arith.muli %while3A_53, %mul3A_94 : i32
          %scan3A_96 = arith.constant 0 : i32
          %scan3A_97 = arith.constant 128 : i32
          %scan3A_98 = arith.addi %scan3A_96, %scan3A_97 : i32
          %scan3A_99 = arith.constant 1 : i32
          %scan3A_100:3 = scf.for %scan3A_104 = %scan3A_96 to %scan3A_98 step %scan3A_99 iter_args(%scan3A_105 = %while3A_54, %scan3A_106 = %while3A_55, %scan3A_107 = %while3A_56) -> (i32, i32, i32)  : i32 {
            %jit3A_108 = arith.constant 8 : i32
            %div3A_109 = arith.divsi %scan3A_104, %jit3A_108 : i32
            %sign3A_110 = arith.constant 0 : i32
            %sign3A_111 = arith.cmpi sgt, %scan3A_104, %sign3A_110 : i32
            %sign3A_112 = arith.extui %sign3A_111 : i1 to i32
            %sign3A_113 = arith.constant 0 : i32
            %sign3A_114 = arith.cmpi slt, %scan3A_104, %sign3A_113 : i32
            %sign3A_115 = arith.extui %sign3A_114 : i1 to i32
            %sign3A_116 = arith.subi %sign3A_112, %sign3A_115 : i32
            %sign3A_117 = arith.constant 0 : i32
            %sign3A_118 = arith.cmpi sgt, %jit3A_108, %sign3A_117 : i32
            %sign3A_119 = arith.extui %sign3A_118 : i1 to i32
            %sign3A_120 = arith.constant 0 : i32
            %sign3A_121 = arith.cmpi slt, %jit3A_108, %sign3A_120 : i32
            %sign3A_122 = arith.extui %sign3A_121 : i1 to i32
            %sign3A_123 = arith.subi %sign3A_119, %sign3A_122 : i32
            %ne3A_124 = arith.cmpi ne, %sign3A_116, %sign3A_123 : i32
            %rem3A_125 = arith.remsi %scan3A_104, %jit3A_108 : i32
            %ne3A_126 = arith.constant 0 : i32
            %ne3A_127 = arith.cmpi ne, %rem3A_125, %ne3A_126 : i32
            %and3A_128 = arith.andi %ne3A_124, %ne3A_127 : i1
            %sub3A_129 = arith.constant 1 : i32
            %sub3A_130 = arith.subi %div3A_109, %sub3A_129 : i32
            %select_n3A_131 = arith.select %and3A_128, %sub3A_130, %div3A_109 : i32
            %jit3A_132 = arith.constant 8 : i32
            %eq3A_133 = arith.constant 0 : i32
            %eq3A_134 = arith.cmpi eq, %jit3A_132, %eq3A_133 : i32
            %jit3A_135 = arith.constant 1 : i32
            %select_n3A_136 = arith.select %eq3A_134, %jit3A_135, %jit3A_132 : i32
            %rem3A_137 = arith.remsi %scan3A_104, %select_n3A_136 : i32
            %ne3A_138 = arith.constant 0 : i32
            %ne3A_139 = arith.cmpi ne, %rem3A_137, %ne3A_138 : i32
            %lt3A_140 = arith.constant 0 : i32
            %lt3A_141 = arith.cmpi slt, %rem3A_137, %lt3A_140 : i32
            %lt3A_142 = arith.constant 0 : i32
            %lt3A_143 = arith.cmpi slt, %select_n3A_136, %lt3A_142 : i32
            %ne3A_144 = arith.xori %lt3A_141, %lt3A_143 : i1
            %and3A_145 = arith.andi %ne3A_144, %ne3A_139 : i1
            %add3A_146 = arith.addi %rem3A_137, %select_n3A_136 : i32
            %select_n3A_147 = arith.select %and3A_145, %add3A_146, %rem3A_137 : i32
            %mul3A_148 = arith.constant 4 : i32
            %mul3A_149 = arith.muli %select_n3A_131, %mul3A_148 : i32
            %broadcast_in_dim3A_150 = vector.broadcast %mul3A_149 : i32 to vector<16xi32>
            %mul3A_151 = arith.constant 64 : i32
            %mul3A_152 = arith.muli %select_n3A_147, %mul3A_151 : i32
            %mul3A_153 = arith.constant 4 : i32
            %mul3A_154 = vector.broadcast %mul3A_153 : i32 to vector<16xi32>
            %mul3A_155 = arith.muli %iota3A, %mul3A_154 : vector<16xi32>
            %add3A_156 = vector.broadcast %mul3A_152 : i32 to vector<16xi32>
            %add3A_157 = arith.addi %add3A_156, %mul3A_155 : vector<16xi32>
            %gather3A_158 = tpu.vector_load_idx %arg5[%broadcast_in_dim3A_150, %add3A_157] : memref<64x512xi32, #tpu.memory_space<vmem>>[vector<16xi32>, vector<16xi32>], vector<16xi32>,
            %mul3A_159 = arith.constant 16 : i32
            %mul3A_160 = arith.muli %scan3A_104, %mul3A_159 : i32
            %add3A_161 = arith.addi %mul3A_95, %mul3A_160 : i32
            %add3A_162 = vector.broadcast %add3A_161 : i32 to vector<16xi32>
            %add3A_163 = arith.addi %add3A_162, %iota3A : vector<16xi32>
            %eq3A_164 = arith.cmpi eq, %gather3A_158, %broadcast_in_dim3A : vector<16xi32>
            %ge3A = arith.cmpi sge, %gather3A_158, %gather3A : vector<16xi32>
            %lt3A_165 = arith.cmpi slt, %gather3A_158, %gather3A_6 : vector<16xi32>
            %and3A_166 = arith.andi %ge3A, %lt3A_165 : vector<16xi1>
            %not3A = arith.constant dense<true> : vector<16xi1>
            %not3A_167 = arith.xori %eq3A_164, %not3A : vector<16xi1>
            %and3A_168 = arith.andi %and3A_166, %not3A_167 : vector<16xi1>
            %not3A_169 = arith.constant dense<true> : vector<16xi1>
            %not3A_170 = arith.xori %and3A_166, %not3A_169 : vector<16xi1>
            %lt3A_171 = arith.constant 200 : i32
            %lt3A_172 = arith.cmpi slt, %scan3A_105, %lt3A_171 : i32
            %convert_element_type3A_173 = arith.extui %lt3A_172 : i1 to i32
            %cond3A_174 = arith.constant 0 : i32
            %cond3A_175 = arith.cmpi ne, %convert_element_type3A_173, %cond3A_174 : i32
            scf.if %cond3A_175 {
              %add3A_203 = arith.constant 0 : i32
              %add3A_204 = arith.addi %add3A_203, %scan3A_105 : i32
              %swap3A_205 = arith.index_cast %add3A_204 : i32 to index
              %swap3A_206 = tpu.vector_load %arg6[%swap3A_205] masked %eq3A_164 {strides = array<i32>} : memref<1024xi32, #tpu.memory_space<vmem>>, vector<16xi32>, vector<16xi1>
              tpu.vector_store %arg6[%swap3A_205], %add3A_163 masked %eq3A_164 {strides = array<i32>} : memref<1024xi32, #tpu.memory_space<vmem>>, vector<16xi32>, vector<16xi1>
            } else {
            }
            %lt3A_176 = arith.constant 200 : i32
            %lt3A_177 = arith.cmpi slt, %scan3A_106, %lt3A_176 : i32
            %convert_element_type3A_178 = arith.extui %lt3A_177 : i1 to i32
            %cond3A_179 = arith.constant 0 : i32
            %cond3A_180 = arith.cmpi ne, %convert_element_type3A_178, %cond3A_179 : i32
            scf.if %cond3A_180 {
              %add3A_203 = arith.constant 256 : i32
              %add3A_204 = arith.addi %add3A_203, %scan3A_106 : i32
              %swap3A_205 = arith.index_cast %add3A_204 : i32 to index
              %swap3A_206 = tpu.vector_load %arg6[%swap3A_205] masked %and3A_168 {strides = array<i32>} : memref<1024xi32, #tpu.memory_space<vmem>>, vector<16xi32>, vector<16xi1>
              tpu.vector_store %arg6[%swap3A_205], %add3A_163 masked %and3A_168 {strides = array<i32>} : memref<1024xi32, #tpu.memory_space<vmem>>, vector<16xi32>, vector<16xi1>
            } else {
            }
            %lt3A_181 = arith.constant 200 : i32
            %lt3A_182 = arith.cmpi slt, %scan3A_107, %lt3A_181 : i32
            %convert_element_type3A_183 = arith.extui %lt3A_182 : i1 to i32
            %cond3A_184 = arith.constant 0 : i32
            %cond3A_185 = arith.cmpi ne, %convert_element_type3A_183, %cond3A_184 : i32
            scf.if %cond3A_185 {
              %add3A_203 = arith.constant 512 : i32
              %add3A_204 = arith.addi %add3A_203, %scan3A_107 : i32
              %swap3A_205 = arith.index_cast %add3A_204 : i32 to index
              %swap3A_206 = tpu.vector_load %arg6[%swap3A_205] masked %not3A_170 {strides = array<i32>} : memref<1024xi32, #tpu.memory_space<vmem>>, vector<16xi32>, vector<16xi1>
              tpu.vector_store %arg6[%swap3A_205], %add3A_163 masked %not3A_170 {strides = array<i32>} : memref<1024xi32, #tpu.memory_space<vmem>>, vector<16xi32>, vector<16xi1>
            } else {
            }
            %convert_element_type3A_186 = arith.extui %eq3A_164 : vector<16xi1> to vector<16xi32>
            %reduce_sum3A = arith.constant true
            %reduce_sum3A_187 = vector.broadcast %reduce_sum3A : i1 to vector<16xi1>
            %reduce_sum3A_188 = tpu.scan <sum>, %convert_element_type3A_186 masked %reduce_sum3A_187 : vector<16xi32>, vector<16xi1> -> vector<16xi32>
            %reduce_sum3A_189 = vector.extract %reduce_sum3A_188[15] : i32 from vector<16xi32>
            %add3A_190 = arith.addi %scan3A_105, %reduce_sum3A_189 : i32
            %convert_element_type3A_191 = arith.extui %and3A_168 : vector<16xi1> to vector<16xi32>
            %reduce_sum3A_192 = arith.constant true
            %reduce_sum3A_193 = vector.broadcast %reduce_sum3A_192 : i1 to vector<16xi1>
            %reduce_sum3A_194 = tpu.scan <sum>, %convert_element_type3A_191 masked %reduce_sum3A_193 : vector<16xi32>, vector<16xi1> -> vector<16xi32>
            %reduce_sum3A_195 = vector.extract %reduce_sum3A_194[15] : i32 from vector<16xi32>
            %add3A_196 = arith.addi %scan3A_106, %reduce_sum3A_195 : i32
            %convert_element_type3A_197 = arith.extui %not3A_170 : vector<16xi1> to vector<16xi32>
            %reduce_sum3A_198 = arith.constant true
            %reduce_sum3A_199 = vector.broadcast %reduce_sum3A_198 : i1 to vector<16xi1>
            %reduce_sum3A_200 = tpu.scan <sum>, %convert_element_type3A_197 masked %reduce_sum3A_199 : vector<16xi32>, vector<16xi1> -> vector<16xi32>
            %reduce_sum3A_201 = vector.extract %reduce_sum3A_200[15] : i32 from vector<16xi32>
            %add3A_202 = arith.addi %scan3A_107, %reduce_sum3A_201 : i32
            scf.yield %add3A_190, %add3A_196, %add3A_202 : i32, i32, i32
          }
          %scan3A_101 = arith.constant 128 : i32
          %add3A_102 = arith.constant 1 : i32
          %add3A_103 = arith.addi %while3A_53, %add3A_102 : i32
          scf.yield %add3A_103, %scan3A_100#0, %scan3A_100#1, %scan3A_100#2 : i32, i32, i32, i32
        }
        %eq3A = arith.constant 0 : i32
        %eq3A_38 = vector.broadcast %eq3A : i32 to vector<16xi32>
        %eq3A_39 = arith.cmpi eq, %iota3A, %eq3A_38 : vector<16xi32>
        %eq3A_40 = arith.constant 1 : i32
        %eq3A_41 = vector.broadcast %eq3A_40 : i32 to vector<16xi32>
        %eq3A_42 = arith.cmpi eq, %iota3A, %eq3A_41 : vector<16xi32>
        %eq3A_43 = arith.constant 2 : i32
        %eq3A_44 = vector.broadcast %eq3A_43 : i32 to vector<16xi32>
        %eq3A_45 = arith.cmpi eq, %iota3A, %eq3A_44 : vector<16xi32>
        %jit3A = arith.constant 0 : i32
        %broadcast_in_dim3A_46 = vector.broadcast %while3A_37#3 : i32 to vector<16xi32>
        %broadcast_in_dim3A_47 = vector.broadcast %jit3A : i32 to vector<16xi32>
        %select_n3A = arith.select %eq3A_45, %broadcast_in_dim3A_46, %broadcast_in_dim3A_47 : vector<16xi1>, vector<16xi32>
        %broadcast_in_dim3A_48 = vector.broadcast %while3A_37#2 : i32 to vector<16xi32>
        %select_n3A_49 = arith.select %eq3A_42, %broadcast_in_dim3A_48, %select_n3A : vector<16xi1>, vector<16xi32>
        %broadcast_in_dim3A_50 = vector.broadcast %while3A_37#1 : i32 to vector<16xi32>
        %select_n3A_51 = arith.select %eq3A_39, %broadcast_in_dim3A_50, %select_n3A_49 : vector<16xi1>, vector<16xi32>
        %swap3A = arith.constant 768 : index
        %swap3A_52 = tpu.vector_load %arg6[%swap3A] {strides = array<i32>} : memref<1024xi32, #tpu.memory_space<vmem>>, vector<16xi32>,
        tpu.vector_store %arg6[%swap3A], %select_n3A_51 {strides = array<i32>} : memref<1024xi32, #tpu.memory_space<vmem>>, vector<16xi32>,
      } else {
      }
      "tpu.region"() ({
        %run_scoped3A = tpu.sem_alloc : memref<!tpu.dma_semaphore, #tpu.memory_space<semaphore_mem>>
        %dma_start3A = arith.constant 0 : i32
        %dma_start3A_34 = tpu.memref_slice %arg4[%add3A, %dma_start3A] : memref<19x1024xi32, #tpu.memory_space<hbm>> -> memref<1x1024xi32, #tpu.memory_space<hbm>>
        %dma_start3A_35 = tpu.memref_squeeze %dma_start3A_34 : memref<1x1024xi32, #tpu.memory_space<hbm>> -> memref<1024xi32, #tpu.memory_space<hbm>>
        %dma_start3A_36 = arith.constant 0 : i32
        %dma_start3A_37 = tpu.memref_slice %arg4[%add3A, %dma_start3A_36] : memref<19x1024xi32, #tpu.memory_space<hbm>> -> memref<1x1024xi32, #tpu.memory_space<hbm>>
        %dma_start3A_38 = tpu.memref_squeeze %dma_start3A_37 : memref<1x1024xi32, #tpu.memory_space<hbm>> -> memref<1024xi32, #tpu.memory_space<hbm>>
        tpu.enqueue_dma source(%arg6 : memref<1024xi32, #tpu.memory_space<vmem>>) target(%dma_start3A_38 : memref<1024xi32, #tpu.memory_space<hbm>>) target_semaphore(%run_scoped3A : memref<!tpu.dma_semaphore, #tpu.memory_space<semaphore_mem>>)
        %dma_wait3A = arith.constant 0 : i32
        %dma_wait3A_39 = tpu.memref_slice %arg4[%add3A, %dma_wait3A] : memref<19x1024xi32, #tpu.memory_space<hbm>> -> memref<1x1024xi32, #tpu.memory_space<hbm>>
        %dma_wait3A_40 = tpu.memref_squeeze %dma_wait3A_39 : memref<1x1024xi32, #tpu.memory_space<hbm>> -> memref<1024xi32, #tpu.memory_space<hbm>>
        %dma_wait3A_41 = arith.constant 0 : i32
        %dma_wait3A_42 = tpu.memref_slice %arg4[%add3A, %dma_wait3A_41] : memref<19x1024xi32, #tpu.memory_space<hbm>> -> memref<1x1024xi32, #tpu.memory_space<hbm>>
        %dma_wait3A_43 = tpu.memref_squeeze %dma_wait3A_42 : memref<1x1024xi32, #tpu.memory_space<hbm>> -> memref<1024xi32, #tpu.memory_space<hbm>>
        tpu.wait_dma2 semaphore(%run_scoped3A : memref<!tpu.dma_semaphore, #tpu.memory_space<semaphore_mem>>) src(%arg6 : memref<1024xi32, #tpu.memory_space<vmem>>) dst(%dma_wait3A_43 : memref<1024xi32, #tpu.memory_space<hbm>>)
        tpu.yield
      }) : () -> ()
    } else {
    }
    return
  }
}

module attributes {stable_mosaic.version = 14 : i64} {
  func.func @_reduce_body(%arg0: memref<19x128xf32, #tpu.memory_space<vmem>>, %arg1: memref<1x1xf32, #tpu.memory_space<vmem>>, %arg2: memref<1x1xi32, #tpu.memory_space<vmem>>) attributes {dimension_semantics = [], scalar_prefetch = 0 : i64, scratch_operands = 0 : i64, tpu.core_type = #tpu.core_type<tc>} {
    %get3A = arith.constant 0 : index
    %get3A_0 = arith.constant 0 : index
    %get3A_1 = vector.load %arg0[%get3A, %get3A_0] : memref<19x128xf32, #tpu.memory_space<vmem>>, vector<19x128xf32>
    %slice3A = vector.extract_strided_slice %get3A_1 {offsets = [0, 0], sizes = [19, 1], strides = [1, 1]} : vector<19x128xf32> to vector<19x1xf32>
    %slice3A_2 = vector.extract_strided_slice %get3A_1 {offsets = [0, 1], sizes = [19, 1], strides = [1, 1]} : vector<19x128xf32> to vector<19x1xf32>
    %max3A = arith.constant 1.000000e+00 : f32
    %max3A_3 = vector.broadcast %max3A : f32 to vector<19x1xf32>
    %max3A_4 = arith.maximumf %slice3A_2, %max3A_3 : vector<19x1xf32>
    %div3A = arith.divf %slice3A, %max3A_4 : vector<19x1xf32>
    %reduce_sum3A = vector.shape_cast %div3A : vector<19x1xf32> to vector<1x19x1xf32>
    %reduce_sum3A_5 = arith.constant dense<0.000000e+00> : vector<1xf32>
    %reduce_sum3A_6 = vector.multi_reduction <add>, %reduce_sum3A, %reduce_sum3A_5 [1, 2] : vector<1x19x1xf32> to vector<1xf32>
    %reduce_sum3A_7 = vector.shape_cast %reduce_sum3A_6 : vector<1xf32> to vector<1x1x1xf32>
    %reduce_sum3A_8 = vector.extract %reduce_sum3A_7[0, 0, 0] : f32 from vector<1x1x1xf32>
    %gt3A = arith.constant 0.000000e+00 : f32
    %gt3A_9 = vector.broadcast %gt3A : f32 to vector<19x1xf32>
    %gt3A_10 = arith.cmpf ogt, %slice3A_2, %gt3A_9 : vector<19x1xf32>
    %convert_element_type3A = arith.extui %gt3A_10 : vector<19x1xi1> to vector<19x1xi32>
    %convert_element_type3A_11 = arith.sitofp %convert_element_type3A : vector<19x1xi32> to vector<19x1xf32>
    %reduce_sum3A_12 = vector.shape_cast %convert_element_type3A_11 : vector<19x1xf32> to vector<1x19x1xf32>
    %reduce_sum3A_13 = arith.constant dense<0.000000e+00> : vector<1xf32>
    %reduce_sum3A_14 = vector.multi_reduction <add>, %reduce_sum3A_12, %reduce_sum3A_13 [1, 2] : vector<1x19x1xf32> to vector<1xf32>
    %reduce_sum3A_15 = vector.shape_cast %reduce_sum3A_14 : vector<1xf32> to vector<1x1x1xf32>
    %reduce_sum3A_16 = vector.extract %reduce_sum3A_15[0, 0, 0] : f32 from vector<1x1x1xf32>
    %max3A_17 = arith.constant 1.000000e+00 : f32
    %max3A_18 = arith.maximumf %reduce_sum3A_16, %max3A_17 : f32
    %div3A_19 = arith.divf %reduce_sum3A_8, %max3A_18 : f32
    %broadcast_in_dim3A = vector.broadcast %div3A_19 : f32 to vector<1x1xf32>
    %swap3A = arith.constant 0 : index
    %swap3A_20 = arith.constant 0 : index
    %swap3A_21 = vector.load %arg1[%swap3A, %swap3A_20] : memref<1x1xf32, #tpu.memory_space<vmem>>, vector<1x1xf32>
    tpu.vector_store %arg1[%swap3A, %swap3A_20], %broadcast_in_dim3A {strides = array<i32>} : memref<1x1xf32, #tpu.memory_space<vmem>>, vector<1x1xf32>,
    %broadcast_in_dim3A_22 = vector.broadcast %reduce_sum3A_16 : f32 to vector<1x1xf32>
    %convert_element_type3A_23 = arith.fptosi %broadcast_in_dim3A_22 : vector<1x1xf32> to vector<1x1xi32>
    %swap3A_24 = arith.constant 0 : index
    %swap3A_25 = arith.constant 0 : index
    %swap3A_26 = vector.load %arg2[%swap3A_24, %swap3A_25] : memref<1x1xi32, #tpu.memory_space<vmem>>, vector<1x1xi32>
    tpu.vector_store %arg2[%swap3A_24, %swap3A_25], %convert_element_type3A_23 {strides = array<i32>} : memref<1x1xi32, #tpu.memory_space<vmem>>, vector<1x1xi32>,
    return
  }
}

module attributes {stable_mosaic.version = 14 : i64} {
  func.func @_transpose_body(%arg0: i32, %arg1: i32, %arg2: memref<1x96x8x128xf32, #tpu.memory_space<vmem>>, %arg3: memref<1024x128xf32, #tpu.memory_space<vmem>>) attributes {dimension_semantics = [#tpu.dimension_semantics<arbitrary>, #tpu.dimension_semantics<arbitrary>], iteration_bounds = array<i64: 8, 16>, scalar_prefetch = 0 : i64, scratch_operands = 0 : i64, tpu.core_type = #tpu.core_type<tc>, window_params = [{transform_indices = @transform_0, window_bounds = array<i64: 1, 96, 8, 128>}, {transform_indices = @transform_1, window_bounds = array<i64: 1024, 128>}]} {
    %get3A = arith.constant 0 : index
    %get3A_0 = arith.constant 0 : index
    %get3A_1 = arith.constant 0 : index
    %get3A_2 = arith.constant 0 : index
    %get3A_3 = vector.load %arg2[%get3A, %get3A_0, %get3A_1, %get3A_2] : memref<1x96x8x128xf32, #tpu.memory_space<vmem>>, vector<1x96x8x128xf32>
    %get3A_4 = vector.shape_cast %get3A_3 : vector<1x96x8x128xf32> to vector<96x8x128xf32>
    %iota3A = tpu.iota {dimensions = array<i32: 0>} : vector<96x128xi32>
    %iota3A_5 = tpu.iota {dimensions = array<i32: 1>} : vector<96x128xi32>
    %add3A = arith.constant 0 : i32
    %add3A_6 = vector.broadcast %add3A : i32 to vector<96x128xi32>
    %add3A_7 = arith.addi %iota3A, %add3A_6 : vector<96x128xi32>
    %eq3A = arith.cmpi eq, %add3A_7, %iota3A_5 : vector<96x128xi32>
    %convert_element_type3A = arith.extui %eq3A : vector<96x128xi1> to vector<96x128xi32>
    %convert_element_type3A_8 = arith.sitofp %convert_element_type3A : vector<96x128xi32> to vector<96x128xf32>
    %dot_general3A = arith.constant dense<0.000000e+00> : vector<8x128x128xf32>
    %dot_general3A_9 = tpu.matmul %get3A_4, %convert_element_type3A_8, %dot_general3A {dimension_numbers = #tpu.dot_dimension_numbers<[0], [0], [1, 2], [1], [0, 1, 0, 2, 1, 1], [], []>, transpose_lhs_hint = false} : vector<96x8x128xf32>, vector<96x128xf32>, vector<8x128x128xf32> -> vector<8x128x128xf32>
    %reshape3A = vector.shape_cast %dot_general3A_9 : vector<8x128x128xf32> to vector<1024x128xf32>
    %swap3A = arith.constant 0 : index
    %swap3A_10 = arith.constant 0 : index
    %swap3A_11 = vector.load %arg3[%swap3A, %swap3A_10] : memref<1024x128xf32, #tpu.memory_space<vmem>>, vector<1024x128xf32>
    tpu.vector_store %arg3[%swap3A, %swap3A_10], %reshape3A {strides = array<i32>} : memref<1024x128xf32, #tpu.memory_space<vmem>>, vector<1024x128xf32>,
    return
  }
  func.func @transform_0(%arg0: i32, %arg1: i32) -> (i32, i32, i32, i32) {
    %c0_i32 = arith.constant 0 : i32
    %c0_i32_0 = arith.constant 0 : i32
    %c0_i32_1 = arith.constant 0 : i32
    return %arg0, %c0_i32, %arg1, %c0_i32_0 : i32, i32, i32, i32
  }
  func.func @transform_1(%arg0: i32, %arg1: i32) -> (i32, i32) {
    %mul3A = arith.constant 16 : i32
    %mul3A_0 = arith.muli %arg0, %mul3A : i32
    %add3A = arith.addi %mul3A_0, %arg1 : i32
    %c0_i32 = arith.constant 0 : i32
    %c0_i32_1 = arith.constant 0 : i32
    return %add3A, %c0_i32 : i32, i32
  }
}

</mosaic_0001>

<sc_bundles>
// kernel: kernel.6.cloned.1.call-start
scs
__scs_entry_jumppad:
0x0: {  	(pc) =	sbr.rel $0x88, $3  }
0x1: {  	(tag) =	ssettag $0x0;
	lr =	simm.s32 $0x1  }
0x2: {  	[smem:$0x3F9E] =	sst lr;
	_ =	strace $0xD0000000  }
0x3: {  	_ = 	snop  }
0x4: {  	_ = 	snop  }
0x5: {  	_ = 	snop  }
0x6: {  	_ = 	snop  }
0x7: {  	_ = 	snop  }
__scs_overlays_trampoline_lowered:
0x8: {  	[smem:$0x3FAD] =	sst s0  }
0x9: {  	[smem:$0x3FAE] =	sst s1  }
0xa: {  	[smem:$0x3FAF] =	sst s2  }
0xb: {  	[smem:$0x3FB0] =	sst s3  }
0xc: {  	[smem:$0x3FB1] =	sst s4  }
0xd: {  	[smem:$0x3FB2] =	sst s5  }
0xe: {  	[smem:$0x3FB3] =	sst s6  }
0xf: {  	[smem:$0x3FB4] =	sst s7  }
0x10: {  	[smem:$0x3FB5] =	sst s8  }
0x11: {  	[smem:$0x3FB6] =	sst s9;
	s0 =	simm.s32 @!p0 $0x0  }
0x12: {  	s1 =	sld [smem:$0x3F9C];
	s0 =	simm.s32 @p0 $0x1  }
0x13: {  	[smem:$0x3FB7] =	sst s0;
	s0 =	simm.s32 @!p1 $0x0  }
0x14: {  	s2 =	sld [smem:$0x3F9B];
	s0 =	simm.s32 @p1 $0x1  }
0x15: {  	[smem:$0x3FB8] =	sst s0;
	s0 =	simm.s32 @!p2 $0x0  }
0x16: {  	s3 =	sld [smem:$0x3FDB];
	s0 =	simm.s32 @p2 $0x1  }
0x17: {  	s4 =	simm.s32 $0x1BF5;
	[smem:$0x3FBA] =	sst s0  }
0x18: {  	s0 =	sld [smem:$0x3F9D];
	_ =	swait.ge [sflag:s4], $0x0  }
0x19: {  	s7 =	sld [smem:$0x3F9E]  }
0x1a: {  	s8 =	sadd.s32 $0xFFFFE003, lr  }
0x1b: {  	s9 =	sadd.s32 $0xFFFFFEF7, lr;
	s5 =	simm.s32 $0xFFFFFFFF;
	p2 =	slt.u32 s8, $0xFFFFF086  }
0x1c: {  	p1 =	slt.u32 s9, $0xF7A;
	s5 =	simm.s32 @!p2 $0x0  }
0x1d: {  	s5 =	simm.s32 @p1 $0x1;
	p0 =	seq.s32 s7, s2  }
0x1e: {  	s7 =	smul.u32 @!p0 $0xF7A, s2;
	p2 =	seq.s32 @!p0 s5, $0x0  }
0x1f: {  	s9 =	smul.u32 $0xF7A, s1;
	s8 =	simm.s32 @!p0 $0x1BF5;
	p2 =	por !p2, p0  }
0x20: {  	[sflag:s8] =	ssyncset.s32 @!p0 $0xFFFFF086;
	s6 =	sadd.s32 @!p0 s3, s7;
	s7 =	simm.s32 @!p0 $0x108  }
0x21: {  	s3 =	sadd.s32 s3, s9;
	s6 =	sadd.s32 @!p0 $0x88, s6;
	s7 =	simm.s32 @p2 $0x1082  }
0x22: {  	[simem:s7], [sflag:s8] =	dma.local @!p0 [hbm:s6], $0xF7A  }
0x23: {  	s9 =	sor.u32 $0xD0000000, s2;
	s6 =	simm.s32 $0x108;
	_ =	swait.ge @!p0 [sflag:s8], $0x0  }
0x24: {  	s3 =	sadd.s32 $0x88, s3;
	s6 =	simm.s32 @!p1 $0x1082;
	[sflag:s4] =	ssyncset.s32 $0xFFFFF086  }
0x25: {  	[simem:s6], [sflag:s4] =	dma.local [hbm:s3], $0xF7A  }
0x26: {  	[smem:$0x3F9E] =	sst s1;
	(tag) =	ssettag s2;
	_ =	strace s9  }
0x27: {  	s1 =	sld [smem:$0x3FAE]  }
0x28: {  	s2 =	sld [smem:$0x3FAF]  }
0x29: {  	s4 =	sld [smem:$0x3FB1]  }
0x2a: {  	p0 =	seq.s32 s5, $0x0;
	s5 =	sld [smem:$0x3FB2]  }
0x2b: {  	s6 =	sld [smem:$0x3FB3]  }
0x2c: {  	s7 =	sld [smem:$0x3FB4]  }
0x2d: {  	s3 =	simm.s32 $0x108;
	s8 =	sld [smem:$0x3FB5]  }
0x2e: {  	s3 =	simm.s32 @!p0 $0x1082;
	s9 =	sld [smem:$0x3FB6]  }
0x2f: {  	lr =	sadd.s32 s0, s3;
	s0 =	sld [smem:$0x3FAD]  }
0x30: {  	s3 =	sld [smem:$0x3FB0]  }
0x31: {  	[smem:$0x3FB9] =	sst s10  }
0x32: {  	s10 =	sld [smem:$0x3FB7];
	_ =	sdelay $0x3  }
0x33: {  	p0 =	seq.s32 s10, $0x1;
	s10 =	sld [smem:$0x3FB9];
	_ =	sdelay $0x3  }
0x34: {  	[smem:$0x3FB9] =	sst s10  }
0x35: {  	s10 =	sld [smem:$0x3FB8];
	_ =	sdelay $0x3  }
0x36: {  	p1 =	seq.s32 s10, $0x1;
	s10 =	sld [smem:$0x3FB9];
	_ =	sdelay $0x3  }
0x37: {  	[smem:$0x3FB9] =	sst s10  }
0x38: {  	s10 =	sld [smem:$0x3FBA]  }
0x39: {  	_ = 	snop;
	(pc) =	sbr.ind lr, $3  }
0x3a: {  	_ = 	snop  }
0x3b: {  	_ = 	snop  }
0x3c: {  	p2 =	seq.s32 s10, $0x1;
	s10 =	sld [smem:$0x3FB9]  }
0x3d: {  	_ =	shalt  }
0x3e: {  	_ =	shalt  }
0x3f: {  	_ =	shalt  }
0x40: {  	_ =	shalt  }
0x41: {  	_ =	shalt  }
0x42: {  	_ =	shalt  }
0x43: {  	_ =	shalt  }
0x44: {  	_ =	shalt  }
0x45: {  	_ =	shalt  }
0x46: {  	_ =	shalt  }
0x47: {  	_ =	shalt  }
0x48: {  	_ =	shalt  }
0x49: {  	_ =	shalt  }
0x4a: {  	_ =	shalt  }
0x4b: {  	_ =	shalt  }
0x4c: {  	_ =	shalt  }
0x4d: {  	_ =	shalt  }
0x4e: {  	_ =	shalt  }
0x4f: {  	_ =	shalt  }
0x50: {  	_ =	shalt  }
0x51: {  	_ =	shalt  }
0x52: {  	_ =	shalt  }
0x53: {  	_ =	shalt  }
0x54: {  	_ =	shalt  }
0x55: {  	_ =	shalt  }
0x56: {  	_ =	shalt  }
0x57: {  	_ =	shalt  }
0x58: {  	_ =	shalt  }
0x59: {  	_ =	shalt  }
0x5a: {  	_ =	shalt  }
0x5b: {  	_ =	shalt  }
0x5c: {  	_ =	shalt  }
0x5d: {  	_ =	shalt  }
0x5e: {  	_ =	shalt  }
0x5f: {  	_ =	shalt  }
0x60: {  	_ =	shalt  }
0x61: {  	_ =	shalt  }
0x62: {  	_ =	shalt  }
0x63: {  	_ =	shalt  }
0x64: {  	_ =	shalt  }
0x65: {  	_ =	shalt  }
0x66: {  	_ =	shalt  }
0x67: {  	_ =	shalt  }
0x68: {  	_ =	shalt  }
0x69: {  	_ =	shalt  }
0x6a: {  	_ =	shalt  }
0x6b: {  	_ =	shalt  }
0x6c: {  	_ =	shalt  }
0x6d: {  	_ =	shalt  }
0x6e: {  	_ =	shalt  }
0x6f: {  	_ =	shalt  }
0x70: {  	_ =	shalt  }
0x71: {  	_ =	shalt  }
0x72: {  	_ =	shalt  }
0x73: {  	_ =	shalt  }
0x74: {  	_ =	shalt  }
0x75: {  	_ =	shalt  }
0x76: {  	_ =	shalt  }
0x77: {  	_ =	shalt  }
0x78: {  	_ =	shalt  }
0x79: {  	_ =	shalt  }
0x7a: {  	_ =	shalt  }
0x7b: {  	_ =	shalt  }
0x7c: {  	_ =	shalt  }
0x7d: {  	_ =	shalt  }
0x7e: {  	_ =	shalt  }
0x7f: {  	_ =	shalt  }
0x80: {  	_ =	shalt  }
0x81: {  	_ =	shalt  }
0x82: {  	_ =	shalt  }
0x83: {  	_ =	shalt  }
0x84: {  	_ =	shalt  }
0x85: {  	_ =	shalt  }
0x86: {  	_ =	shalt  }
0x87: {  	_ =	shalt  }
.Lfunc_end0:
.L_simem_size_0:
called_computation_lowered:
.L_overlay_start_0:
0x88: {  	s2 =	sld [smem:$0x3FD9]  }
0x89: {  	s3 =	sld [smem:$0x3FFE];
	_ =	sdelay $0x1  }
0x8a: {  	s1 =	srdreg.scid  }
0x8b: {  	s0 =	sand.u32 $0x1, s1  }
0x8c: {  	s14 =	sshll.u32 s0, $0xA;
	s2 =	sadd.s32 s3, s2  }
0x8d: {  	s2 =	sadd.s32 s2, s14  }
0x8e: {  	[smem:$0x3FC5] =	sst s2  }
0x8f: {  	_ = 	snop  }
0x90: {  	s2 =	sld [smem:$0x3FD0];
	_ =	sdelay $0x2  }
0x91: {  	s4 =	simm.s32 $0xA;
	s5 =	simm.s32 $0x10;
	s15 =	sld [smem:$0x3FC8]  }
0x92: {  	[smem:s5], [sflag:s4] =	dma.local [hbm:s2], $0x1  }
0x93: {  	_ =	swait.eq [sflag:s4], $0x1  }
0x94: {  	[sflag:s4] =	ssyncset.done $0x0  }
0x95: {  	[sflag:s4] =	ssyncadd.s32 $0xFFFFFFFF  }
0x96: {  	s16 =	sld [smem:$0x11];
	(tm) =	ssettm $0x1  }
0x97: {  	s17 =	sld [smem:$0x3FFB];
	_ =	sdelay $0x3  }
0x98: {  	_ =	strace s17  }
0x99: {  	s4 =	sld [smem:$0x3FFC];
	_ =	sdelay $0x3  }
0x9a: {  	_ =	strace s4  }
0x9b: {  	s4 =	sld [smem:$0x3FFD];
	_ =	sdelay $0x3  }
0x9c: {  	_ =	strace s4  }
0x9d: {  	_ =	strace $0x8FFFFFFF  }
0x9e: {  	s18 =	sld [smem:$0x3FDB];
	_ =	sdelay $0x1  }
0x9f: {  	s19 =	simm.s32 $_scs_section_size  }
0xa0: {  	s6 =	simm.s32 $_size__tile_overlayer_lowered;
	s7 =	simm.s32 $_tile_overlayer_lowered  }
0xa1: {  	s22 =	simm.s32 $0x1BFF;
	s21 =	sshll.u32 s7, $0x1;
	s4 =	sadd.s32 s19, s18  }
0xa2: {  	s8 =	simm.s32 $0x0;
	s20 =	sshll.u32 s6, $0x1;
	s6 =	sadd.s32 s21, s4  }
0xa3: {  	[timem:s8], [sflag:s22] =	dma.local [hbm:s6], s20  }
0xa4: {  	_ =	swait.ge [sflag:s22], s20  }
0xa5: {  	s5 =	ssub.s32 $0x0, s20;
	[sflag:s22] =	ssyncset.done $0x0  }
0xa6: {  	[sflag:s22] =	ssyncadd.s32 s5;
	_ =	sdelay $0x1  }
0xa7: {  	s23 =	simm.s32 $0x1B8B  }
0xa8: {  	_ =	swait.ge [sflag:s23], $0x1  }
0xa9: {  	[sflag:s23] =	ssyncset.done $0x0  }
0xaa: {  	s25 =	simm.s32 $0x1B8E;
	s24 =	sld [smem:$0x3FFE];
	[sflag:s23] =	ssyncadd.s32 $0xFFFFFFFF  }
0xab: {  	s26 =	simm.s32 $execute0_lowered;
	[smem:$0x3FD2] =	sst s25  }
0xac: {  	s6 =	sshll.u32 s26, $0x1;
	_ =	strace $0x80000046;
	[dreg:$0x1] =	wrdreg $0xFFFFFFFF  }
0xad: {  	s28 =	simm.s32 $_size_execute0_lowered;
	s4 =	sadd.s32 s4, s6;
	[dreg:$0x0] =	wrdreg $0x0  }
0xae: {  	s6 =	sshll.u32 s28, $0x1;
	[dreg:$0x2] =	wrdreg s4  }
0xaf: {  	[dreg:$0x3] =	wrdreg s6  }
0xb0: {  	[dreg:$0x4] =	wrdreg $0xC0  }
0xb1: {  	_ =	task [dreg:s8], $0x5FFFF  }
0xb2: {  	[dreg:$0x1] =	wrdreg $0xFFFFFFFF  }
0xb3: {  	[dreg:$0x0] =	wrdreg $0x60  }
0xb4: {  	[dreg:$0x2] =	wrdreg s15  }
0xb5: {  	[dreg:$0x3] =	wrdreg s16  }
0xb6: {  	[dreg:$0x4] =	wrdreg s24  }
0xb7: {  	[dreg:$0x5] =	wrdreg $0x9  }
0xb8: {  	_ =	task.clear_ibuf [dreg:s8], $0x6FFFF;
	_ =	strace $0x90000046  }
0xb9: {  	s29 =	simm.s32 $0x9;
	_ =	strace $0x80000048  }
0xba: {  	_ =	swait.ge [sflag:s29], $0x1  }
0xbb: {  	[sflag:s29] =	ssyncadd.s32 $0xFFFFFFFF  }
0xbc: {  	_ =	strace $0x90000048  }
0xbd: {  	_ =	sfence  }
0xbe: {  	s30 =	sld [smem:$0x0];
	_ =	sdelay $0x2  }
0xbf: {  	s31 =	sshll.u32 s1, $0xD;
	s1 =	sshrl.u32 s1, $0x2  }
0xc0: {  	s3 =	sand.u32 $0x4000, s31;
	s1 =	sadd.s32 s1, s30  }
0xc1: {  	s0 =	sor.u32 s3, s0;
	s1 =	sshll.u32 s1, $0x11  }
0xc2: {  	s0 =	sor.u32 s1, s0  }
0xc3: {  	s0 =	sadd.s32 $0x8F2B, s0  }
0xc4: {  	[sflag:s0] =	ssyncadd.remote.s32 $0x1  }
0xc5: {  	_ =	sfence.sel $0xFFFF  }
0xc6: {  	[dreg:$0x0] =	wrdreg $0xFFFFFFFF;
	(pc) =	sbr.abs _section_cstart, $3  }
0xc7: {  	[dreg:$0x1] =	wrdreg $0xFFFFFFFF  }
0xc8: {  	_ =	task.clear_ibuf [dreg:s8], $0x2FFFF;
	_ =	strace $0x9FFFFFFF  }
0xc9: {  	(tm) =	ssettm $0x7FFFFFFF  }
tec
execute0_lowered:
.L_overlay_start_1:
0x0: {  	(tag) =	ssettag $0x1  }
0x1: {  	s0 =	stileid.u32;
	s2 =	srdreg.scid  }
0x2: {  	s7 =	sand.u32 $0x1, s2;
	s6 =	sshll.u32 s0, $0x1  }
0x3: {  	s6 =	sor.u32 s7, s6  }
0x4: {  	p0 =	sgt.u32 s6, $0x12  }
.Ltmp0:
0x5: {  	s1 =	rddreg [dreg:$0x0];
	(pc) =	sbr.rel @p0 .LBB2_10-.Ltmp0, $4  }
0x6: {  	s3 =	rddreg [dreg:$0x1]  }
0x7: {  	s5 =	rddreg [dreg:$0x2];
	s4 =	simm.s32 $0x0  }
0x8: {  	[smem:$0x7FF] =	sst s4  }
0x9: {  	s2 =	rddreg [dreg:$0x3];
	_ =	strace $0x80000047  }
0xa: {  	s8 =	sshll.u32 s0, $0x8;
	s9 =	sshll.u32 s6, $0x4;
	s7 =	ssub.s32 $0x2, s7  }
.Ltmp1:
0xb: {  	s10 =	simm.s32 $0x400;
	s11 =	simm.s32 $0x8000;
	(pc) =	sbr.rel .LBB2_2-.Ltmp1, $4  }
0xc: {  	s12 =	simm.s32 $0x0;
	s8 =	sand.u32 $0xC00, s8;
	s30 =	sand.u32 $0x70, s9  }
0xd: {  	v0 =	vmov s6;
	v1 =	vlaneseq.u32;
	s31 =	sshrl.u32 s7, $0x1;
	s9 =	simm.s32 $0x80;
	s5 =	sadd.s32 s8, s5  }
0xe: {  	v3 =	vimm.s32 $0x0;
	vm0 =	vcmask $0x300;
	vm1 =	vcmask $0x704;
	s7 =	ssub.s32 s7, s31;
	s8 =	simm.s32 $0x1;
	s5 =	sadd.s32 s30, s5  }
0xf: {  	vm2 =	vcmask $0xB08;
	v2 =	vadd.s32 $0x18, v0;
	v4 =	vmul.u32 $0x4, v1;
	s6 =	smax.u32 s7, $0x1;
	s7 =	simm.s32 $0x8400;
	s5 =	sadd.s32 $0xE00, s5  }
.LBB2_9:
0x10: {  	s12 =	sadd.s32 $0x1, s12  }
0x11: {  	p0 =	sne.s32 s12, s6  }
.Ltmp2:
0x12: {  	_ = 	snop;
	(pc) =	sbr.rel @!p0 .LBB2_10-.Ltmp2, $4  }
0x13: {  	[hbm4b:s5+s9] =	stream.strided.scatter [tilespmem:s11], [sflag:$0x1], $0x400, s10, s9, $0x38;
	[tilespmem:$0x8480] =	vst v63  }
0x14: {  	_ =	swait.ge [sflag:s8], $0x400  }
0x15: {  	[sflag:s8] =	ssyncset.done $0x0  }
0x16: {  	[sflag:s8] =	ssyncadd.s32 $0xFFFFFC00  }
.LBB2_2:
0x17: {  	s13 =	simm.s32 $0x0  }
0x18: {  	[tilespmem:s7], [sflag:$0x1] =	stream.linear.gather [hbm4b:s3+s13], $0x80, $0x38;
	[tilespmem:$0x8480] =	vst v63  }
0x19: {  	_ =	swait.ge [sflag:s8], $0x80  }
0x1a: {  	[sflag:s8] =	ssyncset.done $0x0  }
0x1b: {  	[sflag:s8] =	ssyncadd.s32 $0xFFFFFF80  }
0x1c: {  	v5 =	vld.idx.msk [tilespmem:v0+s7+$0x0], $0xffff  }
0x1d: {  	s15 =	simm.s32 $0x0;
	s13 =	simm.s32 $0x40;
	v6 =	vld.idx.msk [tilespmem:v2+s7+$0x0], $0xffff  }
.LBB2_3:
0x1e: {  	p0 =	sne.s32 s13, $0xFC0;
	[tilespmem:s15+$0x8000] =	vst v3;
	s14 =	smov.u32 s13;
	s13 =	sadd.s32 $0x40, s13  }
.Ltmp3:
0x1f: {  	(pc) =	sbr.rel @p0 .LBB2_3-.Ltmp3, $2  }
0x20: {  	_ =	sdelay $0x2  }
0x21: {  	s15 =	sshra.s32 s14, $0x2  }
0x22: {  	v7 =	vxor.u32 $0x80000000, v6  }
0x23: {  	(xrf0) =	vmin.scan.msk.u32 $0xffff, v7;
	v7 =	vxor.u32 $0x80000000, v5  }
0x24: {  	(xrf0) =	vmin.scan.msk.u32 $0xffff, v7;
	_ =	sdelay $0x4  }
0x25: {  	v7, _, _ =	vpop (xrf0)  }
0x26: {  	(v2sf) =	vpush v7, $0xF;
	v7, _, _ =	vpop (xrf0)  }
0x27: {  	(v2sf) =	vpush v7, $0xF;
	_ =	sdelay $0xd  }
0x28: {  	s13 =	spop (v2sf)  }
0x29: {  	s14 =	spop (v2sf)  }
0x2a: {  	s13 =	sxor.u32 $0x80000000, s13;
	s14 =	sxor.u32 $0x80000000, s14  }
0x2b: {  	s13 =	ssub.s32 s13, s14  }
0x2c: {  	p0 =	slt.s32 s13, $0x2  }
.Ltmp4:
0x2d: {  	_ = 	snop;
	(pc) =	sbr.rel @p0 .LBB2_9-.Ltmp4, $3  }
0x2e: {  	_ =	sdelay $0x1  }
0x2f: {  	s16 =	simm.s32 $0x0;
	s17 =	simm.s32 $0x0;
	s18 =	simm.s32 $0x0  }
0x30: {  	[tilespmem:s15+$0x8000] =	vst v3;
	s15 =	simm.s32 $0x0;
	s14 =	simm.s32 $0x0;
	s13 =	simm.s32 $0x0  }
.LBB2_5:
0x31: {  	s19 =	simm.s32 $0x0  }
0x32: {  	s20 =	sand.u32 $0x1C0, s13;
	s19 =	sand.u32 $0x3C, s19  }
0x33: {  	v8 =	vmov s20;
	v7 =	vmov s19  }
0x34: {  	v8 =	vshll.u32 v8, $0x3;
	v9 =	vshll.u32 v7, $0x9  }
0x35: {  	v7 =	vshll.u32 v7, $0x7;
	v8 =	vand.u32 $0xC00, v8;
	v9 =	vand.u32 $0x7000, v9  }
0x36: {  	v10 =	vor.u32 s20, v4;
	v7 =	vand.u32 $0x200, v7;
	v8 =	vor.u32 v8, v9  }
0x37: {  	s26 =	sshll.u32 s15, $0xC;
	v9 =	vand.u32 $0x7C, v10;
	v7 =	vor.u32 v7, v8  }
0x38: {  	s19 =	sadd.s32 s1, s26;
	v7 =	vor.u32 v9, v7  }
0x39: {  	[tilespmem:s13], [sflag:$0x1] =	stream.linear.gather [hbm4b:s19+s13], $0x8000, $0x38;
	[tilespmem:$0x8480] =	vst v63  }
0x3a: {  	_ =	swait.ge [sflag:s8], $0x8000  }
0x3b: {  	[sflag:s8] =	ssyncset.done $0x0  }
0x3c: {  	[sflag:s8] =	ssyncadd.s32 $0xFFFF8000  }
0x3d: {  	v7 =	vld.idx.msk [tilespmem:v7+s4+$0x0], $0xffff;
	_ =	sdelay $0x4  }
0x3e: {  	vm3 =	vge.s32 v7, v5;
	vm4 =	vlt.s32 v7, v6;
	vm5 =	veq.s32 v7, v0  }
0x3f: {  	s28 =	simm.s32 $0x0;
	s29 =	simm.s32 $0x40;
	vm6 =	vne.s32 v7, v0;
	vm3 =	vmand vm3, vm4;
	v8 =	vsel vm5, $0x1, v3  }
0x40: {  	s20 =	sand.u32 $0x1C0, s29;
	s19 =	sand.u32 $0x3C, s28;
	vm4 =	vmand vm3, vm6;
	(xrf0) =	vadd.scan.msk.s32 $0xffff, v8  }
0x41: {  	v10 =	vmov s20;
	v9 =	vmov s19;
	v8 =	vsel vm4, $0x1, v3  }
0x42: {  	v10 =	vshll.u32 v10, $0x3;
	(xrf0) =	vadd.scan.msk.s32 $0xffff, v8;
	v8 =	vshll.u32 v9, $0x9;
	v9 =	vshll.u32 v9, $0x7  }
0x43: {  	v10 =	vand.u32 $0xC00, v10;
	v8 =	vand.u32 $0x7000, v8;
	v9 =	vand.u32 $0x200, v9  }
0x44: {  	v11 =	vor.u32 s20, v4;
	v8 =	vor.u32 v10, v8  }
0x45: {  	v10 =	vand.u32 $0x7C, v11;
	v8 =	vor.u32 v9, v8  }
0x46: {  	p0 =	sgt.s32 s18, $0xC7;
	v9, _, _ =	vpop (xrf0);
	v8 =	vor.u32 v10, v8  }
0x47: {  	vm5 =	veq.s32 @!p0 v7, v0;
	(v2sf) =	vpush v9, $0xF;
	v9 =	vor.u32 s14, v1  }
0x48: {  	[tilespmem:s18+$0x8000] =	vst.msk @!p0 vm5, v9;
	p0 =	sgt.s32 s17, $0xC7  }
0x49: {  	vm3 =	vmneg vm3;
	[tilespmem:s17+$0x8100] =	vst.msk @!p0 vm4, v9;
	p0 =	sgt.s32 s16, $0xC7  }
0x4a: {  	v7, _, _ =	vpop (xrf0);
	[tilespmem:s16+$0x8200] =	vst.msk @!p0 vm3, v9  }
0x4b: {  	(v2sf) =	vpush v7, $0xF;
	v7 =	vld.idx.msk [tilespmem:v8+s4+$0x0], $0xffff;
	_ =	sdelay $0x3  }
0x4c: {  	v8 =	vsel vm3, $0x1, v3  }
0x4d: {  	(xrf0) =	vadd.scan.msk.s32 $0xffff, v8;
	vm3 =	vge.s32 v7, v5;
	vm4 =	vlt.s32 v7, v6  }
0x4e: {  	vm6 =	vne.s32 v7, v0;
	vm3 =	vmand vm3, vm4  }
0x4f: {  	vm4 =	vmand vm3, vm6  }
0x50: {  	vm5 =	veq.s32 v7, v0;
	v11 =	vsel vm4, $0x1, v3  }
0x51: {  	v8 =	vsel vm5, $0x1, v3  }
0x52: {  	(xrf0) =	vadd.scan.msk.s32 $0xffff, v8  }
0x53: {  	(xrf0) =	vadd.scan.msk.s32 $0xffff, v11;
	v11, _, _ =	vpop (xrf0)  }
0x54: {  	s31 =	spop (v2sf);
	(v2sf) =	vpush v11, $0xF;
	_ =	sdelay $0x5  }
0x55: {  	s19 =	simm.s32 $0x80  }
0x56: {  	s30 =	simm.s32 $0x1;
	s21 =	sand.u32 $0x1C0, s19  }
0x57: {  	s20 =	sand.u32 $0x3C, s30;
	v10 =	vmov s21  }
0x58: {  	v10 =	vshll.u32 v10, $0x3;
	v9 =	vmov s20  }
0x59: {  	v10 =	vand.u32 $0xC00, v10;
	v12 =	vshll.u32 v9, $0x9;
	vm3 =	vmneg vm3  }
0x5a: {  	v9 =	vshll.u32 v9, $0x7;
	v8 =	vand.u32 $0x7000, v12;
	v63 =	vsel vm3, $0x1, v3  }
0x5b: {  	s20 =	simm.s32 $0x3;
	v9 =	vand.u32 $0x200, v9;
	v10 =	vor.u32 v10, v8;
	v8 =	vor.u32 s21, v4;
	(xrf0) =	vadd.scan.msk.s32 $0xffff, v63;
	s18 =	sadd.s32 s18, s31  }
0x5c: {  	s21 =	smov.u32 s14;
	v8 =	vand.u32 $0x7C, v8;
	v9 =	vor.u32 v9, v10;
	p1 =	sgt.s32 s18, $0xC7;
	s22 =	spop (v2sf)  }
.LBB2_6:
0x5d: {  	v8 =	vor.u32 v8, v9;
	v9, _, _ =	vpop (xrf0);
	s21 =	sadd.s32 $0x10, s21;
	s23 =	smov.u32 s20;
	s20 =	sadd.s32 $0x1, s20  }
0x5e: {  	vm5 =	veq.s32 @!p1 v7, v0;
	s17 =	sadd.s32 s17, s22;
	p0 =	sne.s32 s20, $0x80;
	v10 =	vor.u32 s21, v1;
	(v2sf) =	vpush v9, $0xF;
	s22 =	spop (v2sf)  }
0x5f: {  	[tilespmem:s18+$0x8000] =	vst.msk @!p1 vm5, v10;
	p1 =	sgt.s32 s17, $0xC7;
	v7, _, _ =	vpop (xrf0);
	s16 =	sadd.s32 s16, s22  }
0x60: {  	[tilespmem:s17+$0x8100] =	vst.msk @!p1 vm4, v10;
	p1 =	sgt.s32 s16, $0xC7;
	(v2sf) =	vpush v7, $0xF  }
0x61: {  	[tilespmem:s16+$0x8200] =	vst.msk @!p1 vm3, v10;
	v9, _, _ =	vpop (xrf0)  }
0x62: {  	v7 =	vld.idx.msk [tilespmem:v8+s4+$0x0], $0xffff;
	(v2sf) =	vpush v9, $0xF;
	_ =	sdelay $0x5  }
0x63: {  	vm3 =	vge.s32 v7, v5;
	vm4 =	vlt.s32 v7, v6;
	vm5 =	veq.s32 v7, v0  }
0x64: {  	s19 =	sadd.s32 $0x40, s19;
	s22 =	sshrl.u32 s23, $0x1;
	vm6 =	vne.s32 v7, v0;
	vm3 =	vmand vm3, vm4;
	v8 =	vsel vm5, $0x1, v3  }
0x65: {  	s23 =	sand.u32 $0x1C0, s19;
	s22 =	sand.u32 $0x3C, s22;
	vm4 =	vmand vm3, vm6;
	vm3 =	vmneg vm3;
	(xrf0) =	vadd.scan.msk.s32 $0xffff, v8  }
.Ltmp5:
0x66: {  	v9 =	vmov s23;
	v8 =	vmov s22;
	v10 =	vsel vm4, $0x1, v3;
	(pc) =	sbr.rel @p0 .LBB2_6-.Ltmp5, $4  }
0x67: {  	v9 =	vshll.u32 v9, $0x3;
	v11 =	vshll.u32 v8, $0x9;
	v8 =	vshll.u32 v8, $0x7;
	(xrf0) =	vadd.scan.msk.s32 $0xffff, v10  }
0x68: {  	v9 =	vand.u32 $0xC00, v9;
	v10 =	vand.u32 $0x7000, v11;
	v11 =	vsel vm3, $0x1, v3;
	s22 =	spop (v2sf)  }
0x69: {  	v12 =	vor.u32 s23, v4;
	v9 =	vor.u32 v9, v10;
	v10 =	vand.u32 $0x200, v8;
	(xrf0) =	vadd.scan.msk.s32 $0xffff, v11;
	s18 =	sadd.s32 s18, s22  }
0x6a: {  	v8 =	vand.u32 $0x7C, v12;
	v9 =	vor.u32 v10, v9;
	p1 =	sgt.s32 s18, $0xC7;
	s22 =	spop (v2sf)  }
0x6b: {  	v8 =	vor.u32 v8, v9;
	s19 =	sadd.s32 $0x10, s21  }
0x6c: {  	vm5 =	veq.s32 @!p1 v7, v0;
	s17 =	sadd.s32 s17, s22;
	v9 =	vor.u32 s19, v1;
	s20 =	spop (v2sf)  }
0x6d: {  	p0 =	sgt.s32 s17, $0xC7;
	[tilespmem:s18+$0x8000] =	vst.msk @!p1 vm5, v9;
	s16 =	sadd.s32 s16, s20  }
0x6e: {  	[tilespmem:s17+$0x8100] =	vst.msk @!p0 vm4, v9;
	p0 =	sgt.s32 s16, $0xC7  }
0x6f: {  	[tilespmem:s16+$0x8200] =	vst.msk @!p0 vm3, v9  }
0x70: {  	v7 =	vld.idx.msk [tilespmem:v8+s4+$0x0], $0xffff;
	_ =	sdelay $0x4  }
0x71: {  	vm3 =	vge.s32 v7, v5;
	vm14 =	vlt.s32 v7, v6  }
0x72: {  	vm15 =	veq.s32 v7, v0;
	vm6 =	vne.s32 v7, v0;
	vm3 =	vmand vm3, vm14  }
0x73: {  	v8 =	vsel vm15, $0x1, v3;
	vm4 =	vmand vm3, vm6  }
0x74: {  	vm3 =	vmneg vm3;
	(xrf0) =	vadd.scan.msk.s32 $0xffff, v8;
	v8 =	vsel vm4, $0x1, v3  }
0x75: {  	(xrf0) =	vadd.scan.msk.s32 $0xffff, v8;
	v8 =	vsel vm3, $0x1, v3;
	_ =	sdelay $0x1  }
0x76: {  	(xrf0) =	vadd.scan.msk.s32 $0xffff, v8  }
0x77: {  	v8, _, _ =	vpop (xrf0)  }
0x78: {  	v63, _, _ =	vpop (xrf0);
	(v2sf) =	vpush v8, $0xF  }
0x79: {  	v8, _, _ =	vpop (xrf0);
	(v2sf) =	vpush v63, $0xF  }
0x7a: {  	(v2sf) =	vpush v8, $0xF;
	v8, _, _ =	vpop (xrf0)  }
0x7b: {  	(v2sf) =	vpush v8, $0xF;
	v8, _, _ =	vpop (xrf0)  }
0x7c: {  	(v2sf) =	vpush v8, $0xF;
	v8, _, _ =	vpop (xrf0)  }
0x7d: {  	(v2sf) =	vpush v8, $0xF;
	_ =	sdelay $0x9  }
0x7e: {  	s25 =	spop (v2sf)  }
0x7f: {  	s26 =	spop (v2sf)  }
0x80: {  	s28 =	spop (v2sf)  }
0x81: {  	s20 =	sadd.s32 s18, s25;
	s29 =	spop (v2sf)  }
0x82: {  	s21 =	sadd.s32 s17, s26;
	s22 =	sadd.s32 s16, s28;
	s30 =	spop (v2sf)  }
0x83: {  	s18 =	sadd.s32 s20, s29;
	s17 =	sadd.s32 s21, s30;
	s31 =	spop (v2sf)  }
0x84: {  	p4 =	slt.s32 s18, $0xC8;
	s16 =	sadd.s32 s22, s31;
	p2 =	slt.s32 s17, $0xC8  }
0x85: {  	p1 =	por p4, p2;
	p5 =	slt.s32 s16, $0xC8  }
0x86: {  	p6 =	sgt.u32 s15, $0x3E;
	p1 =	por p1, p5  }
0x87: {  	p1 =	por p6, !p1  }
.Ltmp6:
0x88: {  	s19 =	sadd.s32 $0x10, s19;
	p0 =	sgt.s32 s20, $0xC7;
	(pc) =	sbr.rel @!p1 .LBB2_5-.Ltmp6, $4  }
0x89: {  	v8 =	vor.u32 s19, v1;
	vm5 =	veq.s32 @!p0 v7, v0  }
0x8a: {  	[tilespmem:s20+$0x8000] =	vst.msk @!p0 vm5, v8;
	p0 =	sgt.s32 s21, $0xC7  }
0x8b: {  	[tilespmem:s21+$0x8100] =	vst.msk @!p0 vm4, v8;
	p0 =	sgt.s32 s22, $0xC7  }
0x8c: {  	s15 =	sadd.s32 $0x1, s15;
	s14 =	sadd.s32 $0x800, s14;
	[tilespmem:s22+$0x8200] =	vst.msk @!p0 vm3, v8  }
.Ltmp7:
0x8d: {  	v5 =	vmov s18;
	(pc) =	sbr.rel .LBB2_9-.Ltmp7, $4  }
0x8e: {  	v5 =	vnsel vm0, $0x0, v5  }
0x8f: {  	v5 =	vsel vm1, s17, v5  }
0x90: {  	v5 =	vsel vm2, s16, v5  }
0x91: {  	[tilespmem:$0x8300] =	vst v5  }
.LBB2_10:
0x92: {  	_ =	sfence.sel $0x180000  }
0x93: {  	[bflag:$0x0] =	sbarrier.arrive $0xFFFF  }
0x94: {  	p0 =	sne.s32 s0, $0x0;
	_ =	strace $0x90000047  }
0x95: {  	s0 =	sadd.s32 @!p0 $0x100000, s2;
	[bflag:$0x2] =	sbarrier.arrive $0xFFFF  }
0x96: {  	[sflag:s0] =	ssyncadd.tile.s32 @!p0 $0x1;
	_ =	shalt  }
.Lfunc_end2:
_tile_overlayer_lowered:
.L_overlay_start_2:
0x97: {  	(tag) =	ssettag $0x2  }
0x98: {  	s0 =	rddreg [dreg:$0x0];
	s2 =	stileid.u32  }
0x99: {  	s1 =	rddreg [dreg:$0x1];
	p0 =	sne.s32 s2, $0x0  }
0x9a: {  	s3 =	rddreg [dreg:$0x2];
	[bflag:$0x3] =	sbarrier.arrive $0xFFFF;
	s2 =	simm.s32 @!p0 $0x1C01  }
0x9b: {  	[timem:s3], [sflag:s2] =	dma.local @!p0 [hbm:s0], s1  }
0x9c: {  	s0 =	simm.s32 @!p0 $0x1  }
0x9d: {  	_ =	swait.ge @!p0 [sflag:s0], s1  }
0x9e: {  	s1 =	ssub.s32 @!p0 $0x0, s1;
	[sflag:s0] =	ssyncset.done @!p0 $0x0  }
0x9f: {  	[sflag:s0] =	ssyncadd.s32 @!p0 s1  }
0xa0: {  	[bflag:$0x3] =	sbarrier.arrive $0xFFFF  }
0xa1: {  	_ =	shalt  }

// kernel: kernel.9.cloned.1.call-start
scs
__scs_entry_jumppad:
0x0: {  	(pc) =	sbr.rel $0x88, $3  }
0x1: {  	(tag) =	ssettag $0x0;
	lr =	simm.s32 $0x1  }
0x2: {  	[smem:$0x3F9E] =	sst lr;
	_ =	strace $0xD0000000  }
0x3: {  	_ = 	snop  }
0x4: {  	_ = 	snop  }
0x5: {  	_ = 	snop  }
0x6: {  	_ = 	snop  }
0x7: {  	_ = 	snop  }
__scs_overlays_trampoline_lowered:
0x8: {  	[smem:$0x3FAD] =	sst s0  }
0x9: {  	[smem:$0x3FAE] =	sst s1  }
0xa: {  	[smem:$0x3FAF] =	sst s2  }
0xb: {  	[smem:$0x3FB0] =	sst s3  }
0xc: {  	[smem:$0x3FB1] =	sst s4  }
0xd: {  	[smem:$0x3FB2] =	sst s5  }
0xe: {  	[smem:$0x3FB3] =	sst s6  }
0xf: {  	[smem:$0x3FB4] =	sst s7  }
0x10: {  	[smem:$0x3FB5] =	sst s8  }
0x11: {  	[smem:$0x3FB6] =	sst s9;
	s0 =	simm.s32 @!p0 $0x0  }
0x12: {  	s1 =	sld [smem:$0x3F9C];
	s0 =	simm.s32 @p0 $0x1  }
0x13: {  	[smem:$0x3FB7] =	sst s0;
	s0 =	simm.s32 @!p1 $0x0  }
0x14: {  	s2 =	sld [smem:$0x3F9B];
	s0 =	simm.s32 @p1 $0x1  }
0x15: {  	[smem:$0x3FB8] =	sst s0;
	s0 =	simm.s32 @!p2 $0x0  }
0x16: {  	s3 =	sld [smem:$0x3FDB];
	s0 =	simm.s32 @p2 $0x1  }
0x17: {  	s4 =	simm.s32 $0x1BF5;
	[smem:$0x3FBA] =	sst s0  }
0x18: {  	s0 =	sld [smem:$0x3F9D];
	_ =	swait.ge [sflag:s4], $0x0  }
0x19: {  	s7 =	sld [smem:$0x3F9E]  }
0x1a: {  	s8 =	sadd.s32 $0xFFFFE003, lr  }
0x1b: {  	s9 =	sadd.s32 $0xFFFFFEF7, lr;
	s5 =	simm.s32 $0xFFFFFFFF;
	p2 =	slt.u32 s8, $0xFFFFF086  }
0x1c: {  	p1 =	slt.u32 s9, $0xF7A;
	s5 =	simm.s32 @!p2 $0x0  }
0x1d: {  	s5 =	simm.s32 @p1 $0x1;
	p0 =	seq.s32 s7, s2  }
0x1e: {  	s7 =	smul.u32 @!p0 $0xF7A, s2;
	p2 =	seq.s32 @!p0 s5, $0x0  }
0x1f: {  	s9 =	smul.u32 $0xF7A, s1;
	s8 =	simm.s32 @!p0 $0x1BF5;
	p2 =	por !p2, p0  }
0x20: {  	[sflag:s8] =	ssyncset.s32 @!p0 $0xFFFFF086;
	s6 =	sadd.s32 @!p0 s3, s7;
	s7 =	simm.s32 @!p0 $0x108  }
0x21: {  	s3 =	sadd.s32 s3, s9;
	s6 =	sadd.s32 @!p0 $0x88, s6;
	s7 =	simm.s32 @p2 $0x1082  }
0x22: {  	[simem:s7], [sflag:s8] =	dma.local @!p0 [hbm:s6], $0xF7A  }
0x23: {  	s9 =	sor.u32 $0xD0000000, s2;
	s6 =	simm.s32 $0x108;
	_ =	swait.ge @!p0 [sflag:s8], $0x0  }
0x24: {  	s3 =	sadd.s32 $0x88, s3;
	s6 =	simm.s32 @!p1 $0x1082;
	[sflag:s4] =	ssyncset.s32 $0xFFFFF086  }
0x25: {  	[simem:s6], [sflag:s4] =	dma.local [hbm:s3], $0xF7A  }
0x26: {  	[smem:$0x3F9E] =	sst s1;
	(tag) =	ssettag s2;
	_ =	strace s9  }
0x27: {  	s1 =	sld [smem:$0x3FAE]  }
0x28: {  	s2 =	sld [smem:$0x3FAF]  }
0x29: {  	s4 =	sld [smem:$0x3FB1]  }
0x2a: {  	p0 =	seq.s32 s5, $0x0;
	s5 =	sld [smem:$0x3FB2]  }
0x2b: {  	s6 =	sld [smem:$0x3FB3]  }
0x2c: {  	s7 =	sld [smem:$0x3FB4]  }
0x2d: {  	s3 =	simm.s32 $0x108;
	s8 =	sld [smem:$0x3FB5]  }
0x2e: {  	s3 =	simm.s32 @!p0 $0x1082;
	s9 =	sld [smem:$0x3FB6]  }
0x2f: {  	lr =	sadd.s32 s0, s3;
	s0 =	sld [smem:$0x3FAD]  }
0x30: {  	s3 =	sld [smem:$0x3FB0]  }
0x31: {  	[smem:$0x3FB9] =	sst s10  }
0x32: {  	s10 =	sld [smem:$0x3FB7];
	_ =	sdelay $0x3  }
0x33: {  	p0 =	seq.s32 s10, $0x1;
	s10 =	sld [smem:$0x3FB9];
	_ =	sdelay $0x3  }
0x34: {  	[smem:$0x3FB9] =	sst s10  }
0x35: {  	s10 =	sld [smem:$0x3FB8];
	_ =	sdelay $0x3  }
0x36: {  	p1 =	seq.s32 s10, $0x1;
	s10 =	sld [smem:$0x3FB9];
	_ =	sdelay $0x3  }
0x37: {  	[smem:$0x3FB9] =	sst s10  }
0x38: {  	s10 =	sld [smem:$0x3FBA]  }
0x39: {  	_ = 	snop;
	(pc) =	sbr.ind lr, $3  }
0x3a: {  	_ = 	snop  }
0x3b: {  	_ = 	snop  }
0x3c: {  	p2 =	seq.s32 s10, $0x1;
	s10 =	sld [smem:$0x3FB9]  }
0x3d: {  	_ =	shalt  }
0x3e: {  	_ =	shalt  }
0x3f: {  	_ =	shalt  }
0x40: {  	_ =	shalt  }
0x41: {  	_ =	shalt  }
0x42: {  	_ =	shalt  }
0x43: {  	_ =	shalt  }
0x44: {  	_ =	shalt  }
0x45: {  	_ =	shalt  }
0x46: {  	_ =	shalt  }
0x47: {  	_ =	shalt  }
0x48: {  	_ =	shalt  }
0x49: {  	_ =	shalt  }
0x4a: {  	_ =	shalt  }
0x4b: {  	_ =	shalt  }
0x4c: {  	_ =	shalt  }
0x4d: {  	_ =	shalt  }
0x4e: {  	_ =	shalt  }
0x4f: {  	_ =	shalt  }
0x50: {  	_ =	shalt  }
0x51: {  	_ =	shalt  }
0x52: {  	_ =	shalt  }
0x53: {  	_ =	shalt  }
0x54: {  	_ =	shalt  }
0x55: {  	_ =	shalt  }
0x56: {  	_ =	shalt  }
0x57: {  	_ =	shalt  }
0x58: {  	_ =	shalt  }
0x59: {  	_ =	shalt  }
0x5a: {  	_ =	shalt  }
0x5b: {  	_ =	shalt  }
0x5c: {  	_ =	shalt  }
0x5d: {  	_ =	shalt  }
0x5e: {  	_ =	shalt  }
0x5f: {  	_ =	shalt  }
0x60: {  	_ =	shalt  }
0x61: {  	_ =	shalt  }
0x62: {  	_ =	shalt  }
0x63: {  	_ =	shalt  }
0x64: {  	_ =	shalt  }
0x65: {  	_ =	shalt  }
0x66: {  	_ =	shalt  }
0x67: {  	_ =	shalt  }
0x68: {  	_ =	shalt  }
0x69: {  	_ =	shalt  }
0x6a: {  	_ =	shalt  }
0x6b: {  	_ =	shalt  }
0x6c: {  	_ =	shalt  }
0x6d: {  	_ =	shalt  }
0x6e: {  	_ =	shalt  }
0x6f: {  	_ =	shalt  }
0x70: {  	_ =	shalt  }
0x71: {  	_ =	shalt  }
0x72: {  	_ =	shalt  }
0x73: {  	_ =	shalt  }
0x74: {  	_ =	shalt  }
0x75: {  	_ =	shalt  }
0x76: {  	_ =	shalt  }
0x77: {  	_ =	shalt  }
0x78: {  	_ =	shalt  }
0x79: {  	_ =	shalt  }
0x7a: {  	_ =	shalt  }
0x7b: {  	_ =	shalt  }
0x7c: {  	_ =	shalt  }
0x7d: {  	_ =	shalt  }
0x7e: {  	_ =	shalt  }
0x7f: {  	_ =	shalt  }
0x80: {  	_ =	shalt  }
0x81: {  	_ =	shalt  }
0x82: {  	_ =	shalt  }
0x83: {  	_ =	shalt  }
0x84: {  	_ =	shalt  }
0x85: {  	_ =	shalt  }
0x86: {  	_ =	shalt  }
0x87: {  	_ =	shalt  }
.Lfunc_end0:
.L_simem_size_0:
called_computation.1_lowered:
.L_overlay_start_0:
0x88: {  	s2 =	sld [smem:$0x3FD9]  }
0x89: {  	s3 =	sld [smem:$0x3FFE];
	_ =	sdelay $0x1  }
0x8a: {  	s1 =	srdreg.scid  }
0x8b: {  	s0 =	sand.u32 $0x1, s1  }
0x8c: {  	s14 =	sshll.u32 s0, $0xA;
	s2 =	sadd.s32 s3, s2  }
0x8d: {  	s2 =	sadd.s32 s2, s14  }
0x8e: {  	[smem:$0x3FC5] =	sst s2  }
0x8f: {  	_ = 	snop  }
0x90: {  	s2 =	sld [smem:$0x3FD0];
	_ =	sdelay $0x2  }
0x91: {  	s15 =	simm.s32 $0xA;
	s4 =	simm.s32 $0x10  }
0x92: {  	[smem:s4], [sflag:s15] =	dma.local [hbm:s2], $0x1  }
0x93: {  	_ =	swait.eq [sflag:s15], $0x1  }
0x94: {  	[sflag:s15] =	ssyncset.done $0x0  }
0x95: {  	[sflag:s15] =	ssyncadd.s32 $0xFFFFFFFF  }
0x96: {  	s16 =	sld [smem:$0x11];
	(tm) =	ssettm $0x1  }
0x97: {  	s17 =	sld [smem:$0x3FFB];
	_ =	sdelay $0x3  }
0x98: {  	_ =	strace s17  }
0x99: {  	s3 =	sld [smem:$0x3FFC];
	_ =	sdelay $0x3  }
0x9a: {  	_ =	strace s3  }
0x9b: {  	s3 =	sld [smem:$0x3FFD];
	_ =	sdelay $0x3  }
0x9c: {  	_ =	strace s3  }
0x9d: {  	_ =	strace $0x8FFFFFFF  }
0x9e: {  	s18 =	sld [smem:$0x3FDB];
	_ =	sdelay $0x1  }
0x9f: {  	s19 =	simm.s32 $_scs_section_size  }
0xa0: {  	s5 =	simm.s32 $_size__tile_overlayer_lowered;
	s6 =	simm.s32 $_tile_overlayer_lowered  }
0xa1: {  	s22 =	simm.s32 $0x1BFF;
	s21 =	sshll.u32 s6, $0x1;
	s3 =	sadd.s32 s19, s18  }
0xa2: {  	s7 =	simm.s32 $0x0;
	s20 =	sshll.u32 s5, $0x1;
	s5 =	sadd.s32 s21, s3  }
0xa3: {  	[timem:s7], [sflag:s22] =	dma.local [hbm:s5], s20  }
0xa4: {  	_ =	swait.ge [sflag:s22], s20  }
0xa5: {  	s4 =	ssub.s32 $0x0, s20;
	[sflag:s22] =	ssyncset.done $0x0  }
0xa6: {  	[sflag:s22] =	ssyncadd.s32 s4;
	_ =	sdelay $0x1  }
0xa7: {  	s23 =	simm.s32 $0x1B8B  }
0xa8: {  	_ =	swait.ge [sflag:s23], $0x1  }
0xa9: {  	[sflag:s23] =	ssyncset.done $0x0  }
0xaa: {  	s25 =	simm.s32 $0x1B8E;
	s24 =	sld [smem:$0x3FFE];
	[sflag:s23] =	ssyncadd.s32 $0xFFFFFFFF  }
0xab: {  	s26 =	simm.s32 $execute0_lowered;
	[smem:$0x3FD2] =	sst s25  }
0xac: {  	s5 =	sshll.u32 s26, $0x1;
	_ =	strace $0x80000049;
	[dreg:$0x1] =	wrdreg $0xFFFFFFFF  }
0xad: {  	s28 =	simm.s32 $_size_execute0_lowered;
	s3 =	sadd.s32 s3, s5;
	[dreg:$0x0] =	wrdreg $0x0  }
0xae: {  	s5 =	sshll.u32 s28, $0x1;
	[dreg:$0x2] =	wrdreg s3  }
0xaf: {  	[dreg:$0x3] =	wrdreg s5  }
0xb0: {  	[dreg:$0x4] =	wrdreg $0xC0  }
0xb1: {  	_ =	task [dreg:s7], $0x5FFFF  }
0xb2: {  	[dreg:$0x1] =	wrdreg $0xFFFFFFFF  }
0xb3: {  	[dreg:$0x0] =	wrdreg $0x60  }
0xb4: {  	[dreg:$0x2] =	wrdreg s24  }
0xb5: {  	[dreg:$0x3] =	wrdreg s16  }
0xb6: {  	[dreg:$0x4] =	wrdreg $0x9  }
0xb7: {  	_ =	task.clear_ibuf [dreg:s7], $0x5FFFF;
	_ =	strace $0x90000049  }
0xb8: {  	s29 =	simm.s32 $0x9;
	_ =	strace $0x8000004B  }
0xb9: {  	_ =	swait.ge [sflag:s29], $0x1  }
0xba: {  	[sflag:s29] =	ssyncadd.s32 $0xFFFFFFFF  }
0xbb: {  	_ =	strace $0x9000004B  }
0xbc: {  	_ =	sfence  }
0xbd: {  	s30 =	sld [smem:$0x0];
	_ =	sdelay $0x2  }
0xbe: {  	s31 =	sshll.u32 s1, $0xD;
	s1 =	sshrl.u32 s1, $0x2  }
0xbf: {  	s3 =	sand.u32 $0x4000, s31;
	s1 =	sadd.s32 s1, s30  }
0xc0: {  	s0 =	sor.u32 s3, s0;
	s1 =	sshll.u32 s1, $0x11  }
0xc1: {  	s0 =	sor.u32 s1, s0  }
0xc2: {  	s0 =	sadd.s32 $0x8F2B, s0  }
0xc3: {  	[sflag:s0] =	ssyncadd.remote.s32 $0x1  }
0xc4: {  	_ =	sfence.sel $0xFFFF  }
0xc5: {  	[dreg:$0x0] =	wrdreg $0xFFFFFFFF;
	(pc) =	sbr.abs _section_cstart, $3  }
0xc6: {  	[dreg:$0x1] =	wrdreg $0xFFFFFFFF  }
0xc7: {  	_ =	task.clear_ibuf [dreg:s7], $0x2FFFF;
	_ =	strace $0x9FFFFFFF  }
0xc8: {  	(tm) =	ssettm $0x7FFFFFFF  }
0xc9: {  	_ =	shalt  }
tec
execute0_lowered:
.L_overlay_start_1:
0x0: {  	(tag) =	ssettag $0x1  }
0x1: {  	s1 =	srdreg.scid;
	s2 =	stileid.u32  }
0x2: {  	s1 =	sand.u32 $0x1, s1;
	s2 =	sshll.u32 s2, $0x1  }
0x3: {  	s2 =	sor.u32 s1, s2  }
0x4: {  	p0 =	sgt.u32 s2, $0x12  }
.Ltmp0:
0x5: {  	_ = 	snop;
	(pc) =	sbr.rel @p0 .LBB2_12-.Ltmp0, $4  }
0x6: {  	_ = 	snop  }
0x7: {  	s3 =	simm.s32 $0x0  }
0x8: {  	[smem:$0x7FF] =	sst s3  }
0x9: {  	s0 =	rddreg [dreg:$0x0];
	_ =	strace $0x8000004A  }
0xa: {  	s4 =	stileid.u32;
	s2 =	sshll.u32 s2, $0x7  }
0xb: {  	s1 =	ssub.s32 $0x2, s1;
	s14 =	simm.s32 $0x7;
	s15 =	simm.s32 $0x80  }
0xc: {  	s8 =	simm.s32 $0x480;
	s9 =	simm.s32 $0x500;
	s10 =	simm.s32 $0x580  }
0xd: {  	s11 =	simm.s32 $0x600;
	s12 =	simm.s32 $0x680;
	s4 =	sshrl.u32 s4, $0x2  }
0xe: {  	s28 =	simm.s32 $0x8700;
	s2 =	sand.u32 $0x380, s2;
	s5 =	sshll.u32 s4, $0xD  }
0xf: {  	s29 =	simm.s32 $0x12700;
	s25 =	sshrl.u32 s1, $0x1;
	s5 =	sor.u32 s5, s2  }
0x10: {  	s18 =	simm.s32 $0x0;
	s1 =	ssub.s32 s1, s25;
	s5 =	sshrl.u32 s5, $0x3  }
0x11: {  	s4 =	sshll.u32 s4, $0xA;
	s31 =	smax.u32 s1, $0x1;
	s6 =	sadd.s32 s5, s0  }
0x12: {  	s25 =	simm.s32 $0x4700;
	[dreg:$0x9] =	wrdreg s31;
	s23 =	sadd.s32 $0xE80, s6  }
0x13: {  	v4 =	vlaneseq.u32;
	s2 =	sor.u32 s4, s2;
	s24 =	sadd.s32 $0xF00, s6;
	[dreg:$0x3] =	wrdreg s23  }
0x14: {  	v7 =	vor.u32 $0x20, v4;
	s2 =	sshrl.u32 s2, $0x3;
	s7 =	sadd.s32 $0xF80, s6;
	[dreg:$0x4] =	wrdreg s24  }
.Ltmp1:
0x15: {  	v9 =	vor.u32 $0x40, v4;
	[tilespmem:$0x1FFB0] =	vst v7;
	s26 =	sadd.s32 $0x1000, s6;
	[dreg:$0x5] =	wrdreg s7;
	(pc) =	sbr.rel .LBB2_2-.Ltmp1, $4  }
0x16: {  	v8 =	vor.u32 $0x30, v4;
	[tilespmem:$0x1FFC0] =	vst v9;
	s22 =	sadd.s32 s2, s0;
	s30 =	sadd.s32 $0x1080, s6;
	[dreg:$0x6] =	wrdreg s26  }
0x17: {  	v6 =	vor.u32 $0x10, v4;
	[tilespmem:$0x1FFD0] =	vst v8;
	s4 =	sadd.s32 $0x1A00, s0;
	s0 =	sadd.s32 $0x201A00, s22;
	[dreg:$0x7] =	wrdreg s30  }
0x18: {  	v11 =	vor.u32 $0x50, v4;
	[tilespmem:$0x1FFE0] =	vst v6;
	s5 =	sadd.s32 $0xE00, s6;
	s22 =	simm.s32 $0x700;
	[dreg:$0x8] =	wrdreg s0  }
0x19: {  	vm0 =	vcmask $0x300;
	vm1 =	vcmask $0x704;
	[tilespmem:$0x1FFF0] =	vst v11;
	s7 =	simm.s32 $0x400;
	s24 =	simm.s32 $0xC700;
	s26 =	simm.s32 $0xF700  }
.LBB2_6:
0x1a: {  	s8 =	simm.s32 $0x480;
	s9 =	simm.s32 $0x500;
	v7 =	vld [tilespmem:$0x1FFB0]  }
0x1b: {  	s10 =	simm.s32 $0x580;
	s11 =	simm.s32 $0x600;
	s12 =	simm.s32 $0x680;
	v6 =	vmov v16;
	v8 =	vmov v53;
	v9 =	vld [tilespmem:$0x1FFC0]  }
.LBB2_10:
0x1c: {  	s0 =	scvt.s32.f32 s19;
	v0 =	vmov s20  }
0x1d: {  	v0 =	vnsel vm0, $0x0, v0  }
0x1e: {  	v0 =	vsel vm1, s0, v0  }
0x1f: {  	s7 =	simm.s32 $0x400;
	v4 =	vlaneseq.u32;
	[tilespmem:$0x15780] =	vst v0  }
.LBB2_11:
0x20: {  	s0 =	rddreg [dreg:$0x8];
	s1 =	simm.s32 $0x15780  }
0x21: {  	[hbm4b:s0+s3] =	stream.linear.scatter [tilespmem:s1], [sflag:$0x7], $0x80, $0x38;
	[tilespmem:$0x15800] =	vst v63  }
0x22: {  	_ =	swait.ge [sflag:s14], $0x80  }
0x23: {  	s18 =	sadd.s32 $0x1, s18;
	s31 =	rddreg [dreg:$0x9]  }
0x24: {  	p0 =	sne.s32 s18, s31  }
.Ltmp2:
0x25: {  	_ = 	snop;
	(pc) =	sbr.rel @!p0 .LBB2_12-.Ltmp2, $3  }
0x26: {  	_ =	sdelay $0x1  }
0x27: {  	[sflag:s14] =	ssyncset.done $0x0  }
0x28: {  	[sflag:s14] =	ssyncadd.s32 $0xFFFFFF80  }
.LBB2_2:
0x29: {  	s0 =	rddreg [dreg:$0x1];
	s1 =	simm.s32 $0x15700  }
0x2a: {  	[tilespmem:s1], [sflag:$0x7] =	stream.linear.gather [hbm4b:s0+s3], $0x80, $0x38;
	[tilespmem:$0x15800] =	vst v63  }
0x2b: {  	_ =	swait.ge [sflag:s14], $0x80  }
0x2c: {  	[sflag:s14] =	ssyncset.done $0x0  }
0x2d: {  	[sflag:s14] =	ssyncadd.s32 $0xFFFFFF80  }
0x2e: {  	[tilespmem:s3], [sflag:$0x7] =	stream.strided.gather [hbm4b:s5+s15], $0x400, s7, s15, $0x38;
	[tilespmem:$0x15800] =	vst v63  }
0x2f: {  	_ =	swait.ge [sflag:s14], $0x400  }
0x30: {  	[sflag:s14] =	ssyncset.done $0x0  }
0x31: {  	[sflag:s14] =	ssyncadd.s32 $0xFFFFFC00  }
0x32: {  	[tilespmem:s7], [sflag:$0x7] =	stream.linear.gather [hbm4b:s5+s3], $0x80, $0x38;
	[tilespmem:$0x15800] =	vst v63  }
0x33: {  	_ =	swait.ge [sflag:s14], $0x80  }
0x34: {  	[sflag:s14] =	ssyncset.done $0x0  }
0x35: {  	s17 =	rddreg [dreg:$0x3];
	[sflag:s14] =	ssyncadd.s32 $0xFFFFFF80  }
0x36: {  	[tilespmem:s8], [sflag:$0x7] =	stream.linear.gather [hbm4b:s17+s3], $0x60, $0x38;
	[tilespmem:$0x15800] =	vst v63  }
0x37: {  	_ =	swait.ge [sflag:s14], $0x60  }
0x38: {  	[sflag:s14] =	ssyncset.done $0x0  }
0x39: {  	s19 =	rddreg [dreg:$0x4];
	[sflag:s14] =	ssyncadd.s32 $0xFFFFFFA0  }
0x3a: {  	[tilespmem:s9], [sflag:$0x7] =	stream.linear.gather [hbm4b:s19+s3], $0x80, $0x38;
	[tilespmem:$0x15800] =	vst v63  }
0x3b: {  	_ =	swait.ge [sflag:s14], $0x80  }
0x3c: {  	[sflag:s14] =	ssyncset.done $0x0  }
0x3d: {  	s20 =	rddreg [dreg:$0x5];
	[sflag:s14] =	ssyncadd.s32 $0xFFFFFF80  }
0x3e: {  	[tilespmem:s10], [sflag:$0x7] =	stream.linear.gather [hbm4b:s20+s3], $0x60, $0x38;
	[tilespmem:$0x15800] =	vst v63  }
0x3f: {  	_ =	swait.ge [sflag:s14], $0x60  }
0x40: {  	[sflag:s14] =	ssyncset.done $0x0  }
0x41: {  	s21 =	rddreg [dreg:$0x6];
	[sflag:s14] =	ssyncadd.s32 $0xFFFFFFA0  }
0x42: {  	[tilespmem:s11], [sflag:$0x7] =	stream.linear.gather [hbm4b:s21+s3], $0x80, $0x38;
	[tilespmem:$0x15800] =	vst v63  }
0x43: {  	_ =	swait.ge [sflag:s14], $0x80  }
0x44: {  	[sflag:s14] =	ssyncset.done $0x0  }
0x45: {  	v0 =	vimm.s32 $0x30;
	s23 =	rddreg [dreg:$0x7];
	[sflag:s14] =	ssyncadd.s32 $0xFFFFFF80  }
0x46: {  	v1 =	vimm.s32 $0x300;
	[tilespmem:s12], [sflag:$0x7] =	stream.linear.gather [hbm4b:s23+s3], $0x60, $0x38;
	[tilespmem:$0x15800] =	vst v63  }
0x47: {  	v2 =	vimm.s32 $0x301;
	_ =	swait.ge [sflag:s14], $0x60  }
0x48: {  	[sflag:s14] =	ssyncset.done $0x0  }
0x49: {  	v3 =	vimm.s32 $0x302;
	[sflag:s14] =	ssyncadd.s32 $0xFFFFFFA0  }
0x4a: {  	v0 =	vld.idx.msk [tilespmem:v0+s1+$0x0], $0xffff  }
0x4b: {  	v1 =	vld.idx.msk [tilespmem:v1+s3+$0x0], $0xffff  }
0x4c: {  	v2 =	vld.idx.msk [tilespmem:v2+s3+$0x0], $0xffff;
	_ =	sdelay $0x1  }
0x4d: {  	v3 =	vld.idx.msk [tilespmem:v3+s3+$0x0], $0xffff  }
0x4e: {  	v0 =	vxor.u32 $0x80000000, v0  }
0x4f: {  	v56 =	vxor.u32 $0x80000000, v1;
	(xrf0) =	vmin.scan.msk.u32 $0xffff, v0  }
0x50: {  	v57 =	vxor.u32 $0x80000000, v2;
	(xrf0) =	vmin.scan.msk.u32 $0xffff, v56  }
0x51: {  	(xrf0) =	vmin.scan.msk.u32 $0xffff, v57  }
0x52: {  	v58 =	vxor.u32 $0x80000000, v3  }
0x53: {  	(xrf0) =	vmin.scan.msk.u32 $0xffff, v58;
	_ =	sdelay $0x1  }
0x54: {  	v59, _, _ =	vpop (xrf0)  }
0x55: {  	v60, _, _ =	vpop (xrf0);
	(v2sf) =	vpush v59, $0xF  }
0x56: {  	v61, _, _ =	vpop (xrf0);
	(v2sf) =	vpush v60, $0xF  }
0x57: {  	(v2sf) =	vpush v61, $0xF  }
0x58: {  	v62, _, _ =	vpop (xrf0)  }
0x59: {  	(v2sf) =	vpush v62, $0xF;
	_ =	sdelay $0xa  }
0x5a: {  	s30 =	spop (v2sf)  }
0x5b: {  	s31 =	spop (v2sf)  }
0x5c: {  	s2 =	spop (v2sf)  }
0x5d: {  	s1 =	sxor.u32 $0x80000000, s31;
	s2 =	sxor.u32 $0x80000000, s2  }
0x5e: {  	s6 =	spop (v2sf);
	p0 =	slt.s32 s1, s2  }
0x5f: {  	s20 =	sxor.u32 $0x80000000, s6;
	s2 =	smov.u32 @p0 s1  }
0x60: {  	p0 =	slt.s32 s2, s20  }
0x61: {  	v63 =	vimm.f32 $0.0e+00;
	s0 =	sxor.u32 $0x80000000, s30;
	s20 =	smov.u32 @p0 s2  }
0x62: {  	[tilespmem:$0x15780] =	vst v63;
	p0 =	slt.s32 s0, s20  }
0x63: {  	[tilespmem:$0x15790] =	vst v63;
	s20 =	smov.u32 @p0 s0  }
0x64: {  	[tilespmem:$0x157A0] =	vst v63;
	p0 =	slt.s32 s20, $0x1  }
.Ltmp3:
0x65: {  	[tilespmem:$0x157B0] =	vst v63;
	(pc) =	sbr.rel @p0 .LBB2_11-.Ltmp3, $4  }
0x66: {  	[tilespmem:$0x157C0] =	vst v63  }
0x67: {  	[tilespmem:$0x157D0] =	vst v63  }
0x68: {  	[tilespmem:$0x157E0] =	vst v63  }
0x69: {  	[tilespmem:$0x157F0] =	vst v63  }
0x6a: {  	[tilespmem:s22], [sflag:$0x1] =	stream.indirect.gather [hbm4b:s4+s15], $0x80, s7, s15, $0xb8;
	[tilespmem:$0x15800] =	vst v63  }
0x6b: {  	s0 =	simm.s32 $0x60  }
0x6c: {  	[tilespmem:s24], [sflag:$0x2] =	stream.indirect.gather [hbm4b:s4+s0], $0x80, s8, s0, $0xb8;
	[tilespmem:$0x15800] =	vst v63  }
0x6d: {  	_ = 	snop  }
0x6e: {  	[tilespmem:s25], [sflag:$0x3] =	stream.indirect.gather [hbm4b:s4+s15], $0x80, s9, s15, $0xb8;
	[tilespmem:$0x15800] =	vst v63  }
0x6f: {  	_ = 	snop  }
0x70: {  	[tilespmem:s26], [sflag:$0x4] =	stream.indirect.gather [hbm4b:s4+s0], $0x80, s10, s0, $0xb8;
	[tilespmem:$0x15800] =	vst v63  }
0x71: {  	_ = 	snop  }
0x72: {  	[tilespmem:s28], [sflag:$0x5] =	stream.indirect.gather [hbm4b:s4+s15], $0x80, s11, s15, $0xb8;
	[tilespmem:$0x15800] =	vst v63  }
0x73: {  	s10 =	simm.s32 $0x1  }
0x74: {  	[tilespmem:s29], [sflag:$0x6] =	stream.indirect.gather [hbm4b:s4+s0], $0x80, s12, s0, $0xb8;
	[tilespmem:$0x15800] =	vst v63  }
0x75: {  	_ =	swait.ge [sflag:s10], $0x4000  }
0x76: {  	[sflag:s10] =	ssyncset.done $0x0  }
0x77: {  	s11 =	simm.s32 $0x2;
	[sflag:s10] =	ssyncadd.s32 $0xFFFFC000  }
0x78: {  	_ =	swait.ge [sflag:s11], $0x3000  }
0x79: {  	[sflag:s11] =	ssyncset.done $0x0  }
0x7a: {  	s12 =	simm.s32 $0x3;
	[sflag:s11] =	ssyncadd.s32 $0xFFFFD000  }
0x7b: {  	_ =	swait.ge [sflag:s12], $0x4000  }
0x7c: {  	[sflag:s12] =	ssyncset.done $0x0  }
0x7d: {  	s13 =	simm.s32 $0x4;
	[sflag:s12] =	ssyncadd.s32 $0xFFFFC000  }
0x7e: {  	_ =	swait.ge [sflag:s13], $0x3000  }
0x7f: {  	[sflag:s13] =	ssyncset.done $0x0  }
0x80: {  	s1 =	simm.s32 $0x5;
	[sflag:s13] =	ssyncadd.s32 $0xFFFFD000  }
0x81: {  	s16 =	simm.s32 $0x0;
	_ =	swait.ge [sflag:s1], $0x4000  }
0x82: {  	v0 =	vor.u32 s16, v11;
	[sflag:s1] =	ssyncset.done $0x0  }
0x83: {  	s17 =	simm.s32 $0x6;
	v1 =	vor.u32 s16, v9;
	[sflag:s1] =	ssyncadd.s32 $0xFFFFC000  }
0x84: {  	_ =	swait.ge [sflag:s17], $0x3000  }
0x85: {  	[sflag:s17] =	ssyncset.done $0x0  }
0x86: {  	v2 =	vor.u32 s16, v8;
	[sflag:s17] =	ssyncadd.s32 $0xFFFFD000  }
0x87: {  	v12 =	vld.idx.msk [tilespmem:v0+s22+$0x0], $0xffff  }
0x88: {  	v13 =	vld.idx.msk [tilespmem:v1+s22+$0x0], $0xffff  }
0x89: {  	v3 =	vor.u32 s16, v7;
	v10 =	vld.idx.msk [tilespmem:v0+s25+$0x0], $0xffff  }
0x8a: {  	v62 =	vld.idx.msk [tilespmem:v0+s28+$0x0], $0xffff  }
0x8b: {  	v14 =	vld.idx.msk [tilespmem:v2+s22+$0x0], $0xffff  }
0x8c: {  	v37 =	vld.idx.msk [tilespmem:v1+s25+$0x0], $0xffff  }
0x8d: {  	s21 =	simm.s32 $0x100;
	v5 =	vld.idx.msk [tilespmem:v1+s28+$0x0], $0xffff  }
0x8e: {  	s19 =	simm.s32 $0x180;
	v16 =	vor.u32 s21, v11;
	v17 =	vld.idx.msk [tilespmem:v3+s22+$0x0], $0xffff  }
0x8f: {  	v25 =	vor.u32 s19, v8;
	v1 =	vor.u32 s16, v4;
	v4 =	vld.idx.msk [tilespmem:v2+s25+$0x0], $0xffff  }
0x90: {  	v50 =	vld.idx.msk [tilespmem:v2+s28+$0x0], $0xffff  }
0x91: {  	v39 =	vld.idx.msk [tilespmem:v3+s25+$0x0], $0xffff  }
0x92: {  	v29 =	vor.u32 s21, v8;
	v31 =	vld.idx.msk [tilespmem:v3+s28+$0x0], $0xffff  }
0x93: {  	v28 =	vld.idx.msk [tilespmem:v16+s25+$0x0], $0xffff  }
0x94: {  	v26 =	vor.u32 s19, v7;
	v21 =	vld.idx.msk [tilespmem:v25+s22+$0x0], $0xffff  }
0x95: {  	v33 =	vld.idx.msk [tilespmem:v25+s25+$0x0], $0xffff  }
0x96: {  	v49 =	vor.u32 s19, v6;
	v36 =	vld.idx.msk [tilespmem:v25+s28+$0x0], $0xffff  }
0x97: {  	v38 =	vld.idx.msk [tilespmem:v29+s25+$0x0], $0xffff  }
0x98: {  	v48 =	vor.u32 s21, v6;
	v45 =	vld.idx.msk [tilespmem:v29+s28+$0x0], $0xffff  }
0x99: {  	v0 =	vor.u32 s16, v6;
	v41 =	vld.idx.msk [tilespmem:v26+s25+$0x0], $0xffff  }
0x9a: {  	v46 =	vld.idx.msk [tilespmem:v26+s28+$0x0], $0xffff  }
0x9b: {  	v57 =	vld.idx.msk [tilespmem:v49+s25+$0x0], $0xffff  }
0x9c: {  	v59 =	vld.idx.msk [tilespmem:v49+s28+$0x0], $0xffff  }
0x9d: {  	v60 =	vld.idx.msk [tilespmem:v48+s25+$0x0], $0xffff  }
0x9e: {  	v18 =	vld.idx.msk [tilespmem:v0+s22+$0x0], $0xffff  }
0x9f: {  	v2 =	vor.u32 s19, v11;
	v23 =	vld.idx.msk [tilespmem:v1+s22+$0x0], $0xffff  }
0xa0: {  	v47 =	vld.idx.msk [tilespmem:v0+s25+$0x0], $0xffff  }
0xa1: {  	v44 =	vld.idx.msk [tilespmem:v0+s28+$0x0], $0xffff  }
0xa2: {  	s17 =	simm.s32 $0x80;
	v53 =	vld.idx.msk [tilespmem:v1+s25+$0x0], $0xffff  }
0xa3: {  	v22 =	vor.u32 s17, v9;
	v3 =	vld.idx.msk [tilespmem:v1+s28+$0x0], $0xffff  }
0xa4: {  	v24 =	vor.u32 s17, v8;
	v19 =	vld.idx.msk [tilespmem:v2+s22+$0x0], $0xffff  }
0xa5: {  	[tilespmem:$0x1FFA0] =	vst v4;
	v4 =	vld.idx.msk [tilespmem:v16+s22+$0x0], $0xffff  }
0xa6: {  	v25 =	vor.u32 s21, v7;
	v51 =	vld.idx.msk [tilespmem:v2+s25+$0x0], $0xffff  }
0xa7: {  	v40 =	vld.idx.msk [tilespmem:v2+s28+$0x0], $0xffff  }
0xa8: {  	v27 =	vor.u32 s17, v7;
	v15 =	vld.idx.msk [tilespmem:v22+s22+$0x0], $0xffff  }
0xa9: {  	v52 =	vld.idx.msk [tilespmem:v24+s25+$0x0], $0xffff  }
0xaa: {  	v43 =	vor.u32 s17, v6;
	v54 =	vld.idx.msk [tilespmem:v24+s28+$0x0], $0xffff  }
0xab: {  	v0 =	vor.u32 s19, v9;
	v55 =	vld.idx.msk [tilespmem:v25+s25+$0x0], $0xffff  }
0xac: {  	v1 =	vor.u32 s21, v9;
	v56 =	vld.idx.msk [tilespmem:v25+s28+$0x0], $0xffff  }
0xad: {  	v58 =	vld.idx.msk [tilespmem:v27+s25+$0x0], $0xffff  }
0xae: {  	v63 =	vld.idx.msk [tilespmem:v27+s28+$0x0], $0xffff  }
0xaf: {  	v37 =	vsub.f32 v5, v37;
	v5 =	vld.idx.msk [tilespmem:v43+s25+$0x0], $0xffff  }
0xb0: {  	v20 =	vld.idx.msk [tilespmem:v0+s22+$0x0], $0xffff  }
0xb1: {  	v2 =	vld.idx.msk [tilespmem:v1+s22+$0x0], $0xffff  }
0xb2: {  	[tilespmem:$0x1FF80] =	vst v4;
	v4 =	vld.idx.msk [tilespmem:v16+s28+$0x0], $0xffff  }
0xb3: {  	v30 =	vld.idx.msk [tilespmem:v0+s25+$0x0], $0xffff  }
0xb4: {  	v9 =	vlaneseq.u32;
	v16 =	vmov v6;
	v6 =	vld [tilespmem:$0x1FFA0]  }
0xb5: {  	v32 =	vld.idx.msk [tilespmem:v0+s28+$0x0], $0xffff;
	v0 =	vor.u32 s21, v9  }
0xb6: {  	s23 =	smin.u32 s20, $0x80;
	v34 =	vld.idx.msk [tilespmem:v1+s25+$0x0], $0xffff  }
0xb7: {  	s0 =	sadd.s32 $0x3, s23;
	v35 =	vld.idx.msk [tilespmem:v1+s28+$0x0], $0xffff;
	[tilespmem:$0x1FF90] =	vst v2;
	v2 =	vor.u32 s19, v9  }
0xb8: {  	p0 =	slt.s32 s20, $0xC8;
	s0 =	sand.u32 $0x1FC, s0;
	v1 =	vld.idx.msk [tilespmem:v48+s28+$0x0], $0xffff;
	s19 =	smov.u32 s20  }
0xb9: {  	v39 =	vsub.f32 v31, v39;
	v31 =	vsub.f32 v50, v6;
	v50 =	vld.idx.msk [tilespmem:v43+s28+$0x0], $0xffff;
	s19 =	simm.s32 @!p0 $0xC8;
	p0 =	sne.s32 s0, $0x4  }
.Ltmp4:
0xba: {  	v44 =	vsub.f32 v44, v47;
	v47 =	vld.idx.msk [tilespmem:v0+s25+$0x0], $0xffff;
	v28 =	vsub.f32 v4, v28;
	v4 =	vor.u32 s17, v9;
	(pc) =	sbr.rel @!p0 .LBB2_5-.Ltmp4, $4  }
0xbb: {  	v40 =	vsub.f32 v40, v51;
	v51 =	vld.idx.msk [tilespmem:v0+s28+$0x0], $0xffff  }
0xbc: {  	v42 =	vld.idx.msk [tilespmem:v2+s22+$0x0], $0xffff  }
0xbd: {  	s30 =	simm.s32 $0x2;
	s31 =	simm.s32 $0x1;
	s2 =	simm.s32 $0x4;
	v61 =	vld.idx.msk [tilespmem:v2+s25+$0x0], $0xffff  }
0xbe: {  	s23 =	simm.s32 $0x3;
	s1 =	simm.s32 $0x0;
	v62 =	vsub.f32 v62, v10;
	s21 =	simm.f32 $0.0e+00;
	v3 =	vsub.f32 v3, v53;
	v2 =	vld.idx.msk [tilespmem:v2+s28+$0x0], $0xffff  }
.LBB2_4:
0xbf: {  	v53 =	vld.idx.msk [tilespmem:v4+s25+$0x0], $0xffff  }
0xc0: {  	v6 =	vld [tilespmem:$0x1FFF0]  }
0xc1: {  	v34 =	vsub.f32 v35, v34;
	v35 =	vld.idx.msk [tilespmem:v4+s28+$0x0], $0xffff  }
0xc2: {  	v10 =	vld [tilespmem:$0x1FFC0]  }
0xc3: {  	v29 =	vld.idx.msk [tilespmem:v29+s22+$0x0], $0xffff  }
0xc4: {  	v7 =	vld [tilespmem:$0x1FFD0];
	v3 =	vmul.f32 v3, v23  }
0xc5: {  	v49 =	vld.idx.msk [tilespmem:v49+s22+$0x0], $0xffff  }
0xc6: {  	v0 =	vld.idx.msk [tilespmem:v0+s22+$0x0], $0xffff;
	v3 =	vadd.f32 $0.0e+00, v3;
	v30 =	vsub.f32 v32, v30  }
0xc7: {  	v26 =	vld.idx.msk [tilespmem:v26+s22+$0x0], $0xffff;
	v38 =	vsub.f32 v45, v38;
	v33 =	vsub.f32 v36, v33  }
0xc8: {  	v4 =	vld.idx.msk [tilespmem:v4+s22+$0x0], $0xffff;
	v18 =	vmul.f32 v44, v18;
	v41 =	vsub.f32 v46, v41;
	v11 =	vsub.f32 v56, v55  }
0xc9: {  	v27 =	vld.idx.msk [tilespmem:v27+s22+$0x0], $0xffff;
	v57 =	vsub.f32 v59, v57;
	v23 =	vsub.f32 v63, v58  }
0xca: {  	v17 =	vmul.f32 v39, v17;
	v2 =	vsub.f32 v2, v61;
	v61 =	vld.idx.msk [tilespmem:v48+s22+$0x0], $0xffff;
	v3 =	vadd.f32 v18, v3  }
0xcb: {  	s13 =	sshll.u32 s2, $0x7;
	v1 =	vsub.f32 v1, v60;
	v60 =	vsub.f32 v51, v47;
	v59 =	vor.u32 s17, v6;
	v18 =	vld.idx.msk [tilespmem:v25+s22+$0x0], $0xffff  }
0xcc: {  	v14 =	vmul.f32 v31, v14;
	v32 =	vor.u32 s13, v6;
	v25 =	vld.idx.msk [tilespmem:v43+s22+$0x0], $0xffff;
	v3 =	vadd.f32 v17, v3  }
0xcd: {  	v63 =	vmul.f32 v62, v12;
	v36 =	vor.u32 s13, v10;
	v0 =	vmul.f32 v60, v0;
	v17 =	vld.idx.msk [tilespmem:v22+s25+$0x0], $0xffff  }
0xce: {  	v12 =	vsub.f32 v35, v53;
	v2 =	vmul.f32 v2, v42;
	v3 =	vadd.f32 v14, v3;
	v14 =	vld.idx.msk [tilespmem:v22+s28+$0x0], $0xffff  }
0xcf: {  	v31 =	vmul.f32 v57, v49;
	v0 =	vadd.f32 $0.0e+00, v0;
	v1 =	vmul.f32 v1, v61;
	v22 =	vld.idx.msk [tilespmem:v24+s22+$0x0], $0xffff  }
0xd0: {  	v4 =	vmul.f32 v12, v4;
	v12 =	vmul.f32 v33, v21;
	v2 =	vadd.f32 $0.0e+00, v2;
	v21 =	vld.idx.msk [tilespmem:v59+s25+$0x0], $0xffff  }
0xd1: {  	v46 =	vor.u32 s13, v7;
	v8 =	vld.idx.msk [tilespmem:v32+s22+$0x0], $0xffff;
	v0 =	vadd.f32 v1, v0;
	v1 =	vmul.f32 v11, v18  }
0xd2: {  	v2 =	vadd.f32 v31, v2;
	v31 =	vld.idx.msk [tilespmem:v32+s25+$0x0], $0xffff  }
0xd3: {  	v13 =	vmul.f32 v37, v13;
	v37 =	vld.idx.msk [tilespmem:v36+s25+$0x0], $0xffff;
	v0 =	vadd.f32 v1, v0;
	v1 =	vmul.f32 v38, v29  }
0xd4: {  	s6 =	sadd.s32 $0x3, s2;
	v5 =	vsub.f32 v50, v5;
	v39 =	vld.idx.msk [tilespmem:v36+s28+$0x0], $0xffff  }
0xd5: {  	s8 =	sshll.u32 s6, $0x7;
	v19 =	vmul.f32 v40, v19;
	v0 =	vadd.f32 v1, v0;
	v1 =	vld [tilespmem:$0x1FF90]  }
0xd6: {  	v49 =	vor.u32 s8, v16;
	v4 =	vadd.f32 $0.0e+00, v4;
	v5 =	vmul.f32 v5, v25;
	v40 =	vld.idx.msk [tilespmem:v46+s25+$0x0], $0xffff  }
0xd7: {  	v44 =	vld.idx.msk [tilespmem:v46+s28+$0x0], $0xffff  }
0xd8: {  	s9 =	sadd.s32 $0x1, s2;
	v26 =	vmul.f32 v41, v26;
	v4 =	vadd.f32 v5, v4;
	v5 =	vmul.f32 v23, v27;
	v27 =	vld [tilespmem:$0x1FFB0]  }
0xd9: {  	s17 =	sshll.u32 s9, $0x7;
	v3 =	vadd.f32 v13, v3;
	v18 =	vld.idx.msk [tilespmem:v59+s28+$0x0], $0xffff  }
0xda: {  	v24 =	vor.u32 s17, v7;
	v13 =	vld.idx.msk [tilespmem:v36+s22+$0x0], $0xffff;
	v2 =	vadd.f32 v26, v2;
	v1 =	vmul.f32 v34, v1  }
0xdb: {  	v57 =	vld.idx.msk [tilespmem:v49+s25+$0x0], $0xffff;
	v3 =	vadd.f32 v63, v3  }
0xdc: {  	v20 =	vmul.f32 v30, v20;
	v2 =	vadd.f32 v12, v2;
	v0 =	vadd.f32 v1, v0;
	v1 =	vld [tilespmem:$0x1FF80]  }
0xdd: {  	v45 =	vsub.f32 v54, v52;
	v23 =	vld.idx.msk [tilespmem:v59+s22+$0x0], $0xffff;
	(xrf2) =	vadd.scan.msk.f32 $0xffff, v3;
	v3 =	vadd.f32 v5, v4;
	v5 =	vor.u32 s13, v27  }
0xde: {  	v59 =	vld.idx.msk [tilespmem:v49+s28+$0x0], $0xffff;
	v2 =	vadd.f32 v20, v2  }
0xdf: {  	v14 =	vsub.f32 v14, v17;
	v52 =	vld.idx.msk [tilespmem:v24+s25+$0x0], $0xffff;
	v4 =	vmul.f32 v45, v22  }
0xe0: {  	v54 =	vld.idx.msk [tilespmem:v24+s28+$0x0], $0xffff;
	v11 =	vsub.f32 v18, v21;
	v26 =	vor.u32 s8, v27;
	v2 =	vadd.f32 v19, v2  }
0xe1: {  	v3 =	vadd.f32 v4, v3;
	v4 =	vmul.f32 v14, v15;
	v14 =	vld.idx.msk [tilespmem:v46+s22+$0x0], $0xffff;
	v1 =	vmul.f32 v28, v1  }
0xe2: {  	v43 =	vor.u32 s17, v16;
	(xrf2) =	vadd.scan.msk.f32 $0xffff, v2;
	v47 =	vld.idx.msk [tilespmem:v5+s25+$0x0], $0xffff  }
0xe3: {  	v2 =	vmul.f32 v11, v23;
	v50 =	vld.idx.msk [tilespmem:v5+s28+$0x0], $0xffff;
	v0 =	vadd.f32 v1, v0;
	v1 =	vadd.f32 v4, v3  }
0xe4: {  	v17 =	vld.idx.msk [tilespmem:v5+s22+$0x0], $0xffff;
	v3 =	vor.u32 s13, v16  }
0xe5: {  	v41 =	vld.idx.msk [tilespmem:v26+s25+$0x0], $0xffff;
	v2 =	vadd.f32 v2, v1  }
0xe6: {  	v46 =	vld.idx.msk [tilespmem:v26+s28+$0x0], $0xffff;
	(xrf2) =	vadd.scan.msk.f32 $0xffff, v0  }
0xe7: {  	v28 =	vld.idx.msk [tilespmem:v32+s28+$0x0], $0xffff;
	v4 =	vor.u32 s8, v6;
	(xrf2) =	vadd.scan.msk.f32 $0xffff, v2  }
0xe8: {  	v37 =	vsub.f32 v39, v37;
	v39 =	vsub.f32 v50, v47;
	v50 =	vld.idx.msk [tilespmem:v43+s28+$0x0], $0xffff  }
0xe9: {  	v62 =	vlaneseq.u32;
	v18 =	vld.idx.msk [tilespmem:v3+s22+$0x0], $0xffff  }
0xea: {  	v1 =	vor.u32 s13, v62;
	v51 =	vld.idx.msk [tilespmem:v3+s25+$0x0], $0xffff  }
0xeb: {  	s7 =	sadd.s32 $0x2, s2;
	v53 =	vld.idx.msk [tilespmem:v3+s28+$0x0], $0xffff  }
0xec: {  	s13 =	sshll.u32 s7, $0x7;
	v19 =	vld.idx.msk [tilespmem:v4+s22+$0x0], $0xffff  }
0xed: {  	[tilespmem:$0x1FF70] =	vst v8;
	v5 =	vor.u32 s13, v6;
	v8 =	vld.idx.msk [tilespmem:v4+s25+$0x0], $0xffff  }
0xee: {  	v0, _, _ =	vpop (xrf2);
	v9 =	vld.idx.msk [tilespmem:v4+s28+$0x0], $0xffff  }
0xef: {  	v2, _, _ =	vpop (xrf2);
	v23 =	vld.idx.msk [tilespmem:v1+s22+$0x0], $0xffff  }
0xf0: {  	v29 =	vor.u32 s13, v7;
	(v2sf) =	vpush v0, $0xF;
	v6 =	vld.idx.msk [tilespmem:v1+s25+$0x0], $0xffff;
	v15, _, _ =	vpop (xrf2)  }
0xf1: {  	v12 =	vld.idx.msk [tilespmem:v1+s28+$0x0], $0xffff;
	(v2sf) =	vpush v2, $0xF;
	v1, _, _ =	vpop (xrf2)  }
0xf2: {  	v22 =	vor.u32 s17, v10;
	v25 =	vor.u32 s13, v27;
	v2 =	vld.idx.msk [tilespmem:v5+s22+$0x0], $0xffff;
	(v2sf) =	vpush v1, $0xF  }
0xf3: {  	v3 =	vor.u32 s8, v10;
	v0 =	vor.u32 s13, v10;
	v10 =	vld.idx.msk [tilespmem:v5+s25+$0x0], $0xffff;
	(v2sf) =	vpush v15, $0xF  }
0xf4: {  	v27 =	vor.u32 s17, v27;
	v11 =	vld.idx.msk [tilespmem:v5+s28+$0x0], $0xffff  }
0xf5: {  	v38 =	vld.idx.msk [tilespmem:v29+s25+$0x0], $0xffff  }
0xf6: {  	v48 =	vor.u32 s13, v16;
	v45 =	vld.idx.msk [tilespmem:v29+s28+$0x0], $0xffff  }
0xf7: {  	v55 =	vld.idx.msk [tilespmem:v25+s25+$0x0], $0xffff  }
0xf8: {  	v56 =	vld.idx.msk [tilespmem:v25+s28+$0x0], $0xffff  }
0xf9: {  	v58 =	vld.idx.msk [tilespmem:v27+s25+$0x0], $0xffff  }
0xfa: {  	v63 =	vld.idx.msk [tilespmem:v27+s28+$0x0], $0xffff  }
0xfb: {  	v60 =	vld.idx.msk [tilespmem:v48+s25+$0x0], $0xffff  }
0xfc: {  	v5 =	vld.idx.msk [tilespmem:v43+s25+$0x0], $0xffff  }
0xfd: {  	v20 =	vld.idx.msk [tilespmem:v3+s22+$0x0], $0xffff  }
0xfe: {  	v34 =	vld.idx.msk [tilespmem:v0+s25+$0x0], $0xffff  }
0xff: {  	v35 =	vld.idx.msk [tilespmem:v0+s28+$0x0], $0xffff;
	s10 =	spop (v2sf)  }
0x100: {  	[tilespmem:$0x1FF80] =	vst v2;
	v2 =	vld.idx.msk [tilespmem:v0+s22+$0x0], $0xffff;
	v0 =	vor.u32 s13, v62;
	s11 =	spop (v2sf)  }
0x101: {  	p0 =	slt.s32 s1, s19;
	v30 =	vld.idx.msk [tilespmem:v3+s25+$0x0], $0xffff;
	s10 =	sadd.f32 $6.000000240e-01, s10;
	s12 =	spop (v2sf)  }
0x102: {  	p1 =	slt.s32 s31, s19;
	v32 =	vld.idx.msk [tilespmem:v3+s28+$0x0], $0xffff;
	v1 =	vor.u32 s8, v7;
	s12 =	sadd.f32 $6.000000240e-01, s12;
	s16 =	spop (v2sf)  }
0x103: {  	s31 =	smov.u32 s9;
	v3 =	vsub.f32 v12, v6;
	v12 =	vld [tilespmem:$0x1FF70];
	s10 =	smax.f32 s10, $0.0e+00;
	s16 =	sadd.f32 $6.000000240e-01, s16  }
0x104: {  	v15 =	vld.idx.msk [tilespmem:v22+s22+$0x0], $0xffff;
	s11 =	sadd.f32 $6.000000240e-01, s11;
	s10 =	simm.s32 @!p0 $0x0;
	s1 =	smax.f32 s12, $0.0e+00  }
0x105: {  	v4 =	vor.u32 s17, v62;
	[tilespmem:$0x1FF90] =	vst v2;
	v2 =	vor.u32 s8, v62;
	v62 =	vsub.f32 v28, v31;
	v47 =	vld.idx.msk [tilespmem:v0+s25+$0x0], $0xffff;
	p0 =	slt.s32 s30, s19;
	s1 =	simm.s32 @!p1 $0x0;
	s9 =	smax.f32 s16, $0.0e+00  }
0x106: {  	v31 =	vsub.f32 v44, v40;
	v44 =	vsub.f32 v53, v51;
	v51 =	vld.idx.msk [tilespmem:v0+s28+$0x0], $0xffff;
	s8 =	smax.f32 s11, $0.0e+00;
	s10 =	sadd.f32 s1, s10;
	s9 =	simm.s32 @!p0 $0x0  }
0x107: {  	v21 =	vld.idx.msk [tilespmem:v1+s22+$0x0], $0xffff;
	s1 =	smov.u32 s2;
	p0 =	slt.s32 s23, s19;
	s2 =	sadd.s32 $0x4, s2  }
0x108: {  	v33 =	vld.idx.msk [tilespmem:v1+s25+$0x0], $0xffff;
	s8 =	simm.s32 @!p0 $0x0;
	p0 =	sne.s32 s0, s2  }
.Ltmp5:
0x109: {  	v36 =	vld.idx.msk [tilespmem:v1+s28+$0x0], $0xffff;
	s12 =	sadd.f32 s9, s10;
	(pc) =	sbr.rel @p0 .LBB2_4-.Ltmp5, $4  }
0x10a: {  	v1 =	vld.idx.msk [tilespmem:v48+s28+$0x0], $0xffff  }
0x10b: {  	v42 =	vld.idx.msk [tilespmem:v2+s22+$0x0], $0xffff;
	s16 =	sadd.f32 s8, s12  }
0x10c: {  	v61 =	vld.idx.msk [tilespmem:v2+s25+$0x0], $0xffff  }
0x10d: {  	v28 =	vsub.f32 v11, v10;
	v40 =	vsub.f32 v9, v8;
	v2 =	vld.idx.msk [tilespmem:v2+s28+$0x0], $0xffff;
	s30 =	smov.u32 s7;
	s23 =	smov.u32 s6;
	s21 =	sadd.f32 s16, s21  }
.LBB2_5:
0x10e: {  	_ =	sdelay $0x3  }
0x10f: {  	v6 =	vld.idx.msk [tilespmem:v4+s25+$0x0], $0xffff  }
0x110: {  	v9 =	vld.idx.msk [tilespmem:v4+s28+$0x0], $0xffff  }
0x111: {  	v29 =	vld.idx.msk [tilespmem:v29+s22+$0x0], $0xffff  }
0x112: {  	v55 =	vsub.f32 v56, v55;
	v56 =	vld.idx.msk [tilespmem:v49+s22+$0x0], $0xffff  }
0x113: {  	v7 =	vsub.f32 v35, v34;
	v8 =	vsub.f32 v32, v30;
	v0 =	vld.idx.msk [tilespmem:v0+s22+$0x0], $0xffff  }
0x114: {  	v10 =	vsub.f32 v45, v38;
	v11 =	vsub.f32 v36, v33;
	v45 =	vld [tilespmem:$0x1FFF0]  }
0x115: {  	v52 =	vsub.f32 v54, v52;
	v54 =	vsub.f32 v46, v41;
	v26 =	vld.idx.msk [tilespmem:v26+s22+$0x0], $0xffff  }
0x116: {  	v58 =	vsub.f32 v63, v58;
	v18 =	vmul.f32 v44, v18;
	v63 =	vld.idx.msk [tilespmem:v4+s22+$0x0], $0xffff;
	v3 =	vmul.f32 v3, v23  }
0x117: {  	v57 =	vsub.f32 v59, v57;
	v13 =	vmul.f32 v37, v13;
	v14 =	vmul.f32 v31, v14;
	v44 =	vld.idx.msk [tilespmem:v22+s25+$0x0], $0xffff  }
0x118: {  	v46 =	vld.idx.msk [tilespmem:v22+s28+$0x0], $0xffff;
	v1 =	vsub.f32 v1, v60;
	v12 =	vmul.f32 v62, v12;
	v3 =	vadd.f32 $0.0e+00, v3  }
0x119: {  	v60 =	vld.idx.msk [tilespmem:v48+s22+$0x0], $0xffff;
	v2 =	vsub.f32 v2, v61;
	v61 =	vsub.f32 v51, v47;
	v59 =	vor.u32 s17, v45  }
0x11a: {  	v6 =	vsub.f32 v9, v6;
	v9 =	vmul.f32 v39, v17;
	v17 =	vld.idx.msk [tilespmem:v25+s22+$0x0], $0xffff;
	v3 =	vadd.f32 v18, v3  }
0x11b: {  	v5 =	vsub.f32 v50, v5;
	v18 =	vld.idx.msk [tilespmem:v43+s22+$0x0], $0xffff;
	v43 =	vmul.f32 v57, v56;
	v2 =	vmul.f32 v2, v42  }
0x11c: {  	v47 =	vld.idx.msk [tilespmem:v24+s22+$0x0], $0xffff;
	v26 =	vmul.f32 v54, v26;
	v0 =	vmul.f32 v61, v0;
	v3 =	vadd.f32 v9, v3  }
0x11d: {  	v9 =	vmul.f32 v40, v19;
	v19 =	vld.idx.msk [tilespmem:v27+s22+$0x0], $0xffff;
	v4 =	vmul.f32 v6, v63;
	v2 =	vadd.f32 $0.0e+00, v2  }
0x11e: {  	v54 =	vld [tilespmem:$0x1FF90];
	v1 =	vmul.f32 v1, v60;
	v0 =	vadd.f32 $0.0e+00, v0;
	v3 =	vadd.f32 v14, v3  }
0x11f: {  	v8 =	vmul.f32 v8, v20;
	v4 =	vadd.f32 $0.0e+00, v4;
	v2 =	vadd.f32 v43, v2;
	v48 =	vld.idx.msk [tilespmem:v59+s25+$0x0], $0xffff  }
0x120: {  	v5 =	vmul.f32 v5, v18;
	v0 =	vadd.f32 v1, v0;
	v49 =	vmul.f32 v55, v17;
	v17 =	vld.idx.msk [tilespmem:v59+s28+$0x0], $0xffff  }
0x121: {  	v11 =	vmul.f32 v11, v21;
	v3 =	vadd.f32 v13, v3;
	v2 =	vadd.f32 v26, v2  }
0x122: {  	v57 =	vld [tilespmem:$0x1FF80];
	v4 =	vadd.f32 v5, v4;
	v50 =	vmul.f32 v58, v19;
	v0 =	vadd.f32 v49, v0  }
0x123: {  	v51 =	vmul.f32 v10, v29;
	v10 =	vld.idx.msk [tilespmem:v59+s22+$0x0], $0xffff;
	v3 =	vadd.f32 v12, v3;
	v2 =	vadd.f32 v11, v2  }
0x124: {  	v52 =	vmul.f32 v52, v47;
	v11 =	vsub.f32 v46, v44;
	v4 =	vadd.f32 v50, v4  }
0x125: {  	v1 =	vmul.f32 v7, v54;
	v0 =	vadd.f32 v51, v0;
	v56 =	vsub.f32 v17, v48  }
0x126: {  	v2 =	vadd.f32 v8, v2;
	v4 =	vadd.f32 v52, v4;
	v55 =	vmul.f32 v11, v15  }
0x127: {  	v0 =	vadd.f32 v1, v0;
	v1 =	vmul.f32 v28, v57  }
0x128: {  	(xrf2) =	vadd.scan.msk.f32 $0xffff, v3;
	v58 =	vmul.f32 v56, v10;
	v2 =	vadd.f32 v9, v2;
	v4 =	vadd.f32 v55, v4  }
0x129: {  	v0 =	vadd.f32 v1, v0  }
0x12a: {  	(xrf2) =	vadd.scan.msk.f32 $0xffff, v2;
	v59 =	vadd.f32 v58, v4  }
0x12b: {  	(xrf2) =	vadd.scan.msk.f32 $0xffff, v0  }
0x12c: {  	(xrf2) =	vadd.scan.msk.f32 $0xffff, v59;
	_ =	sdelay $0x5  }
0x12d: {  	v60, _, _ =	vpop (xrf2)  }
0x12e: {  	(v2sf) =	vpush v60, $0xF  }
0x12f: {  	v61, _, _ =	vpop (xrf2)  }
0x130: {  	v62, _, _ =	vpop (xrf2)  }
0x131: {  	(v2sf) =	vpush v61, $0xF;
	v63, _, _ =	vpop (xrf2)  }
0x132: {  	(v2sf) =	vpush v63, $0xF  }
0x133: {  	(v2sf) =	vpush v62, $0xF;
	_ =	sdelay $0x9  }
0x134: {  	s0 =	spop (v2sf)  }
0x135: {  	s0 =	sadd.f32 $6.000000240e-01, s0;
	_ =	sdelay $0x1  }
0x136: {  	s0 =	smax.f32 s0, $0.0e+00;
	s2 =	spop (v2sf)  }
0x137: {  	p0 =	slt.s32 s1, s19;
	s16 =	sadd.f32 $6.000000240e-01, s2;
	s6 =	spop (v2sf)  }
0x138: {  	s0 =	simm.s32 @!p0 $0x0;
	s6 =	sadd.f32 $6.000000240e-01, s6;
	s7 =	spop (v2sf)  }
0x139: {  	p0 =	sgt.s32 s19, $0x7D;
	s17 =	sadd.f32 $6.000000240e-01, s7;
	s7 =	smov.u32 s19  }
0x13a: {  	p1 =	slt.s32 s31, s19;
	p5 =	slt.u32 s20, $0x7E;
	s7 =	simm.s32 @!p0 $0x7D  }
0x13b: {  	s1 =	smax.f32 s16, $0.0e+00;
	s2 =	smax.f32 s6, $0.0e+00;
	s31 =	sadd.s32 $0xFFFFFF83, s7  }
0x13c: {  	p0 =	slt.s32 s30, s19;
	s2 =	simm.s32 @!p1 $0x0;
	s7 =	sand.u32 $0x3, s31  }
0x13d: {  	s6 =	smax.f32 s17, $0.0e+00;
	s0 =	sadd.f32 s2, s0;
	p6 =	sne.s32 s7, $0x0  }
0x13e: {  	p1 =	slt.s32 s23, s19;
	s6 =	simm.s32 @!p0 $0x0;
	p0 =	por !p5, !p6  }
0x13f: {  	s0 =	sadd.f32 s6, s0;
	s6 =	simm.s32 $0x1;
	p0 =	por !p0, !p0  }
0x140: {  	s1 =	simm.s32 @!p1 $0x0;
	s2 =	sshrl.u32 s31, $0x2;
	s6 =	simm.s32 @!p0 $0x0  }
0x141: {  	s1 =	sadd.f32 s1, s0;
	s0 =	ssub.s32 s2, s6  }
0x142: {  	p0 =	slt.s32 s0, $0x1  }
.Ltmp6:
0x143: {  	_ = 	snop;
	(pc) =	sbr.rel @p0 .LBB2_6-.Ltmp6, $3  }
0x144: {  	v53 =	vld [tilespmem:$0x1FFD0];
	_ =	sdelay $0x1  }
0x145: {  	s20 =	sadd.f32 s1, s21  }
0x146: {  	v11 =	vmov v45  }
0x147: {  	s1 =	simm.s32 $0x0  }
0x148: {  	v0 =	vor.u32 s1, v11;
	_ =	sdelay $0x2  }
0x149: {  	v9 =	vld [tilespmem:$0x1FFC0];
	v2 =	vor.u32 s1, v53  }
0x14a: {  	v28 =	vld [tilespmem:$0x1FFB0]  }
0x14b: {  	s6 =	simm.s32 $0x100;
	v12 =	vld.idx.msk [tilespmem:v0+s24+$0x0], $0xffff  }
0x14c: {  	v4 =	vor.u32 s6, v11;
	v5 =	vld.idx.msk [tilespmem:v0+s26+$0x0], $0xffff  }
0x14d: {  	s31 =	simm.s32 $0x180;
	v30 =	vld.idx.msk [tilespmem:v0+s29+$0x0], $0xffff  }
0x14e: {  	v25 =	vor.u32 s31, v53;
	v14 =	vld.idx.msk [tilespmem:v2+s24+$0x0], $0xffff  }
0x14f: {  	v47 =	vld.idx.msk [tilespmem:v2+s26+$0x0], $0xffff  }
0x150: {  	v10 =	vld.idx.msk [tilespmem:v2+s29+$0x0], $0xffff  }
0x151: {  	v29 =	vor.u32 s6, v53;
	v6 =	vld.idx.msk [tilespmem:v4+s24+$0x0], $0xffff  }
0x152: {  	s2 =	simm.s32 $0x80;
	v61 =	vld.idx.msk [tilespmem:v4+s26+$0x0], $0xffff  }
0x153: {  	v24 =	vor.u32 s2, v53;
	v21 =	vld.idx.msk [tilespmem:v25+s24+$0x0], $0xffff  }
0x154: {  	v36 =	vmov v16;
	v33 =	vld.idx.msk [tilespmem:v25+s26+$0x0], $0xffff  }
0x155: {  	v51 =	vor.u32 s31, v36;
	v37 =	vld.idx.msk [tilespmem:v25+s29+$0x0], $0xffff  }
0x156: {  	v41 =	vld.idx.msk [tilespmem:v29+s26+$0x0], $0xffff  }
0x157: {  	v50 =	vor.u32 s6, v36;
	v46 =	vld.idx.msk [tilespmem:v29+s29+$0x0], $0xffff  }
0x158: {  	v1 =	vor.u32 s1, v9;
	v53 =	vld.idx.msk [tilespmem:v24+s26+$0x0], $0xffff  }
0x159: {  	v54 =	vld.idx.msk [tilespmem:v24+s29+$0x0], $0xffff  }
0x15a: {  	v57 =	vld.idx.msk [tilespmem:v51+s26+$0x0], $0xffff  }
0x15b: {  	v3 =	vor.u32 s1, v28;
	v59 =	vld.idx.msk [tilespmem:v51+s29+$0x0], $0xffff  }
0x15c: {  	v63 =	vld.idx.msk [tilespmem:v50+s29+$0x0], $0xffff  }
0x15d: {  	v13 =	vld.idx.msk [tilespmem:v1+s24+$0x0], $0xffff  }
0x15e: {  	v22 =	vor.u32 s2, v9;
	v45 =	vld.idx.msk [tilespmem:v1+s26+$0x0], $0xffff  }
0x15f: {  	v27 =	vor.u32 s31, v28;
	v8 =	vld.idx.msk [tilespmem:v1+s29+$0x0], $0xffff  }
0x160: {  	v17 =	vld.idx.msk [tilespmem:v3+s24+$0x0], $0xffff  }
0x161: {  	v0 =	vor.u32 s1, v16;
	v26 =	vld.idx.msk [tilespmem:v3+s26+$0x0], $0xffff  }
0x162: {  	v3 =	vld.idx.msk [tilespmem:v3+s29+$0x0], $0xffff  }
0x163: {  	v16 =	vld.idx.msk [tilespmem:v22+s24+$0x0], $0xffff  }
0x164: {  	v2 =	vor.u32 s31, v11;
	v42 =	vld.idx.msk [tilespmem:v27+s26+$0x0], $0xffff  }
0x165: {  	v49 =	vld.idx.msk [tilespmem:v27+s29+$0x0], $0xffff  }
0x166: {  	v18 =	vld.idx.msk [tilespmem:v0+s24+$0x0], $0xffff  }
0x167: {  	v25 =	vor.u32 s6, v28;
	v38 =	vld.idx.msk [tilespmem:v0+s26+$0x0], $0xffff  }
0x168: {  	v39 =	vld.idx.msk [tilespmem:v0+s29+$0x0], $0xffff  }
0x169: {  	v28 =	vor.u32 s2, v28;
	v19 =	vld.idx.msk [tilespmem:v2+s24+$0x0], $0xffff  }
0x16a: {  	v52 =	vld.idx.msk [tilespmem:v2+s26+$0x0], $0xffff  }
0x16b: {  	v44 =	vor.u32 s2, v36;
	[tilespmem:$0x1FF60] =	vst v6;
	v6 =	vld.idx.msk [tilespmem:v2+s29+$0x0], $0xffff  }
0x16c: {  	v7 =	vlaneseq.u32;
	v55 =	vld.idx.msk [tilespmem:v25+s26+$0x0], $0xffff  }
0x16d: {  	v1 =	vor.u32 s1, v7;
	v56 =	vld.idx.msk [tilespmem:v25+s29+$0x0], $0xffff  }
0x16e: {  	v58 =	vld.idx.msk [tilespmem:v28+s26+$0x0], $0xffff  }
0x16f: {  	v2 =	vld.idx.msk [tilespmem:v28+s29+$0x0], $0xffff  }
0x170: {  	v60 =	vsub.f32 v30, v5;
	v5 =	vld.idx.msk [tilespmem:v44+s26+$0x0], $0xffff  }
0x171: {  	v0 =	vor.u32 s31, v9;
	v30 =	vsub.f32 v10, v47;
	v47 =	vld.idx.msk [tilespmem:v44+s29+$0x0], $0xffff  }
0x172: {  	v23 =	vld.idx.msk [tilespmem:v1+s24+$0x0], $0xffff  }
0x173: {  	v40 =	vld.idx.msk [tilespmem:v1+s26+$0x0], $0xffff  }
0x174: {  	v48 =	vld.idx.msk [tilespmem:v1+s29+$0x0], $0xffff  }
0x175: {  	v1 =	vor.u32 s6, v9;
	v9 =	vld.idx.msk [tilespmem:v4+s29+$0x0], $0xffff  }
0x176: {  	v20 =	vld.idx.msk [tilespmem:v0+s24+$0x0], $0xffff  }
0x177: {  	v31 =	vld.idx.msk [tilespmem:v0+s26+$0x0], $0xffff  }
0x178: {  	v4 =	vor.u32 s31, v7;
	v32 =	vld.idx.msk [tilespmem:v0+s29+$0x0], $0xffff  }
0x179: {  	v0 =	vld.idx.msk [tilespmem:v50+s26+$0x0], $0xffff  }
0x17a: {  	s0 =	ssub.s32 $0x0, s0;
	v15 =	vld.idx.msk [tilespmem:v1+s24+$0x0], $0xffff  }
0x17b: {  	v62 =	vor.u32 s6, v7;
	s0 =	sadd.s32 $0x1, s0;
	v34 =	vld.idx.msk [tilespmem:v1+s26+$0x0], $0xffff  }
0x17c: {  	p0 =	seq.s32 s0, $0x0;
	v36 =	vsub.f32 v8, v45;
	v35 =	vld.idx.msk [tilespmem:v1+s29+$0x0], $0xffff  }
.Ltmp7:
0x17d: {  	v45 =	vsub.f32 v3, v26;
	v43 =	vld.idx.msk [tilespmem:v4+s24+$0x0], $0xffff;
	v26 =	vsub.f32 v9, v61;
	v61 =	vor.u32 s2, v7;
	(pc) =	sbr.rel @p0 .LBB2_9-.Ltmp7, $4  }
0x17e: {  	v1 =	vld.idx.msk [tilespmem:v4+s26+$0x0], $0xffff  }
0x17f: {  	v4 =	vld.idx.msk [tilespmem:v4+s29+$0x0], $0xffff  }
0x180: {  	v3 =	vsub.f32 v48, v40;
	v40 =	vld.idx.msk [tilespmem:v62+s26+$0x0], $0xffff  }
0x181: {  	s21 =	simm.s32 $0x0;
	s1 =	simm.s32 $0x4;
	v39 =	vsub.f32 v39, v38;
	v38 =	vsub.f32 v6, v52;
	v48 =	vld.idx.msk [tilespmem:v62+s29+$0x0], $0xffff  }
.LBB2_8:
0x182: {  	v6 =	vld.idx.msk [tilespmem:v61+s26+$0x0], $0xffff  }
0x183: {  	v52 =	vld [tilespmem:$0x1FFF0]  }
0x184: {  	v10 =	vld.idx.msk [tilespmem:v61+s29+$0x0], $0xffff  }
0x185: {  	v11 =	vld [tilespmem:$0x1FFC0]  }
0x186: {  	v29 =	vld.idx.msk [tilespmem:v29+s24+$0x0], $0xffff  }
0x187: {  	v3 =	vmul.f32 v3, v23;
	v23 =	vld.idx.msk [tilespmem:v62+s24+$0x0], $0xffff  }
0x188: {  	v60 =	vmul.f32 v60, v12;
	v12 =	vld.idx.msk [tilespmem:v61+s24+$0x0], $0xffff  }
0x189: {  	v61 =	vmul.f32 v45, v17;
	v17 =	vld.idx.msk [tilespmem:v25+s24+$0x0], $0xffff  }
0x18a: {  	v62 =	vld.idx.msk [tilespmem:v22+s26+$0x0], $0xffff;
	v7 =	vsub.f32 v35, v34  }
0x18b: {  	v34 =	vsub.f32 v54, v53;
	v53 =	vsub.f32 v49, v42;
	v49 =	vld [tilespmem:$0x1FFD0]  }
0x18c: {  	v8 =	vsub.f32 v32, v31;
	v55 =	vsub.f32 v56, v55;
	v56 =	vld.idx.msk [tilespmem:v51+s24+$0x0], $0xffff  }
0x18d: {  	v18 =	vmul.f32 v39, v18;
	v3 =	vadd.f32 $0.0e+00, v3;
	v1 =	vsub.f32 v4, v1;
	v4 =	vld.idx.msk [tilespmem:v27+s24+$0x0], $0xffff  }
0x18e: {  	v31 =	vsub.f32 v46, v41;
	v57 =	vsub.f32 v59, v57;
	v59 =	vld.idx.msk [tilespmem:v50+s24+$0x0], $0xffff  }
0x18f: {  	s17 =	sshll.u32 s1, $0x7;
	v8 =	vmul.f32 v8, v20;
	v27 =	vsub.f32 v48, v40;
	v3 =	vadd.f32 v18, v3;
	v18 =	vld.idx.msk [tilespmem:v44+s24+$0x0], $0xffff  }
0x190: {  	v32 =	vsub.f32 v37, v33;
	v2 =	vsub.f32 v2, v58;
	v9 =	vor.u32 s17, v52;
	v44 =	vld [tilespmem:$0x1FFE0]  }
0x191: {  	v14 =	vmul.f32 v30, v14;
	v23 =	vmul.f32 v27, v23;
	v27 =	vld.idx.msk [tilespmem:v28+s24+$0x0], $0xffff;
	v3 =	vadd.f32 v61, v3  }
0x192: {  	v0 =	vsub.f32 v63, v0;
	v5 =	vsub.f32 v47, v5;
	v33 =	vor.u32 s17, v11;
	v28 =	vld [tilespmem:$0x1FFB0]  }
0x193: {  	v6 =	vsub.f32 v10, v6;
	v1 =	vmul.f32 v1, v43;
	v3 =	vadd.f32 v14, v3;
	v14 =	vld.idx.msk [tilespmem:v22+s29+$0x0], $0xffff  }
0x194: {  	v13 =	vmul.f32 v36, v13;
	v19 =	vmul.f32 v38, v19;
	v58 =	vor.u32 s2, v52;
	v22 =	vld.idx.msk [tilespmem:v24+s24+$0x0], $0xffff  }
0x195: {  	v6 =	vmul.f32 v6, v12;
	v1 =	vadd.f32 $0.0e+00, v1;
	v25 =	vmul.f32 v57, v56;
	v12 =	vld.idx.msk [tilespmem:v9+s24+$0x0], $0xffff  }
0x196: {  	v20 =	vadd.f32 $0.0e+00, v23;
	v54 =	vor.u32 s17, v49;
	v0 =	vmul.f32 v0, v59;
	v30 =	vld.idx.msk [tilespmem:v9+s26+$0x0], $0xffff  }
0x197: {  	v4 =	vmul.f32 v53, v4;
	v6 =	vadd.f32 $0.0e+00, v6;
	v36 =	vld.idx.msk [tilespmem:v33+s26+$0x0], $0xffff;
	v1 =	vadd.f32 v25, v1  }
0x198: {  	v5 =	vmul.f32 v5, v18;
	v38 =	vld.idx.msk [tilespmem:v33+s29+$0x0], $0xffff;
	v3 =	vadd.f32 v13, v3;
	v0 =	vadd.f32 v0, v20  }
0x199: {  	v13 =	vmul.f32 v55, v17;
	v17 =	vld.idx.msk [tilespmem:v58+s29+$0x0], $0xffff;
	v1 =	vadd.f32 v4, v1;
	v4 =	vmul.f32 v32, v21  }
0x19a: {  	v5 =	vadd.f32 v5, v6;
	v6 =	vld.idx.msk [tilespmem:v58+s24+$0x0], $0xffff  }
0x19b: {  	s2 =	sadd.s32 $0x80, s17;
	v21 =	vld.idx.msk [tilespmem:v58+s26+$0x0], $0xffff;
	v0 =	vadd.f32 v13, v0;
	v1 =	vadd.f32 v4, v1;
	v4 =	vmul.f32 v31, v29  }
0x19c: {  	v24 =	vor.u32 s2, v49;
	v13 =	vld.idx.msk [tilespmem:v33+s24+$0x0], $0xffff  }
0x19d: {  	s6 =	sadd.s32 $0x180, s17;
	v63 =	vsub.f32 v14, v62;
	v14 =	vld.idx.msk [tilespmem:v54+s24+$0x0], $0xffff;
	v0 =	vadd.f32 v4, v0;
	v4 =	vmul.f32 v7, v15  }
0x19e: {  	v51 =	vor.u32 s6, v44;
	v2 =	vmul.f32 v2, v27;
	v3 =	vadd.f32 v60, v3;
	v39 =	vld.idx.msk [tilespmem:v54+s26+$0x0], $0xffff  }
0x19f: {  	v0 =	vadd.f32 v4, v0;
	v4 =	vld [tilespmem:$0x1FF60]  }
0x1a0: {  	s13 =	sadd.s32 $0x100, s17;
	v27 =	vor.u32 s6, v28;
	v2 =	vadd.f32 v2, v5;
	v40 =	vld.idx.msk [tilespmem:v54+s29+$0x0], $0xffff;
	(xrf2) =	vadd.scan.msk.f32 $0xffff, v3;
	v3 =	vmul.f32 v34, v22  }
0x1a1: {  	v25 =	vor.u32 s13, v28;
	v53 =	vld.idx.msk [tilespmem:v24+s26+$0x0], $0xffff;
	v1 =	vadd.f32 v8, v1  }
0x1a2: {  	v50 =	vor.u32 s13, v44;
	v54 =	vld.idx.msk [tilespmem:v24+s29+$0x0], $0xffff;
	v2 =	vadd.f32 v3, v2  }
0x1a3: {  	v57 =	vld.idx.msk [tilespmem:v51+s26+$0x0], $0xffff;
	v3 =	vmul.f32 v63, v16;
	v7 =	vsub.f32 v17, v21;
	v1 =	vadd.f32 v19, v1  }
0x1a4: {  	v5 =	vor.u32 s17, v28;
	v59 =	vld.idx.msk [tilespmem:v51+s29+$0x0], $0xffff;
	v4 =	vmul.f32 v26, v4  }
0x1a5: {  	v42 =	vld.idx.msk [tilespmem:v27+s26+$0x0], $0xffff;
	(xrf2) =	vadd.scan.msk.f32 $0xffff, v1;
	v1 =	vadd.f32 v3, v2;
	v2 =	vmul.f32 v7, v6  }
0x1a6: {  	v55 =	vld.idx.msk [tilespmem:v25+s26+$0x0], $0xffff;
	v0 =	vadd.f32 v4, v0  }
0x1a7: {  	v28 =	vor.u32 s2, v28;
	v56 =	vld.idx.msk [tilespmem:v25+s29+$0x0], $0xffff;
	v2 =	vadd.f32 v2, v1  }
0x1a8: {  	v22 =	vor.u32 s2, v11;
	v63 =	vld.idx.msk [tilespmem:v50+s29+$0x0], $0xffff;
	(xrf2) =	vadd.scan.msk.f32 $0xffff, v0  }
0x1a9: {  	v29 =	vor.u32 s13, v49;
	v17 =	vld.idx.msk [tilespmem:v5+s24+$0x0], $0xffff;
	(xrf2) =	vadd.scan.msk.f32 $0xffff, v2  }
0x1aa: {  	v45 =	vld.idx.msk [tilespmem:v5+s26+$0x0], $0xffff  }
0x1ab: {  	v60 =	vlaneseq.u32;
	v47 =	vld.idx.msk [tilespmem:v5+s29+$0x0], $0xffff;
	v3 =	vor.u32 s17, v44  }
0x1ac: {  	v58 =	vld.idx.msk [tilespmem:v28+s26+$0x0], $0xffff;
	v1 =	vor.u32 s17, v60  }
0x1ad: {  	v16 =	vld.idx.msk [tilespmem:v22+s24+$0x0], $0xffff  }
0x1ae: {  	v41 =	vld.idx.msk [tilespmem:v29+s26+$0x0], $0xffff  }
0x1af: {  	v46 =	vld.idx.msk [tilespmem:v29+s29+$0x0], $0xffff  }
0x1b0: {  	v18 =	vld.idx.msk [tilespmem:v3+s24+$0x0], $0xffff;
	v0, _, _ =	vpop (xrf2)  }
0x1b1: {  	v23 =	vld.idx.msk [tilespmem:v1+s24+$0x0], $0xffff;
	v2, _, _ =	vpop (xrf2)  }
0x1b2: {  	v5 =	vor.u32 s13, v52;
	v7 =	vld.idx.msk [tilespmem:v1+s26+$0x0], $0xffff;
	(v2sf) =	vpush v0, $0xF;
	v6, _, _ =	vpop (xrf2)  }
0x1b3: {  	v44 =	vor.u32 s2, v44;
	v8 =	vld.idx.msk [tilespmem:v1+s29+$0x0], $0xffff;
	(v2sf) =	vpush v2, $0xF;
	v1, _, _ =	vpop (xrf2)  }
0x1b4: {  	v4 =	vor.u32 s6, v52;
	v48 =	vld.idx.msk [tilespmem:v3+s26+$0x0], $0xffff;
	(v2sf) =	vpush v1, $0xF  }
0x1b5: {  	v52 =	vld.idx.msk [tilespmem:v3+s29+$0x0], $0xffff;
	v3 =	vor.u32 s6, v11  }
0x1b6: {  	v26 =	vld.idx.msk [tilespmem:v9+s29+$0x0], $0xffff;
	(v2sf) =	vpush v6, $0xF  }
0x1b7: {  	v10 =	vld.idx.msk [tilespmem:v5+s26+$0x0], $0xffff  }
0x1b8: {  	v45 =	vsub.f32 v47, v45;
	v47 =	vld.idx.msk [tilespmem:v44+s29+$0x0], $0xffff  }
0x1b9: {  	v19 =	vld.idx.msk [tilespmem:v4+s24+$0x0], $0xffff  }
0x1ba: {  	v62 =	vor.u32 s13, v60;
	v20 =	vld.idx.msk [tilespmem:v3+s24+$0x0], $0xffff  }
0x1bb: {  	v9 =	vld.idx.msk [tilespmem:v4+s29+$0x0], $0xffff  }
0x1bc: {  	v0 =	vor.u32 s13, v11;
	v11 =	vld.idx.msk [tilespmem:v5+s29+$0x0], $0xffff  }
0x1bd: {  	v31 =	vld.idx.msk [tilespmem:v3+s26+$0x0], $0xffff  }
0x1be: {  	v61 =	vor.u32 s2, v60;
	v32 =	vld.idx.msk [tilespmem:v3+s29+$0x0], $0xffff  }
0x1bf: {  	v3 =	vor.u32 s6, v60;
	v60 =	vsub.f32 v26, v30;
	v30 =	vsub.f32 v40, v39;
	v40 =	vld.idx.msk [tilespmem:v62+s26+$0x0], $0xffff  }
0x1c0: {  	v39 =	vsub.f32 v52, v48;
	v48 =	vld.idx.msk [tilespmem:v62+s29+$0x0], $0xffff  }
0x1c1: {  	v2 =	vld.idx.msk [tilespmem:v5+s24+$0x0], $0xffff;
	s7 =	spop (v2sf)  }
0x1c2: {  	s10 =	sadd.s32 $0x80, s21;
	s23 =	sadd.s32 $0x82, s21;
	v5 =	vld.idx.msk [tilespmem:v44+s26+$0x0], $0xffff;
	s8 =	spop (v2sf)  }
0x1c3: {  	s30 =	sadd.s32 $0x83, s21;
	v15 =	vld.idx.msk [tilespmem:v0+s24+$0x0], $0xffff;
	s7 =	sadd.f32 $6.000000240e-01, s7;
	s9 =	spop (v2sf)  }
0x1c4: {  	s0 =	sadd.s32 $0x1, s0;
	p0 =	slt.s32 s10, s19;
	v34 =	vld.idx.msk [tilespmem:v0+s26+$0x0], $0xffff;
	s9 =	sadd.f32 $6.000000240e-01, s9  }
0x1c5: {  	s17 =	sadd.s32 $0x81, s21;
	v35 =	vld.idx.msk [tilespmem:v0+s29+$0x0], $0xffff;
	s7 =	smax.f32 s7, $0.0e+00;
	s11 =	spop (v2sf)  }
0x1c6: {  	p1 =	slt.s32 s17, s19;
	v43 =	vld.idx.msk [tilespmem:v3+s24+$0x0], $0xffff;
	s11 =	sadd.f32 $6.000000240e-01, s11;
	s9 =	smax.f32 s9, $0.0e+00  }
0x1c7: {  	v0 =	vld.idx.msk [tilespmem:v50+s26+$0x0], $0xffff;
	v1 =	vor.u32 s6, v49;
	s8 =	sadd.f32 $6.000000240e-01, s8;
	s7 =	simm.s32 @!p0 $0x0;
	s9 =	simm.s32 @!p1 $0x0  }
0x1c8: {  	[tilespmem:$0x1FF60] =	vst v2;
	v2 =	vld.idx.msk [tilespmem:v28+s29+$0x0], $0xffff;
	p0 =	slt.s32 s23, s19;
	s7 =	sadd.f32 s9, s7;
	s9 =	smax.f32 s11, $0.0e+00  }
0x1c9: {  	v49 =	vld.idx.msk [tilespmem:v27+s29+$0x0], $0xffff;
	s8 =	smax.f32 s8, $0.0e+00;
	s9 =	simm.s32 @!p0 $0x0;
	p0 =	slt.s32 s30, s19  }
0x1ca: {  	v6 =	vld.idx.msk [tilespmem:v4+s26+$0x0], $0xffff;
	s8 =	simm.s32 @!p0 $0x0;
	p0 =	seq.s32 s0, $0x0  }
.Ltmp8:
0x1cb: {  	v4 =	vld.idx.msk [tilespmem:v3+s29+$0x0], $0xffff;
	s7 =	sadd.f32 s9, s7;
	(pc) =	sbr.rel @!p0 .LBB2_8-.Ltmp8, $4  }
0x1cc: {  	v21 =	vld.idx.msk [tilespmem:v1+s24+$0x0], $0xffff  }
0x1cd: {  	v33 =	vld.idx.msk [tilespmem:v1+s26+$0x0], $0xffff;
	s31 =	sadd.f32 s8, s7  }
0x1ce: {  	v36 =	vsub.f32 v38, v36;
	v26 =	vsub.f32 v11, v10;
	v37 =	vld.idx.msk [tilespmem:v1+s29+$0x0], $0xffff  }
0x1cf: {  	s21 =	smov.u32 s1;
	s1 =	sadd.s32 $0x4, s1;
	v1 =	vld.idx.msk [tilespmem:v3+s26+$0x0], $0xffff;
	v3 =	vsub.f32 v8, v7;
	v38 =	vsub.f32 v9, v6;
	s20 =	sadd.f32 s31, s20  }
.LBB2_9:
0x1d0: {  	_ =	sdelay $0x3  }
0x1d1: {  	v6 =	vld.idx.msk [tilespmem:v61+s26+$0x0], $0xffff  }
0x1d2: {  	v9 =	vld.idx.msk [tilespmem:v61+s29+$0x0], $0xffff  }
0x1d3: {  	v62 =	vld.idx.msk [tilespmem:v62+s24+$0x0], $0xffff  }
0x1d4: {  	v27 =	vld.idx.msk [tilespmem:v27+s24+$0x0], $0xffff  }
0x1d5: {  	v8 =	vsub.f32 v32, v31;
	v10 =	vsub.f32 v46, v41;
	v41 =	vld [tilespmem:$0x1FFF0]  }
0x1d6: {  	v31 =	vsub.f32 v54, v53;
	v54 =	vsub.f32 v49, v42;
	v49 =	vld.idx.msk [tilespmem:v25+s24+$0x0], $0xffff  }
0x1d7: {  	v7 =	vsub.f32 v35, v34;
	v1 =	vsub.f32 v4, v1;
	v4 =	vld.idx.msk [tilespmem:v50+s24+$0x0], $0xffff  }
0x1d8: {  	v5 =	vsub.f32 v47, v5;
	v47 =	vsub.f32 v48, v40;
	v48 =	vld.idx.msk [tilespmem:v61+s24+$0x0], $0xffff  }
0x1d9: {  	v59 =	vsub.f32 v59, v57;
	v2 =	vsub.f32 v2, v58;
	v53 =	vld.idx.msk [tilespmem:v28+s24+$0x0], $0xffff  }
0x1da: {  	v0 =	vsub.f32 v63, v0;
	v3 =	vmul.f32 v3, v23;
	v11 =	vsub.f32 v37, v33;
	v50 =	vld.idx.msk [tilespmem:v44+s24+$0x0], $0xffff  }
0x1db: {  	v33 =	vsub.f32 v56, v55;
	v56 =	vld.idx.msk [tilespmem:v51+s24+$0x0], $0xffff;
	v6 =	vsub.f32 v9, v6;
	v23 =	vmul.f32 v47, v62  }
0x1dc: {  	v29 =	vld.idx.msk [tilespmem:v29+s24+$0x0], $0xffff;
	v18 =	vmul.f32 v39, v18;
	v46 =	vor.u32 s2, v41;
	v27 =	vmul.f32 v54, v27  }
0x1dd: {  	v55 =	vadd.f32 $0.0e+00, v23;
	v6 =	vmul.f32 v6, v48;
	v0 =	vmul.f32 v0, v4  }
0x1de: {  	v3 =	vadd.f32 $0.0e+00, v3;
	v57 =	vmul.f32 v33, v49;
	v1 =	vmul.f32 v1, v43  }
0x1df: {  	v52 =	vld.idx.msk [tilespmem:v22+s26+$0x0], $0xffff;
	v5 =	vmul.f32 v5, v50;
	v6 =	vadd.f32 $0.0e+00, v6;
	v0 =	vadd.f32 v0, v55  }
0x1e0: {  	v54 =	vld.idx.msk [tilespmem:v22+s29+$0x0], $0xffff;
	v2 =	vmul.f32 v2, v53;
	v1 =	vadd.f32 $0.0e+00, v1;
	v51 =	vmul.f32 v59, v56  }
0x1e1: {  	v4 =	vld.idx.msk [tilespmem:v24+s24+$0x0], $0xffff;
	v5 =	vadd.f32 v5, v6;
	v0 =	vadd.f32 v57, v0;
	v6 =	vmul.f32 v10, v29  }
0x1e2: {  	v9 =	vmul.f32 v45, v17;
	v3 =	vadd.f32 v18, v3;
	v1 =	vadd.f32 v51, v1;
	v56 =	vld.idx.msk [tilespmem:v46+s26+$0x0], $0xffff  }
0x1e3: {  	v58 =	vld.idx.msk [tilespmem:v46+s29+$0x0], $0xffff;
	v2 =	vadd.f32 v2, v5;
	v0 =	vadd.f32 v6, v0;
	v5 =	vmul.f32 v7, v15  }
0x1e4: {  	v12 =	vmul.f32 v60, v12;
	v14 =	vmul.f32 v30, v14;
	v3 =	vadd.f32 v9, v3  }
0x1e5: {  	v11 =	vmul.f32 v11, v21;
	v1 =	vadd.f32 v27, v1;
	v0 =	vadd.f32 v5, v0;
	v5 =	vld [tilespmem:$0x1FF60]  }
0x1e6: {  	v13 =	vmul.f32 v36, v13;
	v8 =	vmul.f32 v8, v20;
	v3 =	vadd.f32 v14, v3;
	v10 =	vld.idx.msk [tilespmem:v46+s24+$0x0], $0xffff  }
0x1e7: {  	v1 =	vadd.f32 v11, v1;
	v11 =	vsub.f32 v54, v52;
	v4 =	vmul.f32 v31, v4  }
0x1e8: {  	v9 =	vmul.f32 v38, v19;
	v3 =	vadd.f32 v13, v3;
	v6 =	vsub.f32 v58, v56  }
0x1e9: {  	v1 =	vadd.f32 v8, v1;
	v2 =	vadd.f32 v4, v2;
	v4 =	vmul.f32 v11, v16  }
0x1ea: {  	v3 =	vadd.f32 v12, v3;
	v5 =	vmul.f32 v26, v5  }
0x1eb: {  	v1 =	vadd.f32 v9, v1;
	v2 =	vadd.f32 v4, v2;
	v4 =	vmul.f32 v6, v10  }
0x1ec: {  	(xrf2) =	vadd.scan.msk.f32 $0xffff, v3;
	v0 =	vadd.f32 v5, v0  }
0x1ed: {  	(xrf2) =	vadd.scan.msk.f32 $0xffff, v1;
	v59 =	vadd.f32 v4, v2  }
0x1ee: {  	(xrf2) =	vadd.scan.msk.f32 $0xffff, v0  }
0x1ef: {  	(xrf2) =	vadd.scan.msk.f32 $0xffff, v59;
	_ =	sdelay $0x6  }
0x1f0: {  	v60, _, _ =	vpop (xrf2)  }
0x1f1: {  	v61, _, _ =	vpop (xrf2)  }
0x1f2: {  	(v2sf) =	vpush v60, $0xF;
	v62, _, _ =	vpop (xrf2)  }
0x1f3: {  	(v2sf) =	vpush v61, $0xF;
	v63, _, _ =	vpop (xrf2)  }
0x1f4: {  	(v2sf) =	vpush v63, $0xF;
	_ =	sdelay $0x1  }
0x1f5: {  	(v2sf) =	vpush v62, $0xF;
	_ =	sdelay $0xa  }
0x1f6: {  	s0 =	spop (v2sf)  }
0x1f7: {  	s1 =	spop (v2sf)  }
0x1f8: {  	s6 =	sadd.s32 $0x80, s21;
	s0 =	sadd.f32 $6.000000240e-01, s0;
	s17 =	spop (v2sf)  }
0x1f9: {  	s23 =	sadd.s32 $0x81, s21;
	s30 =	sadd.s32 $0x82, s21;
	s2 =	sadd.f32 $6.000000240e-01, s17  }
0x1fa: {  	p0 =	slt.s32 s6, s19;
	s0 =	smax.f32 s0, $0.0e+00;
	s7 =	spop (v2sf)  }
0x1fb: {  	p1 =	slt.s32 s23, s19;
	s7 =	sadd.f32 $6.000000240e-01, s7;
	s2 =	smax.f32 s2, $0.0e+00  }
0x1fc: {  	s0 =	simm.s32 @!p0 $0x0;
	s1 =	sadd.f32 $6.000000240e-01, s1;
	s2 =	simm.s32 @!p1 $0x0  }
0x1fd: {  	p0 =	slt.s32 s30, s19;
	s0 =	sadd.f32 s2, s0;
	s2 =	smax.f32 s7, $0.0e+00  }
0x1fe: {  	s31 =	sadd.s32 $0x83, s21;
	s2 =	simm.s32 @!p0 $0x0  }
0x1ff: {  	s1 =	smax.f32 s1, $0.0e+00;
	p0 =	slt.s32 s31, s19;
	s0 =	sadd.f32 s2, s0  }
.Ltmp9:
0x200: {  	s1 =	simm.s32 @!p0 $0x0;
	(pc) =	sbr.rel .LBB2_10-.Ltmp9, $4  }
0x201: {  	v7 =	vld [tilespmem:$0x1FFB0];
	s0 =	sadd.f32 s1, s0  }
0x202: {  	v8 =	vld [tilespmem:$0x1FFD0]  }
0x203: {  	s8 =	simm.s32 $0x480;
	s9 =	simm.s32 $0x500;
	v9 =	vld [tilespmem:$0x1FFC0];
	s20 =	sadd.f32 s0, s20  }
0x204: {  	s10 =	simm.s32 $0x580;
	s11 =	simm.s32 $0x600;
	s12 =	simm.s32 $0x680;
	v11 =	vmov v41;
	v6 =	vld [tilespmem:$0x1FFE0]  }
.LBB2_12:
0x205: {  	_ =	sfence.sel $0x180000  }
0x206: {  	[bflag:$0x0] =	sbarrier.arrive $0xFFFF  }
0x207: {  	_ =	strace $0x9000004A  }
0x208: {  	s0 =	stileid.u32;
	[bflag:$0x2] =	sbarrier.arrive $0xFFFF  }
0x209: {  	p0 =	sne.s32 s0, $0x0;
	s0 =	rddreg [dreg:$0x2]  }
0x20a: {  	s0 =	sadd.s32 @!p0 $0x100000, s0  }
0x20b: {  	[sflag:s0] =	ssyncadd.tile.s32 @!p0 $0x1;
	_ =	shalt  }
.Lfunc_end2:
_tile_overlayer_lowered:
.L_overlay_start_2:
0x20c: {  	(tag) =	ssettag $0x2  }
0x20d: {  	s0 =	rddreg [dreg:$0x0];
	s2 =	stileid.u32  }
0x20e: {  	s1 =	rddreg [dreg:$0x1];
	p0 =	sne.s32 s2, $0x0  }
0x20f: {  	s3 =	rddreg [dreg:$0x2];
	[bflag:$0x3] =	sbarrier.arrive $0xFFFF;
	s2 =	simm.s32 @!p0 $0x1C07  }
0x210: {  	[timem:s3], [sflag:s2] =	dma.local @!p0 [hbm:s0], s1  }
0x211: {  	s0 =	simm.s32 @!p0 $0x7  }
0x212: {  	_ =	swait.ge @!p0 [sflag:s0], s1  }
0x213: {  	s1 =	ssub.s32 @!p0 $0x0, s1;
	[sflag:s0] =	ssyncset.done @!p0 $0x0  }
0x214: {  	[sflag:s0] =	ssyncadd.s32 @!p0 s1  }
0x215: {  	[bflag:$0x3] =	sbarrier.arrive $0xFFFF  }
0x216: {  	_ =	shalt  }

</sc_bundles>
